<compile_context>
chip_gen: v7x
topology: tpu7x:2x2x1
jax: 0.10.2.dev20260603
libtpu: 0.0.44.dev20260713+nightly
codegen_flags: <defaults>
</compile_context>

<pallas_src>
import jax
import jax.numpy as jnp
from jax import lax
from jax.experimental import pallas as pl
from jax.experimental.pallas import tpu as pltpu
from jax.experimental.pallas import tpu_sc as plsc

M = 100000
D = 128
B = 16384
NC = 2
NS = 16
NW = NC * NS
RPW = B // NW
NB = 4
CH = RPW // NB
G = 8
NGC = CH // G
LW = 25
LS = M // LW
LSTEPS = LS // 16


def _body(feat_hbm, ml_hbm, bf_hbm, bl_hbm, ptr_hbm, outl_hbm,
          fb0, fb1, fb2, fb3, lab_v, bl_v, ptr_v,
          is0, is1, is2, is3, os0, os1, os2, os3, lsem0, lsem1):
    fbufs = (fb0, fb1, fb2, fb3)
    in_sems = (is0, is1, is2, is3)
    out_sems = (os0, os1, os2, os3)

    cid = lax.axis_index("c")
    sid = lax.axis_index("s")
    wid = cid * NS + sid

    base = wid * RPW
    s0 = wid * LS
    is_lab = wid < LW

    for b in range(NB):
        pltpu.make_async_copy(bf_hbm.at[pl.ds(base + b * CH, CH)],
                              fbufs[b], in_sems[b]).start()

    @pl.when(is_lab)
    def _():
        pltpu.make_async_copy(ml_hbm.at[pl.ds(s0, LS)], lab_v, lsem0).start()

    pltpu.sync_copy(ptr_hbm, ptr_v)
    p = ptr_v[...][0]

    e = p + B - M
    w1lo = jnp.maximum(s0, p)
    w1hi = jnp.minimum(s0 + LS, jnp.minimum(p + B, M))
    ne1 = w1lo < w1hi
    w2hi = jnp.minimum(s0 + LS, e)
    ne2 = s0 < w2hi
    ne_any = jnp.logical_or(ne1, ne2)
    lo = jnp.where(ne2, s0, jnp.where(ne1, w1lo, s0 + LS))
    hi = jnp.maximum(jnp.where(ne1, w1hi, s0), jnp.where(ne2, w2hi, s0))
    step_lo = (lo - s0) // 16
    step_hi = jnp.maximum((hi - s0 + 15) // 16, step_lo)

    @pl.when(jnp.logical_and(is_lab, ne_any))
    def _():
        pltpu.make_async_copy(bl_hbm, bl_v, lsem1).start()

    def dmod(x):
        t = p + x
        return jnp.where(t >= M, t - M, t)

    for b in range(NB):
        q = base + b * CH
        d = dmod(q)
        pltpu.make_async_copy(bf_hbm.at[pl.ds(0, CH)],
                              fbufs[b], in_sems[b]).wait()
        wraps = d > M - CH

        @pl.when(jnp.logical_not(wraps))
        def _():
            pltpu.make_async_copy(fbufs[b], feat_hbm.at[pl.ds(d, CH)],
                                  out_sems[b]).start()

        @pl.when(wraps)
        def _():
            def gbody(gi, carry):
                dg = dmod(q + gi * G)
                gwraps = dg > M - G

                @pl.when(jnp.logical_not(gwraps))
                def _():
                    pltpu.sync_copy(fbufs[b].at[pl.ds(gi * G, G)],
                                    feat_hbm.at[pl.ds(dg, G)])

                @pl.when(gwraps)
                def _():
                    for r in range(G):
                        dr = dmod(q + gi * G + r)
                        pltpu.sync_copy(fbufs[b].at[pl.ds(gi * G + r, 1)],
                                        feat_hbm.at[pl.ds(dr, 1)])

                return carry
            lax.fori_loop(0, NGC, gbody, 0)

    @pl.when(is_lab)
    def _():
        pltpu.make_async_copy(ml_hbm.at[pl.ds(0, LS)], lab_v, lsem0).wait()

        @pl.when(ne_any)
        def _():
            pltpu.make_async_copy(bl_hbm, bl_v, lsem1).wait()
            lanes = lax.iota(jnp.int32, 16)

            def lbody(i, carry):
                off = i * 16
                g = s0 + off + lanes
                t1 = g - p
                j = jnp.where(t1 < 0, t1 + M, t1)
                mask = j < B
                jc = jnp.where(mask, j, 0)
                gathered = plsc.load_gather(bl_v, [jc])
                cur = lab_v[pl.ds(off, 16)]
                lab_v[pl.ds(off, 16)] = jnp.where(mask, gathered, cur)
                return carry
            lax.fori_loop(step_lo, step_hi, lbody, 0)
        pltpu.sync_copy(lab_v, outl_hbm.at[pl.ds(s0, LS)])

    for b in range(NB):
        @pl.when(dmod(base + b * CH) <= M - CH)
        def _():
            pltpu.make_async_copy(fbufs[b], feat_hbm.at[pl.ds(0, CH)],
                                  out_sems[b]).wait()


_scatter = pl.kernel(
    _body,
    out_type=jax.ShapeDtypeStruct((M,), jnp.int32),
    mesh=plsc.VectorSubcoreMesh(core_axis_name="c", subcore_axis_name="s",
                                num_cores=NC, num_subcores=NS),
    compiler_params=pltpu.CompilerParams(use_tc_tiling_on_sc=False,
                                         needs_layout_passes=False),
    scratch_types=[
        pltpu.VMEM((CH, D), jnp.float32),
        pltpu.VMEM((CH, D), jnp.float32),
        pltpu.VMEM((CH, D), jnp.float32),
        pltpu.VMEM((CH, D), jnp.float32),
        pltpu.VMEM((LS,), jnp.int32),
        pltpu.VMEM((B,), jnp.int32),
        pltpu.VMEM((16,), jnp.int32),
        pltpu.SemaphoreType.DMA,
        pltpu.SemaphoreType.DMA,
        pltpu.SemaphoreType.DMA,
        pltpu.SemaphoreType.DMA,
        pltpu.SemaphoreType.DMA,
        pltpu.SemaphoreType.DMA,
        pltpu.SemaphoreType.DMA,
        pltpu.SemaphoreType.DMA,
        pltpu.SemaphoreType.DMA,
        pltpu.SemaphoreType.DMA,
    ],
)


def kernel(memory_features, memory_labels, batch_features, batch_labels, ptr):
    ptr32 = jnp.asarray(ptr, jnp.int32)
    ptr_arr = jnp.full((16,), ptr32, dtype=jnp.int32)
    feat_ref = jax.new_ref(memory_features)
    new_labels = _scatter(feat_ref, memory_labels, batch_features,
                          batch_labels, ptr_arr)
    new_features = feat_ref[...]
    new_ptr = (ptr32 + B) % M
    return new_features, new_labels, new_ptr

# --- scband reference (transcript-rebuilt; emitter-appended) ---
"""Pipeline reference for scband-cross-batch-memory-80900003987564 (READ-ONLY COPY).

The authoritative reference and input builder live on the scoring server;
editing this copy changes nothing except your own understanding.
"""

import jax, jax.numpy as jnp
import numpy as np

MEMORY_SIZE = 100000
FEATURE_DIM = 128
BATCH = 16384
NUM_CLASSES = 1000
PTR = 95000


def setup_inputs(seed: int = 0) -> dict:
    key = jax.random.key(seed)
    k1, k2, k3, k4 = jax.random.split(key, 4)
    memory_features = jax.random.normal(k1, (MEMORY_SIZE, FEATURE_DIM), dtype=jnp.float32)
    memory_labels = jax.random.randint(k2, (MEMORY_SIZE,), 0, NUM_CLASSES, dtype=jnp.int64 if jax.config.jax_enable_x64 else jnp.int32).astype(jnp.int32)
    batch_features = jax.random.normal(k3, (BATCH, FEATURE_DIM), dtype=jnp.float32)
    batch_labels = jax.random.randint(k4, (BATCH,), 0, NUM_CLASSES, dtype=jnp.int32)
    return {
        "memory_features": memory_features,
        "memory_labels": memory_labels,
        "batch_features": batch_features,
        "batch_labels": batch_labels,
        "ptr": PTR,
    }


def reference(memory_features, memory_labels, batch_features, batch_labels, ptr):
    """Cross-Batch Memory (XBM) FIFO enqueue/dequeue.

    Writes the current batch of embeddings and labels into the memory queue
    starting at position ptr, wrapping around when ptr + batch_size exceeds
    memory_size (faithful to the torch enqueue_dequeue logic which splits the
    write into a tail segment [ptr:memory_size] and a head segment from 0).
    """
    M = memory_features.shape[0]
    B = batch_features.shape[0]
    # FIFO write positions with wraparound: equivalent to
    #   memory[ptr:] = batch[:remaining]; memory[:B-remaining] = batch[remaining:]
    positions = (ptr + jnp.arange(B)) % M
    new_memory_features = memory_features.at[positions].set(batch_features)
    new_memory_labels = memory_labels.at[positions].set(batch_labels)
    new_ptr = (ptr + B) % M
    return new_memory_features, new_memory_labels, jnp.asarray(new_ptr, dtype=jnp.int32)

if __name__ == "__main__":
    import jax
    _d = setup_inputs()
    print(jax.jit(kernel)(*tuple(_d.values())))

</pallas_src>

<mosaic_0001>
#map = affine_map<(d0, d1) -> (0, 0)>
#map1 = affine_map<(d0, d1) -> (0)>
module attributes {stable_mosaic.version = 14 : i64} {
  func.func @new_body(%arg0: i32, %arg1: i32, %arg2: memref<100000x128xf32, #tpu.memory_space<hbm>>, %arg3: memref<100000xi32, #tpu.memory_space<hbm>>, %arg4: memref<16384x128xf32, #tpu.memory_space<hbm>>, %arg5: memref<16384xi32, #tpu.memory_space<hbm>>, %arg6: memref<16xi32, #tpu.memory_space<hbm>>, %arg7: memref<100000xi32, #tpu.memory_space<hbm>>, %arg8: memref<100000x128xf32, #tpu.memory_space<hbm>>, %arg9: memref<128x128xf32, #tpu.memory_space<vmem>>, %arg10: memref<128x128xf32, #tpu.memory_space<vmem>>, %arg11: memref<128x128xf32, #tpu.memory_space<vmem>>, %arg12: memref<128x128xf32, #tpu.memory_space<vmem>>, %arg13: memref<4000xi32, #tpu.memory_space<vmem>>, %arg14: memref<16384xi32, #tpu.memory_space<vmem>>, %arg15: memref<16xi32, #tpu.memory_space<vmem>>, %arg16: memref<!tpu.dma_semaphore, #tpu.memory_space<semaphore_mem>>, %arg17: memref<!tpu.dma_semaphore, #tpu.memory_space<semaphore_mem>>, %arg18: memref<!tpu.dma_semaphore, #tpu.memory_space<semaphore_mem>>, %arg19: memref<!tpu.dma_semaphore, #tpu.memory_space<semaphore_mem>>, %arg20: memref<!tpu.dma_semaphore, #tpu.memory_space<semaphore_mem>>, %arg21: memref<!tpu.dma_semaphore, #tpu.memory_space<semaphore_mem>>, %arg22: memref<!tpu.dma_semaphore, #tpu.memory_space<semaphore_mem>>, %arg23: memref<!tpu.dma_semaphore, #tpu.memory_space<semaphore_mem>>, %arg24: memref<!tpu.dma_semaphore, #tpu.memory_space<semaphore_mem>>, %arg25: memref<!tpu.dma_semaphore, #tpu.memory_space<semaphore_mem>>) attributes {dimension_semantics = [#tpu.dimension_semantics<core_parallel>, #tpu.dimension_semantics<subcore_parallel>], iteration_bounds = array<i64: 2, 16>, scalar_prefetch = 0 : i64, scratch_operands = 17 : i64, tpu.core_type = #tpu.core_type<sc_vector_subcore>, window_params = [{transform_indices = #map}, {transform_indices = #map1}, {transform_indices = #map}, {transform_indices = #map1}, {transform_indices = #map1}, {transform_indices = #map1}, {transform_indices = #map}]} {
    %mul3A = arith.constant 16 : i32
    %mul3A_0 = arith.muli %arg0, %mul3A : i32
    %add3A = arith.addi %mul3A_0, %arg1 : i32
    %mul3A_1 = arith.constant 512 : i32
    %mul3A_2 = arith.muli %add3A, %mul3A_1 : i32
    %mul3A_3 = arith.constant 4000 : i32
    %mul3A_4 = arith.muli %add3A, %mul3A_3 : i32
    %lt3A = arith.constant 25 : i32
    %lt3A_5 = arith.cmpi slt, %add3A, %lt3A : i32
    %add3A_6 = arith.constant 0 : i32
    %add3A_7 = arith.addi %mul3A_2, %add3A_6 : i32
    %dma_start3A = arith.constant 0 : i32
    %dma_start3A_8 = tpu.memref_slice %arg4[%add3A_7, %dma_start3A] : memref<16384x128xf32, #tpu.memory_space<hbm>> -> memref<128x128xf32, #tpu.memory_space<hbm>>
    %dma_start3A_9 = arith.constant 0 : i32
    %dma_start3A_10 = tpu.memref_slice %arg4[%add3A_7, %dma_start3A_9] : memref<16384x128xf32, #tpu.memory_space<hbm>> -> memref<128x128xf32, #tpu.memory_space<hbm>>
    tpu.enqueue_dma source(%dma_start3A_10 : memref<128x128xf32, #tpu.memory_space<hbm>>) target(%arg9 : memref<128x128xf32, #tpu.memory_space<vmem>>) target_semaphore(%arg16 : memref<!tpu.dma_semaphore, #tpu.memory_space<semaphore_mem>>)
    %add3A_11 = arith.constant 128 : i32
    %add3A_12 = arith.addi %mul3A_2, %add3A_11 : i32
    %dma_start3A_13 = arith.constant 0 : i32
    %dma_start3A_14 = tpu.memref_slice %arg4[%add3A_12, %dma_start3A_13] : memref<16384x128xf32, #tpu.memory_space<hbm>> -> memref<128x128xf32, #tpu.memory_space<hbm>>
    %dma_start3A_15 = arith.constant 0 : i32
    %dma_start3A_16 = tpu.memref_slice %arg4[%add3A_12, %dma_start3A_15] : memref<16384x128xf32, #tpu.memory_space<hbm>> -> memref<128x128xf32, #tpu.memory_space<hbm>>
    tpu.enqueue_dma source(%dma_start3A_16 : memref<128x128xf32, #tpu.memory_space<hbm>>) target(%arg10 : memref<128x128xf32, #tpu.memory_space<vmem>>) target_semaphore(%arg17 : memref<!tpu.dma_semaphore, #tpu.memory_space<semaphore_mem>>)
    %add3A_17 = arith.constant 256 : i32
    %add3A_18 = arith.addi %mul3A_2, %add3A_17 : i32
    %dma_start3A_19 = arith.constant 0 : i32
    %dma_start3A_20 = tpu.memref_slice %arg4[%add3A_18, %dma_start3A_19] : memref<16384x128xf32, #tpu.memory_space<hbm>> -> memref<128x128xf32, #tpu.memory_space<hbm>>
    %dma_start3A_21 = arith.constant 0 : i32
    %dma_start3A_22 = tpu.memref_slice %arg4[%add3A_18, %dma_start3A_21] : memref<16384x128xf32, #tpu.memory_space<hbm>> -> memref<128x128xf32, #tpu.memory_space<hbm>>
    tpu.enqueue_dma source(%dma_start3A_22 : memref<128x128xf32, #tpu.memory_space<hbm>>) target(%arg11 : memref<128x128xf32, #tpu.memory_space<vmem>>) target_semaphore(%arg18 : memref<!tpu.dma_semaphore, #tpu.memory_space<semaphore_mem>>)
    %add3A_23 = arith.constant 384 : i32
    %add3A_24 = arith.addi %mul3A_2, %add3A_23 : i32
    %dma_start3A_25 = arith.constant 0 : i32
    %dma_start3A_26 = tpu.memref_slice %arg4[%add3A_24, %dma_start3A_25] : memref<16384x128xf32, #tpu.memory_space<hbm>> -> memref<128x128xf32, #tpu.memory_space<hbm>>
    %dma_start3A_27 = arith.constant 0 : i32
    %dma_start3A_28 = tpu.memref_slice %arg4[%add3A_24, %dma_start3A_27] : memref<16384x128xf32, #tpu.memory_space<hbm>> -> memref<128x128xf32, #tpu.memory_space<hbm>>
    tpu.enqueue_dma source(%dma_start3A_28 : memref<128x128xf32, #tpu.memory_space<hbm>>) target(%arg12 : memref<128x128xf32, #tpu.memory_space<vmem>>) target_semaphore(%arg19 : memref<!tpu.dma_semaphore, #tpu.memory_space<semaphore_mem>>)
    %convert_element_type3A = arith.extui %lt3A_5 : i1 to i32
    %cond3A = arith.constant 0 : i32
    %cond3A_29 = arith.cmpi ne, %convert_element_type3A, %cond3A : i32
    scf.if %cond3A_29 {
      %dma_start3A_248 = tpu.memref_slice %arg3[%mul3A_4] : memref<100000xi32, #tpu.memory_space<hbm>> -> memref<4000xi32, #tpu.memory_space<hbm>>
      %dma_start3A_249 = tpu.memref_slice %arg3[%mul3A_4] : memref<100000xi32, #tpu.memory_space<hbm>> -> memref<4000xi32, #tpu.memory_space<hbm>>
      tpu.enqueue_dma source(%dma_start3A_249 : memref<4000xi32, #tpu.memory_space<hbm>>) target(%arg13 : memref<4000xi32, #tpu.memory_space<vmem>>) target_semaphore(%arg24 : memref<!tpu.dma_semaphore, #tpu.memory_space<semaphore_mem>>)
    } else {
    }
    "tpu.region"() ({
      %run_scoped3A = tpu.sem_alloc : memref<!tpu.dma_semaphore, #tpu.memory_space<semaphore_mem>>
      tpu.enqueue_dma source(%arg6 : memref<16xi32, #tpu.memory_space<hbm>>) target(%arg15 : memref<16xi32, #tpu.memory_space<vmem>>) target_semaphore(%run_scoped3A : memref<!tpu.dma_semaphore, #tpu.memory_space<semaphore_mem>>)
      tpu.wait_dma2 semaphore(%run_scoped3A : memref<!tpu.dma_semaphore, #tpu.memory_space<semaphore_mem>>) src(%arg6 : memref<16xi32, #tpu.memory_space<hbm>>) dst(%arg15 : memref<16xi32, #tpu.memory_space<vmem>>)
      tpu.yield
    }) : () -> ()
    %get3A = arith.constant 0 : index
    %get3A_30 = tpu.vector_load %arg15[%get3A] {strides = array<i32>} : memref<16xi32, #tpu.memory_space<vmem>>, vector<16xi32>,
    %slice3A = vector.extract_strided_slice %get3A_30 {offsets = [0], sizes = [1], strides = [1]} : vector<16xi32> to vector<1xi32>
    %squeeze3A = vector.extract %slice3A[0] : i32 from vector<1xi32>
    %add3A_31 = arith.constant 16384 : i32
    %add3A_32 = arith.addi %squeeze3A, %add3A_31 : i32
    %sub3A = arith.constant 100000 : i32
    %sub3A_33 = arith.subi %add3A_32, %sub3A : i32
    %max3A = arith.maxsi %mul3A_4, %squeeze3A : i32
    %add3A_34 = arith.constant 4000 : i32
    %add3A_35 = arith.addi %mul3A_4, %add3A_34 : i32
    %add3A_36 = arith.constant 16384 : i32
    %add3A_37 = arith.addi %squeeze3A, %add3A_36 : i32
    %min3A = arith.constant 100000 : i32
    %min3A_38 = arith.minsi %add3A_37, %min3A : i32
    %min3A_39 = arith.minsi %add3A_35, %min3A_38 : i32
    %lt3A_40 = arith.cmpi slt, %max3A, %min3A_39 : i32
    %add3A_41 = arith.constant 4000 : i32
    %add3A_42 = arith.addi %mul3A_4, %add3A_41 : i32
    %min3A_43 = arith.minsi %add3A_42, %sub3A_33 : i32
    %lt3A_44 = arith.cmpi slt, %mul3A_4, %min3A_43 : i32
    %or3A = arith.ori %lt3A_40, %lt3A_44 : i1
    %add3A_45 = arith.constant 4000 : i32
    %add3A_46 = arith.addi %mul3A_4, %add3A_45 : i32
    %select_n3A = arith.select %lt3A_40, %max3A, %add3A_46 : i32
    %select_n3A_47 = arith.select %lt3A_44, %mul3A_4, %select_n3A : i32
    %select_n3A_48 = arith.select %lt3A_40, %min3A_39, %mul3A_4 : i32
    %select_n3A_49 = arith.select %lt3A_44, %min3A_43, %mul3A_4 : i32
    %max3A_50 = arith.maxsi %select_n3A_48, %select_n3A_49 : i32
    %sub3A_51 = arith.subi %select_n3A_47, %mul3A_4 : i32
    %jit3A = arith.constant 16 : i32
    %div3A = arith.divsi %sub3A_51, %jit3A : i32
    %sign3A = arith.constant 0 : i32
    %sign3A_52 = arith.cmpi sgt, %sub3A_51, %sign3A : i32
    %sign3A_53 = arith.extui %sign3A_52 : i1 to i32
    %sign3A_54 = arith.constant 0 : i32
    %sign3A_55 = arith.cmpi slt, %sub3A_51, %sign3A_54 : i32
    %sign3A_56 = arith.extui %sign3A_55 : i1 to i32
    %sign3A_57 = arith.subi %sign3A_53, %sign3A_56 : i32
    %sign3A_58 = arith.constant 0 : i32
    %sign3A_59 = arith.cmpi sgt, %jit3A, %sign3A_58 : i32
    %sign3A_60 = arith.extui %sign3A_59 : i1 to i32
    %sign3A_61 = arith.constant 0 : i32
    %sign3A_62 = arith.cmpi slt, %jit3A, %sign3A_61 : i32
    %sign3A_63 = arith.extui %sign3A_62 : i1 to i32
    %sign3A_64 = arith.subi %sign3A_60, %sign3A_63 : i32
    %ne3A = arith.cmpi ne, %sign3A_57, %sign3A_64 : i32
    %rem3A = arith.remsi %sub3A_51, %jit3A : i32
    %ne3A_65 = arith.constant 0 : i32
    %ne3A_66 = arith.cmpi ne, %rem3A, %ne3A_65 : i32
    %and3A = arith.andi %ne3A, %ne3A_66 : i1
    %sub3A_67 = arith.constant 1 : i32
    %sub3A_68 = arith.subi %div3A, %sub3A_67 : i32
    %select_n3A_69 = arith.select %and3A, %sub3A_68, %div3A : i32
    %sub3A_70 = arith.subi %max3A_50, %mul3A_4 : i32
    %add3A_71 = arith.constant 15 : i32
    %add3A_72 = arith.addi %sub3A_70, %add3A_71 : i32
    %jit3A_73 = arith.constant 16 : i32
    %div3A_74 = arith.divsi %add3A_72, %jit3A_73 : i32
    %sign3A_75 = arith.constant 0 : i32
    %sign3A_76 = arith.cmpi sgt, %add3A_72, %sign3A_75 : i32
    %sign3A_77 = arith.extui %sign3A_76 : i1 to i32
    %sign3A_78 = arith.constant 0 : i32
    %sign3A_79 = arith.cmpi slt, %add3A_72, %sign3A_78 : i32
    %sign3A_80 = arith.extui %sign3A_79 : i1 to i32
    %sign3A_81 = arith.subi %sign3A_77, %sign3A_80 : i32
    %sign3A_82 = arith.constant 0 : i32
    %sign3A_83 = arith.cmpi sgt, %jit3A_73, %sign3A_82 : i32
    %sign3A_84 = arith.extui %sign3A_83 : i1 to i32
    %sign3A_85 = arith.constant 0 : i32
    %sign3A_86 = arith.cmpi slt, %jit3A_73, %sign3A_85 : i32
    %sign3A_87 = arith.extui %sign3A_86 : i1 to i32
    %sign3A_88 = arith.subi %sign3A_84, %sign3A_87 : i32
    %ne3A_89 = arith.cmpi ne, %sign3A_81, %sign3A_88 : i32
    %rem3A_90 = arith.remsi %add3A_72, %jit3A_73 : i32
    %ne3A_91 = arith.constant 0 : i32
    %ne3A_92 = arith.cmpi ne, %rem3A_90, %ne3A_91 : i32
    %and3A_93 = arith.andi %ne3A_89, %ne3A_92 : i1
    %sub3A_94 = arith.constant 1 : i32
    %sub3A_95 = arith.subi %div3A_74, %sub3A_94 : i32
    %select_n3A_96 = arith.select %and3A_93, %sub3A_95, %div3A_74 : i32
    %max3A_97 = arith.maxsi %select_n3A_96, %select_n3A_69 : i32
    %and3A_98 = arith.andi %lt3A_5, %or3A : i1
    %convert_element_type3A_99 = arith.extui %and3A_98 : i1 to i32
    %cond3A_100 = arith.constant 0 : i32
    %cond3A_101 = arith.cmpi ne, %convert_element_type3A_99, %cond3A_100 : i32
    scf.if %cond3A_101 {
      tpu.enqueue_dma source(%arg5 : memref<16384xi32, #tpu.memory_space<hbm>>) target(%arg14 : memref<16384xi32, #tpu.memory_space<vmem>>) target_semaphore(%arg25 : memref<!tpu.dma_semaphore, #tpu.memory_space<semaphore_mem>>)
    } else {
    }
    %add3A_102 = arith.constant 0 : i32
    %add3A_103 = arith.addi %mul3A_2, %add3A_102 : i32
    %add3A_104 = arith.addi %squeeze3A, %add3A_103 : i32
    %ge3A = arith.constant 100000 : i32
    %ge3A_105 = arith.cmpi sge, %add3A_104, %ge3A : i32
    %sub3A_106 = arith.constant 100000 : i32
    %sub3A_107 = arith.subi %add3A_104, %sub3A_106 : i32
    %select_n3A_108 = arith.select %ge3A_105, %sub3A_107, %add3A_104 : i32
    %dma_wait3A = arith.constant 0 : i32
    %dma_wait3A_109 = arith.constant 0 : i32
    %dma_wait3A_110 = tpu.memref_slice %arg4[%dma_wait3A, %dma_wait3A_109] : memref<16384x128xf32, #tpu.memory_space<hbm>> -> memref<128x128xf32, #tpu.memory_space<hbm>>
    %dma_wait3A_111 = arith.constant 0 : i32
    %dma_wait3A_112 = arith.constant 0 : i32
    %dma_wait3A_113 = tpu.memref_slice %arg4[%dma_wait3A_111, %dma_wait3A_112] : memref<16384x128xf32, #tpu.memory_space<hbm>> -> memref<128x128xf32, #tpu.memory_space<hbm>>
    tpu.wait_dma2 semaphore(%arg16 : memref<!tpu.dma_semaphore, #tpu.memory_space<semaphore_mem>>) src(%dma_wait3A_113 : memref<128x128xf32, #tpu.memory_space<hbm>>) dst(%arg9 : memref<128x128xf32, #tpu.memory_space<vmem>>)
    %gt3A = arith.constant 99872 : i32
    %gt3A_114 = arith.cmpi sgt, %select_n3A_108, %gt3A : i32
    %not3A = arith.constant true
    %not3A_115 = arith.xori %gt3A_114, %not3A : i1
    %convert_element_type3A_116 = arith.extui %not3A_115 : i1 to i32
    %cond3A_117 = arith.constant 0 : i32
    %cond3A_118 = arith.cmpi ne, %convert_element_type3A_116, %cond3A_117 : i32
    scf.if %cond3A_118 {
      %dma_start3A_248 = arith.constant 0 : i32
      %dma_start3A_249 = tpu.memref_slice %arg2[%select_n3A_108, %dma_start3A_248] : memref<100000x128xf32, #tpu.memory_space<hbm>> -> memref<128x128xf32, #tpu.memory_space<hbm>>
      %dma_start3A_250 = arith.constant 0 : i32
      %dma_start3A_251 = tpu.memref_slice %arg2[%select_n3A_108, %dma_start3A_250] : memref<100000x128xf32, #tpu.memory_space<hbm>> -> memref<128x128xf32, #tpu.memory_space<hbm>>
      tpu.enqueue_dma source(%arg9 : memref<128x128xf32, #tpu.memory_space<vmem>>) target(%dma_start3A_251 : memref<128x128xf32, #tpu.memory_space<hbm>>) target_semaphore(%arg20 : memref<!tpu.dma_semaphore, #tpu.memory_space<semaphore_mem>>)
    } else {
    }
    %convert_element_type3A_119 = arith.extui %gt3A_114 : i1 to i32
    %cond3A_120 = arith.constant 0 : i32
    %cond3A_121 = arith.cmpi ne, %convert_element_type3A_119, %cond3A_120 : i32
    scf.if %cond3A_121 {
      %scan3A = arith.constant 0 : i32
      %scan3A_248 = arith.constant 0 : i32
      %scan3A_249 = arith.constant 16 : i32
      %scan3A_250 = arith.addi %scan3A_248, %scan3A_249 : i32
      %scan3A_251 = arith.constant 1 : i32
      scf.for %scan3A_253 = %scan3A_248 to %scan3A_250 step %scan3A_251  : i32 {
        %mul3A_254 = arith.constant 8 : i32
        %mul3A_255 = arith.muli %scan3A_253, %mul3A_254 : i32
        %add3A_256 = arith.addi %add3A_103, %mul3A_255 : i32
        %add3A_257 = arith.addi %squeeze3A, %add3A_256 : i32
        %ge3A_258 = arith.constant 100000 : i32
        %ge3A_259 = arith.cmpi sge, %add3A_257, %ge3A_258 : i32
        %sub3A_260 = arith.constant 100000 : i32
        %sub3A_261 = arith.subi %add3A_257, %sub3A_260 : i32
        %select_n3A_262 = arith.select %ge3A_259, %sub3A_261, %add3A_257 : i32
        %gt3A_263 = arith.constant 99992 : i32
        %gt3A_264 = arith.cmpi sgt, %select_n3A_262, %gt3A_263 : i32
        %not3A_265 = arith.constant true
        %not3A_266 = arith.xori %gt3A_264, %not3A_265 : i1
        %convert_element_type3A_267 = arith.extui %not3A_266 : i1 to i32
        %cond3A_268 = arith.constant 0 : i32
        %cond3A_269 = arith.cmpi ne, %convert_element_type3A_267, %cond3A_268 : i32
        scf.if %cond3A_269 {
          %mul3A_273 = arith.constant 8 : i32
          %mul3A_274 = arith.muli %scan3A_253, %mul3A_273 : i32
          "tpu.region"() ({
            %run_scoped3A = tpu.sem_alloc : memref<!tpu.dma_semaphore, #tpu.memory_space<semaphore_mem>>
            %dma_start3A_275 = arith.constant 0 : i32
            %dma_start3A_276 = tpu.memref_slice %arg9[%mul3A_274, %dma_start3A_275] : memref<128x128xf32, #tpu.memory_space<vmem>> -> memref<8x128xf32, #tpu.memory_space<vmem>>
            %dma_start3A_277 = arith.constant 0 : i32
            %dma_start3A_278 = tpu.memref_slice %arg2[%select_n3A_262, %dma_start3A_277] : memref<100000x128xf32, #tpu.memory_space<hbm>> -> memref<8x128xf32, #tpu.memory_space<hbm>>
            %dma_start3A_279 = arith.constant 0 : i32
            %dma_start3A_280 = tpu.memref_slice %arg2[%select_n3A_262, %dma_start3A_279] : memref<100000x128xf32, #tpu.memory_space<hbm>> -> memref<8x128xf32, #tpu.memory_space<hbm>>
            %dma_start3A_281 = arith.constant 0 : i32
            %dma_start3A_282 = tpu.memref_slice %arg9[%mul3A_274, %dma_start3A_281] : memref<128x128xf32, #tpu.memory_space<vmem>> -> memref<8x128xf32, #tpu.memory_space<vmem>>
            tpu.enqueue_dma source(%dma_start3A_282 : memref<8x128xf32, #tpu.memory_space<vmem>>) target(%dma_start3A_280 : memref<8x128xf32, #tpu.memory_space<hbm>>) target_semaphore(%run_scoped3A : memref<!tpu.dma_semaphore, #tpu.memory_space<semaphore_mem>>)
            %dma_wait3A_283 = arith.constant 0 : i32
            %dma_wait3A_284 = tpu.memref_slice %arg9[%mul3A_274, %dma_wait3A_283] : memref<128x128xf32, #tpu.memory_space<vmem>> -> memref<8x128xf32, #tpu.memory_space<vmem>>
            %dma_wait3A_285 = arith.constant 0 : i32
            %dma_wait3A_286 = tpu.memref_slice %arg2[%select_n3A_262, %dma_wait3A_285] : memref<100000x128xf32, #tpu.memory_space<hbm>> -> memref<8x128xf32, #tpu.memory_space<hbm>>
            %dma_wait3A_287 = arith.constant 0 : i32
            %dma_wait3A_288 = tpu.memref_slice %arg2[%select_n3A_262, %dma_wait3A_287] : memref<100000x128xf32, #tpu.memory_space<hbm>> -> memref<8x128xf32, #tpu.memory_space<hbm>>
            %dma_wait3A_289 = arith.constant 0 : i32
            %dma_wait3A_290 = tpu.memref_slice %arg9[%mul3A_274, %dma_wait3A_289] : memref<128x128xf32, #tpu.memory_space<vmem>> -> memref<8x128xf32, #tpu.memory_space<vmem>>
            tpu.wait_dma2 semaphore(%run_scoped3A : memref<!tpu.dma_semaphore, #tpu.memory_space<semaphore_mem>>) src(%dma_wait3A_290 : memref<8x128xf32, #tpu.memory_space<vmem>>) dst(%dma_wait3A_288 : memref<8x128xf32, #tpu.memory_space<hbm>>)
            tpu.yield
          }) : () -> ()
        } else {
        }
        %convert_element_type3A_270 = arith.extui %gt3A_264 : i1 to i32
        %cond3A_271 = arith.constant 0 : i32
        %cond3A_272 = arith.cmpi ne, %convert_element_type3A_270, %cond3A_271 : i32
        scf.if %cond3A_272 {
          %mul3A_273 = arith.constant 8 : i32
          %mul3A_274 = arith.muli %scan3A_253, %mul3A_273 : i32
          %add3A_275 = arith.addi %add3A_103, %mul3A_274 : i32
          %add3A_276 = arith.constant 0 : i32
          %add3A_277 = arith.addi %add3A_275, %add3A_276 : i32
          %add3A_278 = arith.addi %squeeze3A, %add3A_277 : i32
          %ge3A_279 = arith.constant 100000 : i32
          %ge3A_280 = arith.cmpi sge, %add3A_278, %ge3A_279 : i32
          %sub3A_281 = arith.constant 100000 : i32
          %sub3A_282 = arith.subi %add3A_278, %sub3A_281 : i32
          %select_n3A_283 = arith.select %ge3A_280, %sub3A_282, %add3A_278 : i32
          %mul3A_284 = arith.constant 8 : i32
          %mul3A_285 = arith.muli %scan3A_253, %mul3A_284 : i32
          %add3A_286 = arith.constant 0 : i32
          %add3A_287 = arith.addi %mul3A_285, %add3A_286 : i32
          "tpu.region"() ({
            %run_scoped3A = tpu.sem_alloc : memref<!tpu.dma_semaphore, #tpu.memory_space<semaphore_mem>>
            %dma_start3A_393 = arith.constant 0 : i32
            %dma_start3A_394 = tpu.memref_slice %arg9[%add3A_287, %dma_start3A_393] : memref<128x128xf32, #tpu.memory_space<vmem>> -> memref<1x128xf32, #tpu.memory_space<vmem>>
            %dma_start3A_395 = arith.constant 0 : i32
            %dma_start3A_396 = tpu.memref_slice %arg2[%select_n3A_283, %dma_start3A_395] : memref<100000x128xf32, #tpu.memory_space<hbm>> -> memref<1x128xf32, #tpu.memory_space<hbm>>
            %dma_start3A_397 = arith.constant 0 : i32
            %dma_start3A_398 = tpu.memref_slice %arg2[%select_n3A_283, %dma_start3A_397] : memref<100000x128xf32, #tpu.memory_space<hbm>> -> memref<1x128xf32, #tpu.memory_space<hbm>>
            %dma_start3A_399 = arith.constant 0 : i32
            %dma_start3A_400 = tpu.memref_slice %arg9[%add3A_287, %dma_start3A_399] : memref<128x128xf32, #tpu.memory_space<vmem>> -> memref<1x128xf32, #tpu.memory_space<vmem>>
            tpu.enqueue_dma source(%dma_start3A_400 : memref<1x128xf32, #tpu.memory_space<vmem>>) target(%dma_start3A_398 : memref<1x128xf32, #tpu.memory_space<hbm>>) target_semaphore(%run_scoped3A : memref<!tpu.dma_semaphore, #tpu.memory_space<semaphore_mem>>)
            %dma_wait3A_401 = arith.constant 0 : i32
            %dma_wait3A_402 = tpu.memref_slice %arg9[%add3A_287, %dma_wait3A_401] : memref<128x128xf32, #tpu.memory_space<vmem>> -> memref<1x128xf32, #tpu.memory_space<vmem>>
            %dma_wait3A_403 = arith.constant 0 : i32
            %dma_wait3A_404 = tpu.memref_slice %arg2[%select_n3A_283, %dma_wait3A_403] : memref<100000x128xf32, #tpu.memory_space<hbm>> -> memref<1x128xf32, #tpu.memory_space<hbm>>
            %dma_wait3A_405 = arith.constant 0 : i32
            %dma_wait3A_406 = tpu.memref_slice %arg2[%select_n3A_283, %dma_wait3A_405] : memref<100000x128xf32, #tpu.memory_space<hbm>> -> memref<1x128xf32, #tpu.memory_space<hbm>>
            %dma_wait3A_407 = arith.constant 0 : i32
            %dma_wait3A_408 = tpu.memref_slice %arg9[%add3A_287, %dma_wait3A_407] : memref<128x128xf32, #tpu.memory_space<vmem>> -> memref<1x128xf32, #tpu.memory_space<vmem>>
            tpu.wait_dma2 semaphore(%run_scoped3A : memref<!tpu.dma_semaphore, #tpu.memory_space<semaphore_mem>>) src(%dma_wait3A_408 : memref<1x128xf32, #tpu.memory_space<vmem>>) dst(%dma_wait3A_406 : memref<1x128xf32, #tpu.memory_space<hbm>>)
            tpu.yield
          }) : () -> ()
          %mul3A_288 = arith.constant 8 : i32
          %mul3A_289 = arith.muli %scan3A_253, %mul3A_288 : i32
          %add3A_290 = arith.addi %add3A_103, %mul3A_289 : i32
          %add3A_291 = arith.constant 1 : i32
          %add3A_292 = arith.addi %add3A_290, %add3A_291 : i32
          %add3A_293 = arith.addi %squeeze3A, %add3A_292 : i32
          %ge3A_294 = arith.constant 100000 : i32
          %ge3A_295 = arith.cmpi sge, %add3A_293, %ge3A_294 : i32
          %sub3A_296 = arith.constant 100000 : i32
          %sub3A_297 = arith.subi %add3A_293, %sub3A_296 : i32
          %select_n3A_298 = arith.select %ge3A_295, %sub3A_297, %add3A_293 : i32
          %mul3A_299 = arith.constant 8 : i32
          %mul3A_300 = arith.muli %scan3A_253, %mul3A_299 : i32
          %add3A_301 = arith.constant 1 : i32
          %add3A_302 = arith.addi %mul3A_300, %add3A_301 : i32
          "tpu.region"() ({
            %run_scoped3A = tpu.sem_alloc : memref<!tpu.dma_semaphore, #tpu.memory_space<semaphore_mem>>
            %dma_start3A_393 = arith.constant 0 : i32
            %dma_start3A_394 = tpu.memref_slice %arg9[%add3A_302, %dma_start3A_393] : memref<128x128xf32, #tpu.memory_space<vmem>> -> memref<1x128xf32, #tpu.memory_space<vmem>>
            %dma_start3A_395 = arith.constant 0 : i32
            %dma_start3A_396 = tpu.memref_slice %arg2[%select_n3A_298, %dma_start3A_395] : memref<100000x128xf32, #tpu.memory_space<hbm>> -> memref<1x128xf32, #tpu.memory_space<hbm>>
            %dma_start3A_397 = arith.constant 0 : i32
            %dma_start3A_398 = tpu.memref_slice %arg2[%select_n3A_298, %dma_start3A_397] : memref<100000x128xf32, #tpu.memory_space<hbm>> -> memref<1x128xf32, #tpu.memory_space<hbm>>
            %dma_start3A_399 = arith.constant 0 : i32
            %dma_start3A_400 = tpu.memref_slice %arg9[%add3A_302, %dma_start3A_399] : memref<128x128xf32, #tpu.memory_space<vmem>> -> memref<1x128xf32, #tpu.memory_space<vmem>>
            tpu.enqueue_dma source(%dma_start3A_400 : memref<1x128xf32, #tpu.memory_space<vmem>>) target(%dma_start3A_398 : memref<1x128xf32, #tpu.memory_space<hbm>>) target_semaphore(%run_scoped3A : memref<!tpu.dma_semaphore, #tpu.memory_space<semaphore_mem>>)
            %dma_wait3A_401 = arith.constant 0 : i32
            %dma_wait3A_402 = tpu.memref_slice %arg9[%add3A_302, %dma_wait3A_401] : memref<128x128xf32, #tpu.memory_space<vmem>> -> memref<1x128xf32, #tpu.memory_space<vmem>>
            %dma_wait3A_403 = arith.constant 0 : i32
            %dma_wait3A_404 = tpu.memref_slice %arg2[%select_n3A_298, %dma_wait3A_403] : memref<100000x128xf32, #tpu.memory_space<hbm>> -> memref<1x128xf32, #tpu.memory_space<hbm>>
            %dma_wait3A_405 = arith.constant 0 : i32
            %dma_wait3A_406 = tpu.memref_slice %arg2[%select_n3A_298, %dma_wait3A_405] : memref<100000x128xf32, #tpu.memory_space<hbm>> -> memref<1x128xf32, #tpu.memory_space<hbm>>
            %dma_wait3A_407 = arith.constant 0 : i32
            %dma_wait3A_408 = tpu.memref_slice %arg9[%add3A_302, %dma_wait3A_407] : memref<128x128xf32, #tpu.memory_space<vmem>> -> memref<1x128xf32, #tpu.memory_space<vmem>>
            tpu.wait_dma2 semaphore(%run_scoped3A : memref<!tpu.dma_semaphore, #tpu.memory_space<semaphore_mem>>) src(%dma_wait3A_408 : memref<1x128xf32, #tpu.memory_space<vmem>>) dst(%dma_wait3A_406 : memref<1x128xf32, #tpu.memory_space<hbm>>)
            tpu.yield
          }) : () -> ()
          %mul3A_303 = arith.constant 8 : i32
          %mul3A_304 = arith.muli %scan3A_253, %mul3A_303 : i32
          %add3A_305 = arith.addi %add3A_103, %mul3A_304 : i32
          %add3A_306 = arith.constant 2 : i32
          %add3A_307 = arith.addi %add3A_305, %add3A_306 : i32
          %add3A_308 = arith.addi %squeeze3A, %add3A_307 : i32
          %ge3A_309 = arith.constant 100000 : i32
          %ge3A_310 = arith.cmpi sge, %add3A_308, %ge3A_309 : i32
          %sub3A_311 = arith.constant 100000 : i32
          %sub3A_312 = arith.subi %add3A_308, %sub3A_311 : i32
          %select_n3A_313 = arith.select %ge3A_310, %sub3A_312, %add3A_308 : i32
          %mul3A_314 = arith.constant 8 : i32
          %mul3A_315 = arith.muli %scan3A_253, %mul3A_314 : i32
          %add3A_316 = arith.constant 2 : i32
          %add3A_317 = arith.addi %mul3A_315, %add3A_316 : i32
          "tpu.region"() ({
            %run_scoped3A = tpu.sem_alloc : memref<!tpu.dma_semaphore, #tpu.memory_space<semaphore_mem>>
            %dma_start3A_393 = arith.constant 0 : i32
            %dma_start3A_394 = tpu.memref_slice %arg9[%add3A_317, %dma_start3A_393] : memref<128x128xf32, #tpu.memory_space<vmem>> -> memref<1x128xf32, #tpu.memory_space<vmem>>
            %dma_start3A_395 = arith.constant 0 : i32
            %dma_start3A_396 = tpu.memref_slice %arg2[%select_n3A_313, %dma_start3A_395] : memref<100000x128xf32, #tpu.memory_space<hbm>> -> memref<1x128xf32, #tpu.memory_space<hbm>>
            %dma_start3A_397 = arith.constant 0 : i32
            %dma_start3A_398 = tpu.memref_slice %arg2[%select_n3A_313, %dma_start3A_397] : memref<100000x128xf32, #tpu.memory_space<hbm>> -> memref<1x128xf32, #tpu.memory_space<hbm>>
            %dma_start3A_399 = arith.constant 0 : i32
            %dma_start3A_400 = tpu.memref_slice %arg9[%add3A_317, %dma_start3A_399] : memref<128x128xf32, #tpu.memory_space<vmem>> -> memref<1x128xf32, #tpu.memory_space<vmem>>
            tpu.enqueue_dma source(%dma_start3A_400 : memref<1x128xf32, #tpu.memory_space<vmem>>) target(%dma_start3A_398 : memref<1x128xf32, #tpu.memory_space<hbm>>) target_semaphore(%run_scoped3A : memref<!tpu.dma_semaphore, #tpu.memory_space<semaphore_mem>>)
            %dma_wait3A_401 = arith.constant 0 : i32
            %dma_wait3A_402 = tpu.memref_slice %arg9[%add3A_317, %dma_wait3A_401] : memref<128x128xf32, #tpu.memory_space<vmem>> -> memref<1x128xf32, #tpu.memory_space<vmem>>
            %dma_wait3A_403 = arith.constant 0 : i32
            %dma_wait3A_404 = tpu.memref_slice %arg2[%select_n3A_313, %dma_wait3A_403] : memref<100000x128xf32, #tpu.memory_space<hbm>> -> memref<1x128xf32, #tpu.memory_space<hbm>>
            %dma_wait3A_405 = arith.constant 0 : i32
            %dma_wait3A_406 = tpu.memref_slice %arg2[%select_n3A_313, %dma_wait3A_405] : memref<100000x128xf32, #tpu.memory_space<hbm>> -> memref<1x128xf32, #tpu.memory_space<hbm>>
            %dma_wait3A_407 = arith.constant 0 : i32
            %dma_wait3A_408 = tpu.memref_slice %arg9[%add3A_317, %dma_wait3A_407] : memref<128x128xf32, #tpu.memory_space<vmem>> -> memref<1x128xf32, #tpu.memory_space<vmem>>
            tpu.wait_dma2 semaphore(%run_scoped3A : memref<!tpu.dma_semaphore, #tpu.memory_space<semaphore_mem>>) src(%dma_wait3A_408 : memref<1x128xf32, #tpu.memory_space<vmem>>) dst(%dma_wait3A_406 : memref<1x128xf32, #tpu.memory_space<hbm>>)
            tpu.yield
          }) : () -> ()
          %mul3A_318 = arith.constant 8 : i32
          %mul3A_319 = arith.muli %scan3A_253, %mul3A_318 : i32
          %add3A_320 = arith.addi %add3A_103, %mul3A_319 : i32
          %add3A_321 = arith.constant 3 : i32
          %add3A_322 = arith.addi %add3A_320, %add3A_321 : i32
          %add3A_323 = arith.addi %squeeze3A, %add3A_322 : i32
          %ge3A_324 = arith.constant 100000 : i32
          %ge3A_325 = arith.cmpi sge, %add3A_323, %ge3A_324 : i32
          %sub3A_326 = arith.constant 100000 : i32
          %sub3A_327 = arith.subi %add3A_323, %sub3A_326 : i32
          %select_n3A_328 = arith.select %ge3A_325, %sub3A_327, %add3A_323 : i32
          %mul3A_329 = arith.constant 8 : i32
          %mul3A_330 = arith.muli %scan3A_253, %mul3A_329 : i32
          %add3A_331 = arith.constant 3 : i32
          %add3A_332 = arith.addi %mul3A_330, %add3A_331 : i32
          "tpu.region"() ({
            %run_scoped3A = tpu.sem_alloc : memref<!tpu.dma_semaphore, #tpu.memory_space<semaphore_mem>>
            %dma_start3A_393 = arith.constant 0 : i32
            %dma_start3A_394 = tpu.memref_slice %arg9[%add3A_332, %dma_start3A_393] : memref<128x128xf32, #tpu.memory_space<vmem>> -> memref<1x128xf32, #tpu.memory_space<vmem>>
            %dma_start3A_395 = arith.constant 0 : i32
            %dma_start3A_396 = tpu.memref_slice %arg2[%select_n3A_328, %dma_start3A_395] : memref<100000x128xf32, #tpu.memory_space<hbm>> -> memref<1x128xf32, #tpu.memory_space<hbm>>
            %dma_start3A_397 = arith.constant 0 : i32
            %dma_start3A_398 = tpu.memref_slice %arg2[%select_n3A_328, %dma_start3A_397] : memref<100000x128xf32, #tpu.memory_space<hbm>> -> memref<1x128xf32, #tpu.memory_space<hbm>>
            %dma_start3A_399 = arith.constant 0 : i32
            %dma_start3A_400 = tpu.memref_slice %arg9[%add3A_332, %dma_start3A_399] : memref<128x128xf32, #tpu.memory_space<vmem>> -> memref<1x128xf32, #tpu.memory_space<vmem>>
            tpu.enqueue_dma source(%dma_start3A_400 : memref<1x128xf32, #tpu.memory_space<vmem>>) target(%dma_start3A_398 : memref<1x128xf32, #tpu.memory_space<hbm>>) target_semaphore(%run_scoped3A : memref<!tpu.dma_semaphore, #tpu.memory_space<semaphore_mem>>)
            %dma_wait3A_401 = arith.constant 0 : i32
            %dma_wait3A_402 = tpu.memref_slice %arg9[%add3A_332, %dma_wait3A_401] : memref<128x128xf32, #tpu.memory_space<vmem>> -> memref<1x128xf32, #tpu.memory_space<vmem>>
            %dma_wait3A_403 = arith.constant 0 : i32
            %dma_wait3A_404 = tpu.memref_slice %arg2[%select_n3A_328, %dma_wait3A_403] : memref<100000x128xf32, #tpu.memory_space<hbm>> -> memref<1x128xf32, #tpu.memory_space<hbm>>
            %dma_wait3A_405 = arith.constant 0 : i32
            %dma_wait3A_406 = tpu.memref_slice %arg2[%select_n3A_328, %dma_wait3A_405] : memref<100000x128xf32, #tpu.memory_space<hbm>> -> memref<1x128xf32, #tpu.memory_space<hbm>>
            %dma_wait3A_407 = arith.constant 0 : i32
            %dma_wait3A_408 = tpu.memref_slice %arg9[%add3A_332, %dma_wait3A_407] : memref<128x128xf32, #tpu.memory_space<vmem>> -> memref<1x128xf32, #tpu.memory_space<vmem>>
            tpu.wait_dma2 semaphore(%run_scoped3A : memref<!tpu.dma_semaphore, #tpu.memory_space<semaphore_mem>>) src(%dma_wait3A_408 : memref<1x128xf32, #tpu.memory_space<vmem>>) dst(%dma_wait3A_406 : memref<1x128xf32, #tpu.memory_space<hbm>>)
            tpu.yield
          }) : () -> ()
          %mul3A_333 = arith.constant 8 : i32
          %mul3A_334 = arith.muli %scan3A_253, %mul3A_333 : i32
          %add3A_335 = arith.addi %add3A_103, %mul3A_334 : i32
          %add3A_336 = arith.constant 4 : i32
          %add3A_337 = arith.addi %add3A_335, %add3A_336 : i32
          %add3A_338 = arith.addi %squeeze3A, %add3A_337 : i32
          %ge3A_339 = arith.constant 100000 : i32
          %ge3A_340 = arith.cmpi sge, %add3A_338, %ge3A_339 : i32
          %sub3A_341 = arith.constant 100000 : i32
          %sub3A_342 = arith.subi %add3A_338, %sub3A_341 : i32
          %select_n3A_343 = arith.select %ge3A_340, %sub3A_342, %add3A_338 : i32
          %mul3A_344 = arith.constant 8 : i32
          %mul3A_345 = arith.muli %scan3A_253, %mul3A_344 : i32
          %add3A_346 = arith.constant 4 : i32
          %add3A_347 = arith.addi %mul3A_345, %add3A_346 : i32
          "tpu.region"() ({
            %run_scoped3A = tpu.sem_alloc : memref<!tpu.dma_semaphore, #tpu.memory_space<semaphore_mem>>
            %dma_start3A_393 = arith.constant 0 : i32
            %dma_start3A_394 = tpu.memref_slice %arg9[%add3A_347, %dma_start3A_393] : memref<128x128xf32, #tpu.memory_space<vmem>> -> memref<1x128xf32, #tpu.memory_space<vmem>>
            %dma_start3A_395 = arith.constant 0 : i32
            %dma_start3A_396 = tpu.memref_slice %arg2[%select_n3A_343, %dma_start3A_395] : memref<100000x128xf32, #tpu.memory_space<hbm>> -> memref<1x128xf32, #tpu.memory_space<hbm>>
            %dma_start3A_397 = arith.constant 0 : i32
            %dma_start3A_398 = tpu.memref_slice %arg2[%select_n3A_343, %dma_start3A_397] : memref<100000x128xf32, #tpu.memory_space<hbm>> -> memref<1x128xf32, #tpu.memory_space<hbm>>
            %dma_start3A_399 = arith.constant 0 : i32
            %dma_start3A_400 = tpu.memref_slice %arg9[%add3A_347, %dma_start3A_399] : memref<128x128xf32, #tpu.memory_space<vmem>> -> memref<1x128xf32, #tpu.memory_space<vmem>>
            tpu.enqueue_dma source(%dma_start3A_400 : memref<1x128xf32, #tpu.memory_space<vmem>>) target(%dma_start3A_398 : memref<1x128xf32, #tpu.memory_space<hbm>>) target_semaphore(%run_scoped3A : memref<!tpu.dma_semaphore, #tpu.memory_space<semaphore_mem>>)
            %dma_wait3A_401 = arith.constant 0 : i32
            %dma_wait3A_402 = tpu.memref_slice %arg9[%add3A_347, %dma_wait3A_401] : memref<128x128xf32, #tpu.memory_space<vmem>> -> memref<1x128xf32, #tpu.memory_space<vmem>>
            %dma_wait3A_403 = arith.constant 0 : i32
            %dma_wait3A_404 = tpu.memref_slice %arg2[%select_n3A_343, %dma_wait3A_403] : memref<100000x128xf32, #tpu.memory_space<hbm>> -> memref<1x128xf32, #tpu.memory_space<hbm>>
            %dma_wait3A_405 = arith.constant 0 : i32
            %dma_wait3A_406 = tpu.memref_slice %arg2[%select_n3A_343, %dma_wait3A_405] : memref<100000x128xf32, #tpu.memory_space<hbm>> -> memref<1x128xf32, #tpu.memory_space<hbm>>
            %dma_wait3A_407 = arith.constant 0 : i32
            %dma_wait3A_408 = tpu.memref_slice %arg9[%add3A_347, %dma_wait3A_407] : memref<128x128xf32, #tpu.memory_space<vmem>> -> memref<1x128xf32, #tpu.memory_space<vmem>>
            tpu.wait_dma2 semaphore(%run_scoped3A : memref<!tpu.dma_semaphore, #tpu.memory_space<semaphore_mem>>) src(%dma_wait3A_408 : memref<1x128xf32, #tpu.memory_space<vmem>>) dst(%dma_wait3A_406 : memref<1x128xf32, #tpu.memory_space<hbm>>)
            tpu.yield
          }) : () -> ()
          %mul3A_348 = arith.constant 8 : i32
          %mul3A_349 = arith.muli %scan3A_253, %mul3A_348 : i32
          %add3A_350 = arith.addi %add3A_103, %mul3A_349 : i32
          %add3A_351 = arith.constant 5 : i32
          %add3A_352 = arith.addi %add3A_350, %add3A_351 : i32
          %add3A_353 = arith.addi %squeeze3A, %add3A_352 : i32
          %ge3A_354 = arith.constant 100000 : i32
          %ge3A_355 = arith.cmpi sge, %add3A_353, %ge3A_354 : i32
          %sub3A_356 = arith.constant 100000 : i32
          %sub3A_357 = arith.subi %add3A_353, %sub3A_356 : i32
          %select_n3A_358 = arith.select %ge3A_355, %sub3A_357, %add3A_353 : i32
          %mul3A_359 = arith.constant 8 : i32
          %mul3A_360 = arith.muli %scan3A_253, %mul3A_359 : i32
          %add3A_361 = arith.constant 5 : i32
          %add3A_362 = arith.addi %mul3A_360, %add3A_361 : i32
          "tpu.region"() ({
            %run_scoped3A = tpu.sem_alloc : memref<!tpu.dma_semaphore, #tpu.memory_space<semaphore_mem>>
            %dma_start3A_393 = arith.constant 0 : i32
            %dma_start3A_394 = tpu.memref_slice %arg9[%add3A_362, %dma_start3A_393] : memref<128x128xf32, #tpu.memory_space<vmem>> -> memref<1x128xf32, #tpu.memory_space<vmem>>
            %dma_start3A_395 = arith.constant 0 : i32
            %dma_start3A_396 = tpu.memref_slice %arg2[%select_n3A_358, %dma_start3A_395] : memref<100000x128xf32, #tpu.memory_space<hbm>> -> memref<1x128xf32, #tpu.memory_space<hbm>>
            %dma_start3A_397 = arith.constant 0 : i32
            %dma_start3A_398 = tpu.memref_slice %arg2[%select_n3A_358, %dma_start3A_397] : memref<100000x128xf32, #tpu.memory_space<hbm>> -> memref<1x128xf32, #tpu.memory_space<hbm>>
            %dma_start3A_399 = arith.constant 0 : i32
            %dma_start3A_400 = tpu.memref_slice %arg9[%add3A_362, %dma_start3A_399] : memref<128x128xf32, #tpu.memory_space<vmem>> -> memref<1x128xf32, #tpu.memory_space<vmem>>
            tpu.enqueue_dma source(%dma_start3A_400 : memref<1x128xf32, #tpu.memory_space<vmem>>) target(%dma_start3A_398 : memref<1x128xf32, #tpu.memory_space<hbm>>) target_semaphore(%run_scoped3A : memref<!tpu.dma_semaphore, #tpu.memory_space<semaphore_mem>>)
            %dma_wait3A_401 = arith.constant 0 : i32
            %dma_wait3A_402 = tpu.memref_slice %arg9[%add3A_362, %dma_wait3A_401] : memref<128x128xf32, #tpu.memory_space<vmem>> -> memref<1x128xf32, #tpu.memory_space<vmem>>
            %dma_wait3A_403 = arith.constant 0 : i32
            %dma_wait3A_404 = tpu.memref_slice %arg2[%select_n3A_358, %dma_wait3A_403] : memref<100000x128xf32, #tpu.memory_space<hbm>> -> memref<1x128xf32, #tpu.memory_space<hbm>>
            %dma_wait3A_405 = arith.constant 0 : i32
            %dma_wait3A_406 = tpu.memref_slice %arg2[%select_n3A_358, %dma_wait3A_405] : memref<100000x128xf32, #tpu.memory_space<hbm>> -> memref<1x128xf32, #tpu.memory_space<hbm>>
            %dma_wait3A_407 = arith.constant 0 : i32
            %dma_wait3A_408 = tpu.memref_slice %arg9[%add3A_362, %dma_wait3A_407] : memref<128x128xf32, #tpu.memory_space<vmem>> -> memref<1x128xf32, #tpu.memory_space<vmem>>
            tpu.wait_dma2 semaphore(%run_scoped3A : memref<!tpu.dma_semaphore, #tpu.memory_space<semaphore_mem>>) src(%dma_wait3A_408 : memref<1x128xf32, #tpu.memory_space<vmem>>) dst(%dma_wait3A_406 : memref<1x128xf32, #tpu.memory_space<hbm>>)
            tpu.yield
          }) : () -> ()
          %mul3A_363 = arith.constant 8 : i32
          %mul3A_364 = arith.muli %scan3A_253, %mul3A_363 : i32
          %add3A_365 = arith.addi %add3A_103, %mul3A_364 : i32
          %add3A_366 = arith.constant 6 : i32
          %add3A_367 = arith.addi %add3A_365, %add3A_366 : i32
          %add3A_368 = arith.addi %squeeze3A, %add3A_367 : i32
          %ge3A_369 = arith.constant 100000 : i32
          %ge3A_370 = arith.cmpi sge, %add3A_368, %ge3A_369 : i32
          %sub3A_371 = arith.constant 100000 : i32
          %sub3A_372 = arith.subi %add3A_368, %sub3A_371 : i32
          %select_n3A_373 = arith.select %ge3A_370, %sub3A_372, %add3A_368 : i32
          %mul3A_374 = arith.constant 8 : i32
          %mul3A_375 = arith.muli %scan3A_253, %mul3A_374 : i32
          %add3A_376 = arith.constant 6 : i32
          %add3A_377 = arith.addi %mul3A_375, %add3A_376 : i32
          "tpu.region"() ({
            %run_scoped3A = tpu.sem_alloc : memref<!tpu.dma_semaphore, #tpu.memory_space<semaphore_mem>>
            %dma_start3A_393 = arith.constant 0 : i32
            %dma_start3A_394 = tpu.memref_slice %arg9[%add3A_377, %dma_start3A_393] : memref<128x128xf32, #tpu.memory_space<vmem>> -> memref<1x128xf32, #tpu.memory_space<vmem>>
            %dma_start3A_395 = arith.constant 0 : i32
            %dma_start3A_396 = tpu.memref_slice %arg2[%select_n3A_373, %dma_start3A_395] : memref<100000x128xf32, #tpu.memory_space<hbm>> -> memref<1x128xf32, #tpu.memory_space<hbm>>
            %dma_start3A_397 = arith.constant 0 : i32
            %dma_start3A_398 = tpu.memref_slice %arg2[%select_n3A_373, %dma_start3A_397] : memref<100000x128xf32, #tpu.memory_space<hbm>> -> memref<1x128xf32, #tpu.memory_space<hbm>>
            %dma_start3A_399 = arith.constant 0 : i32
            %dma_start3A_400 = tpu.memref_slice %arg9[%add3A_377, %dma_start3A_399] : memref<128x128xf32, #tpu.memory_space<vmem>> -> memref<1x128xf32, #tpu.memory_space<vmem>>
            tpu.enqueue_dma source(%dma_start3A_400 : memref<1x128xf32, #tpu.memory_space<vmem>>) target(%dma_start3A_398 : memref<1x128xf32, #tpu.memory_space<hbm>>) target_semaphore(%run_scoped3A : memref<!tpu.dma_semaphore, #tpu.memory_space<semaphore_mem>>)
            %dma_wait3A_401 = arith.constant 0 : i32
            %dma_wait3A_402 = tpu.memref_slice %arg9[%add3A_377, %dma_wait3A_401] : memref<128x128xf32, #tpu.memory_space<vmem>> -> memref<1x128xf32, #tpu.memory_space<vmem>>
            %dma_wait3A_403 = arith.constant 0 : i32
            %dma_wait3A_404 = tpu.memref_slice %arg2[%select_n3A_373, %dma_wait3A_403] : memref<100000x128xf32, #tpu.memory_space<hbm>> -> memref<1x128xf32, #tpu.memory_space<hbm>>
            %dma_wait3A_405 = arith.constant 0 : i32
            %dma_wait3A_406 = tpu.memref_slice %arg2[%select_n3A_373, %dma_wait3A_405] : memref<100000x128xf32, #tpu.memory_space<hbm>> -> memref<1x128xf32, #tpu.memory_space<hbm>>
            %dma_wait3A_407 = arith.constant 0 : i32
            %dma_wait3A_408 = tpu.memref_slice %arg9[%add3A_377, %dma_wait3A_407] : memref<128x128xf32, #tpu.memory_space<vmem>> -> memref<1x128xf32, #tpu.memory_space<vmem>>
            tpu.wait_dma2 semaphore(%run_scoped3A : memref<!tpu.dma_semaphore, #tpu.memory_space<semaphore_mem>>) src(%dma_wait3A_408 : memref<1x128xf32, #tpu.memory_space<vmem>>) dst(%dma_wait3A_406 : memref<1x128xf32, #tpu.memory_space<hbm>>)
            tpu.yield
          }) : () -> ()
          %mul3A_378 = arith.constant 8 : i32
          %mul3A_379 = arith.muli %scan3A_253, %mul3A_378 : i32
          %add3A_380 = arith.addi %add3A_103, %mul3A_379 : i32
          %add3A_381 = arith.constant 7 : i32
          %add3A_382 = arith.addi %add3A_380, %add3A_381 : i32
          %add3A_383 = arith.addi %squeeze3A, %add3A_382 : i32
          %ge3A_384 = arith.constant 100000 : i32
          %ge3A_385 = arith.cmpi sge, %add3A_383, %ge3A_384 : i32
          %sub3A_386 = arith.constant 100000 : i32
          %sub3A_387 = arith.subi %add3A_383, %sub3A_386 : i32
          %select_n3A_388 = arith.select %ge3A_385, %sub3A_387, %add3A_383 : i32
          %mul3A_389 = arith.constant 8 : i32
          %mul3A_390 = arith.muli %scan3A_253, %mul3A_389 : i32
          %add3A_391 = arith.constant 7 : i32
          %add3A_392 = arith.addi %mul3A_390, %add3A_391 : i32
          "tpu.region"() ({
            %run_scoped3A = tpu.sem_alloc : memref<!tpu.dma_semaphore, #tpu.memory_space<semaphore_mem>>
            %dma_start3A_393 = arith.constant 0 : i32
            %dma_start3A_394 = tpu.memref_slice %arg9[%add3A_392, %dma_start3A_393] : memref<128x128xf32, #tpu.memory_space<vmem>> -> memref<1x128xf32, #tpu.memory_space<vmem>>
            %dma_start3A_395 = arith.constant 0 : i32
            %dma_start3A_396 = tpu.memref_slice %arg2[%select_n3A_388, %dma_start3A_395] : memref<100000x128xf32, #tpu.memory_space<hbm>> -> memref<1x128xf32, #tpu.memory_space<hbm>>
            %dma_start3A_397 = arith.constant 0 : i32
            %dma_start3A_398 = tpu.memref_slice %arg2[%select_n3A_388, %dma_start3A_397] : memref<100000x128xf32, #tpu.memory_space<hbm>> -> memref<1x128xf32, #tpu.memory_space<hbm>>
            %dma_start3A_399 = arith.constant 0 : i32
            %dma_start3A_400 = tpu.memref_slice %arg9[%add3A_392, %dma_start3A_399] : memref<128x128xf32, #tpu.memory_space<vmem>> -> memref<1x128xf32, #tpu.memory_space<vmem>>
            tpu.enqueue_dma source(%dma_start3A_400 : memref<1x128xf32, #tpu.memory_space<vmem>>) target(%dma_start3A_398 : memref<1x128xf32, #tpu.memory_space<hbm>>) target_semaphore(%run_scoped3A : memref<!tpu.dma_semaphore, #tpu.memory_space<semaphore_mem>>)
            %dma_wait3A_401 = arith.constant 0 : i32
            %dma_wait3A_402 = tpu.memref_slice %arg9[%add3A_392, %dma_wait3A_401] : memref<128x128xf32, #tpu.memory_space<vmem>> -> memref<1x128xf32, #tpu.memory_space<vmem>>
            %dma_wait3A_403 = arith.constant 0 : i32
            %dma_wait3A_404 = tpu.memref_slice %arg2[%select_n3A_388, %dma_wait3A_403] : memref<100000x128xf32, #tpu.memory_space<hbm>> -> memref<1x128xf32, #tpu.memory_space<hbm>>
            %dma_wait3A_405 = arith.constant 0 : i32
            %dma_wait3A_406 = tpu.memref_slice %arg2[%select_n3A_388, %dma_wait3A_405] : memref<100000x128xf32, #tpu.memory_space<hbm>> -> memref<1x128xf32, #tpu.memory_space<hbm>>
            %dma_wait3A_407 = arith.constant 0 : i32
            %dma_wait3A_408 = tpu.memref_slice %arg9[%add3A_392, %dma_wait3A_407] : memref<128x128xf32, #tpu.memory_space<vmem>> -> memref<1x128xf32, #tpu.memory_space<vmem>>
            tpu.wait_dma2 semaphore(%run_scoped3A : memref<!tpu.dma_semaphore, #tpu.memory_space<semaphore_mem>>) src(%dma_wait3A_408 : memref<1x128xf32, #tpu.memory_space<vmem>>) dst(%dma_wait3A_406 : memref<1x128xf32, #tpu.memory_space<hbm>>)
            tpu.yield
          }) : () -> ()
        } else {
        }
      }
      %scan3A_252 = arith.constant 16 : i32
    } else {
    }
    %add3A_122 = arith.constant 128 : i32
    %add3A_123 = arith.addi %mul3A_2, %add3A_122 : i32
    %add3A_124 = arith.addi %squeeze3A, %add3A_123 : i32
    %ge3A_125 = arith.constant 100000 : i32
    %ge3A_126 = arith.cmpi sge, %add3A_124, %ge3A_125 : i32
    %sub3A_127 = arith.constant 100000 : i32
    %sub3A_128 = arith.subi %add3A_124, %sub3A_127 : i32
    %select_n3A_129 = arith.select %ge3A_126, %sub3A_128, %add3A_124 : i32
    %dma_wait3A_130 = arith.constant 0 : i32
    %dma_wait3A_131 = arith.constant 0 : i32
    %dma_wait3A_132 = tpu.memref_slice %arg4[%dma_wait3A_130, %dma_wait3A_131] : memref<16384x128xf32, #tpu.memory_space<hbm>> -> memref<128x128xf32, #tpu.memory_space<hbm>>
    %dma_wait3A_133 = arith.constant 0 : i32
    %dma_wait3A_134 = arith.constant 0 : i32
    %dma_wait3A_135 = tpu.memref_slice %arg4[%dma_wait3A_133, %dma_wait3A_134] : memref<16384x128xf32, #tpu.memory_space<hbm>> -> memref<128x128xf32, #tpu.memory_space<hbm>>
    tpu.wait_dma2 semaphore(%arg17 : memref<!tpu.dma_semaphore, #tpu.memory_space<semaphore_mem>>) src(%dma_wait3A_135 : memref<128x128xf32, #tpu.memory_space<hbm>>) dst(%arg10 : memref<128x128xf32, #tpu.memory_space<vmem>>)
    %gt3A_136 = arith.constant 99872 : i32
    %gt3A_137 = arith.cmpi sgt, %select_n3A_129, %gt3A_136 : i32
    %not3A_138 = arith.constant true
    %not3A_139 = arith.xori %gt3A_137, %not3A_138 : i1
    %convert_element_type3A_140 = arith.extui %not3A_139 : i1 to i32
    %cond3A_141 = arith.constant 0 : i32
    %cond3A_142 = arith.cmpi ne, %convert_element_type3A_140, %cond3A_141 : i32
    scf.if %cond3A_142 {
      %dma_start3A_248 = arith.constant 0 : i32
      %dma_start3A_249 = tpu.memref_slice %arg2[%select_n3A_129, %dma_start3A_248] : memref<100000x128xf32, #tpu.memory_space<hbm>> -> memref<128x128xf32, #tpu.memory_space<hbm>>
      %dma_start3A_250 = arith.constant 0 : i32
      %dma_start3A_251 = tpu.memref_slice %arg2[%select_n3A_129, %dma_start3A_250] : memref<100000x128xf32, #tpu.memory_space<hbm>> -> memref<128x128xf32, #tpu.memory_space<hbm>>
      tpu.enqueue_dma source(%arg10 : memref<128x128xf32, #tpu.memory_space<vmem>>) target(%dma_start3A_251 : memref<128x128xf32, #tpu.memory_space<hbm>>) target_semaphore(%arg21 : memref<!tpu.dma_semaphore, #tpu.memory_space<semaphore_mem>>)
    } else {
    }
    %convert_element_type3A_143 = arith.extui %gt3A_137 : i1 to i32
    %cond3A_144 = arith.constant 0 : i32
    %cond3A_145 = arith.cmpi ne, %convert_element_type3A_143, %cond3A_144 : i32
    scf.if %cond3A_145 {
      %scan3A = arith.constant 0 : i32
      %scan3A_248 = arith.constant 0 : i32
      %scan3A_249 = arith.constant 16 : i32
      %scan3A_250 = arith.addi %scan3A_248, %scan3A_249 : i32
      %scan3A_251 = arith.constant 1 : i32
      scf.for %scan3A_253 = %scan3A_248 to %scan3A_250 step %scan3A_251  : i32 {
        %mul3A_254 = arith.constant 8 : i32
        %mul3A_255 = arith.muli %scan3A_253, %mul3A_254 : i32
        %add3A_256 = arith.addi %add3A_123, %mul3A_255 : i32
        %add3A_257 = arith.addi %squeeze3A, %add3A_256 : i32
        %ge3A_258 = arith.constant 100000 : i32
        %ge3A_259 = arith.cmpi sge, %add3A_257, %ge3A_258 : i32
        %sub3A_260 = arith.constant 100000 : i32
        %sub3A_261 = arith.subi %add3A_257, %sub3A_260 : i32
        %select_n3A_262 = arith.select %ge3A_259, %sub3A_261, %add3A_257 : i32
        %gt3A_263 = arith.constant 99992 : i32
        %gt3A_264 = arith.cmpi sgt, %select_n3A_262, %gt3A_263 : i32
        %not3A_265 = arith.constant true
        %not3A_266 = arith.xori %gt3A_264, %not3A_265 : i1
        %convert_element_type3A_267 = arith.extui %not3A_266 : i1 to i32
        %cond3A_268 = arith.constant 0 : i32
        %cond3A_269 = arith.cmpi ne, %convert_element_type3A_267, %cond3A_268 : i32
        scf.if %cond3A_269 {
          %mul3A_273 = arith.constant 8 : i32
          %mul3A_274 = arith.muli %scan3A_253, %mul3A_273 : i32
          "tpu.region"() ({
            %run_scoped3A = tpu.sem_alloc : memref<!tpu.dma_semaphore, #tpu.memory_space<semaphore_mem>>
            %dma_start3A_275 = arith.constant 0 : i32
            %dma_start3A_276 = tpu.memref_slice %arg10[%mul3A_274, %dma_start3A_275] : memref<128x128xf32, #tpu.memory_space<vmem>> -> memref<8x128xf32, #tpu.memory_space<vmem>>
            %dma_start3A_277 = arith.constant 0 : i32
            %dma_start3A_278 = tpu.memref_slice %arg2[%select_n3A_262, %dma_start3A_277] : memref<100000x128xf32, #tpu.memory_space<hbm>> -> memref<8x128xf32, #tpu.memory_space<hbm>>
            %dma_start3A_279 = arith.constant 0 : i32
            %dma_start3A_280 = tpu.memref_slice %arg2[%select_n3A_262, %dma_start3A_279] : memref<100000x128xf32, #tpu.memory_space<hbm>> -> memref<8x128xf32, #tpu.memory_space<hbm>>
            %dma_start3A_281 = arith.constant 0 : i32
            %dma_start3A_282 = tpu.memref_slice %arg10[%mul3A_274, %dma_start3A_281] : memref<128x128xf32, #tpu.memory_space<vmem>> -> memref<8x128xf32, #tpu.memory_space<vmem>>
            tpu.enqueue_dma source(%dma_start3A_282 : memref<8x128xf32, #tpu.memory_space<vmem>>) target(%dma_start3A_280 : memref<8x128xf32, #tpu.memory_space<hbm>>) target_semaphore(%run_scoped3A : memref<!tpu.dma_semaphore, #tpu.memory_space<semaphore_mem>>)
            %dma_wait3A_283 = arith.constant 0 : i32
            %dma_wait3A_284 = tpu.memref_slice %arg10[%mul3A_274, %dma_wait3A_283] : memref<128x128xf32, #tpu.memory_space<vmem>> -> memref<8x128xf32, #tpu.memory_space<vmem>>
            %dma_wait3A_285 = arith.constant 0 : i32
            %dma_wait3A_286 = tpu.memref_slice %arg2[%select_n3A_262, %dma_wait3A_285] : memref<100000x128xf32, #tpu.memory_space<hbm>> -> memref<8x128xf32, #tpu.memory_space<hbm>>
            %dma_wait3A_287 = arith.constant 0 : i32
            %dma_wait3A_288 = tpu.memref_slice %arg2[%select_n3A_262, %dma_wait3A_287] : memref<100000x128xf32, #tpu.memory_space<hbm>> -> memref<8x128xf32, #tpu.memory_space<hbm>>
            %dma_wait3A_289 = arith.constant 0 : i32
            %dma_wait3A_290 = tpu.memref_slice %arg10[%mul3A_274, %dma_wait3A_289] : memref<128x128xf32, #tpu.memory_space<vmem>> -> memref<8x128xf32, #tpu.memory_space<vmem>>
            tpu.wait_dma2 semaphore(%run_scoped3A : memref<!tpu.dma_semaphore, #tpu.memory_space<semaphore_mem>>) src(%dma_wait3A_290 : memref<8x128xf32, #tpu.memory_space<vmem>>) dst(%dma_wait3A_288 : memref<8x128xf32, #tpu.memory_space<hbm>>)
            tpu.yield
          }) : () -> ()
        } else {
        }
        %convert_element_type3A_270 = arith.extui %gt3A_264 : i1 to i32
        %cond3A_271 = arith.constant 0 : i32
        %cond3A_272 = arith.cmpi ne, %convert_element_type3A_270, %cond3A_271 : i32
        scf.if %cond3A_272 {
          %mul3A_273 = arith.constant 8 : i32
          %mul3A_274 = arith.muli %scan3A_253, %mul3A_273 : i32
          %add3A_275 = arith.addi %add3A_123, %mul3A_274 : i32
          %add3A_276 = arith.constant 0 : i32
          %add3A_277 = arith.addi %add3A_275, %add3A_276 : i32
          %add3A_278 = arith.addi %squeeze3A, %add3A_277 : i32
          %ge3A_279 = arith.constant 100000 : i32
          %ge3A_280 = arith.cmpi sge, %add3A_278, %ge3A_279 : i32
          %sub3A_281 = arith.constant 100000 : i32
          %sub3A_282 = arith.subi %add3A_278, %sub3A_281 : i32
          %select_n3A_283 = arith.select %ge3A_280, %sub3A_282, %add3A_278 : i32
          %mul3A_284 = arith.constant 8 : i32
          %mul3A_285 = arith.muli %scan3A_253, %mul3A_284 : i32
          %add3A_286 = arith.constant 0 : i32
          %add3A_287 = arith.addi %mul3A_285, %add3A_286 : i32
          "tpu.region"() ({
            %run_scoped3A = tpu.sem_alloc : memref<!tpu.dma_semaphore, #tpu.memory_space<semaphore_mem>>
            %dma_start3A_393 = arith.constant 0 : i32
            %dma_start3A_394 = tpu.memref_slice %arg10[%add3A_287, %dma_start3A_393] : memref<128x128xf32, #tpu.memory_space<vmem>> -> memref<1x128xf32, #tpu.memory_space<vmem>>
            %dma_start3A_395 = arith.constant 0 : i32
            %dma_start3A_396 = tpu.memref_slice %arg2[%select_n3A_283, %dma_start3A_395] : memref<100000x128xf32, #tpu.memory_space<hbm>> -> memref<1x128xf32, #tpu.memory_space<hbm>>
            %dma_start3A_397 = arith.constant 0 : i32
            %dma_start3A_398 = tpu.memref_slice %arg2[%select_n3A_283, %dma_start3A_397] : memref<100000x128xf32, #tpu.memory_space<hbm>> -> memref<1x128xf32, #tpu.memory_space<hbm>>
            %dma_start3A_399 = arith.constant 0 : i32
            %dma_start3A_400 = tpu.memref_slice %arg10[%add3A_287, %dma_start3A_399] : memref<128x128xf32, #tpu.memory_space<vmem>> -> memref<1x128xf32, #tpu.memory_space<vmem>>
            tpu.enqueue_dma source(%dma_start3A_400 : memref<1x128xf32, #tpu.memory_space<vmem>>) target(%dma_start3A_398 : memref<1x128xf32, #tpu.memory_space<hbm>>) target_semaphore(%run_scoped3A : memref<!tpu.dma_semaphore, #tpu.memory_space<semaphore_mem>>)
            %dma_wait3A_401 = arith.constant 0 : i32
            %dma_wait3A_402 = tpu.memref_slice %arg10[%add3A_287, %dma_wait3A_401] : memref<128x128xf32, #tpu.memory_space<vmem>> -> memref<1x128xf32, #tpu.memory_space<vmem>>
            %dma_wait3A_403 = arith.constant 0 : i32
            %dma_wait3A_404 = tpu.memref_slice %arg2[%select_n3A_283, %dma_wait3A_403] : memref<100000x128xf32, #tpu.memory_space<hbm>> -> memref<1x128xf32, #tpu.memory_space<hbm>>
            %dma_wait3A_405 = arith.constant 0 : i32
            %dma_wait3A_406 = tpu.memref_slice %arg2[%select_n3A_283, %dma_wait3A_405] : memref<100000x128xf32, #tpu.memory_space<hbm>> -> memref<1x128xf32, #tpu.memory_space<hbm>>
            %dma_wait3A_407 = arith.constant 0 : i32
            %dma_wait3A_408 = tpu.memref_slice %arg10[%add3A_287, %dma_wait3A_407] : memref<128x128xf32, #tpu.memory_space<vmem>> -> memref<1x128xf32, #tpu.memory_space<vmem>>
            tpu.wait_dma2 semaphore(%run_scoped3A : memref<!tpu.dma_semaphore, #tpu.memory_space<semaphore_mem>>) src(%dma_wait3A_408 : memref<1x128xf32, #tpu.memory_space<vmem>>) dst(%dma_wait3A_406 : memref<1x128xf32, #tpu.memory_space<hbm>>)
            tpu.yield
          }) : () -> ()
          %mul3A_288 = arith.constant 8 : i32
          %mul3A_289 = arith.muli %scan3A_253, %mul3A_288 : i32
          %add3A_290 = arith.addi %add3A_123, %mul3A_289 : i32
          %add3A_291 = arith.constant 1 : i32
          %add3A_292 = arith.addi %add3A_290, %add3A_291 : i32
          %add3A_293 = arith.addi %squeeze3A, %add3A_292 : i32
          %ge3A_294 = arith.constant 100000 : i32
          %ge3A_295 = arith.cmpi sge, %add3A_293, %ge3A_294 : i32
          %sub3A_296 = arith.constant 100000 : i32
          %sub3A_297 = arith.subi %add3A_293, %sub3A_296 : i32
          %select_n3A_298 = arith.select %ge3A_295, %sub3A_297, %add3A_293 : i32
          %mul3A_299 = arith.constant 8 : i32
          %mul3A_300 = arith.muli %scan3A_253, %mul3A_299 : i32
          %add3A_301 = arith.constant 1 : i32
          %add3A_302 = arith.addi %mul3A_300, %add3A_301 : i32
          "tpu.region"() ({
            %run_scoped3A = tpu.sem_alloc : memref<!tpu.dma_semaphore, #tpu.memory_space<semaphore_mem>>
            %dma_start3A_393 = arith.constant 0 : i32
            %dma_start3A_394 = tpu.memref_slice %arg10[%add3A_302, %dma_start3A_393] : memref<128x128xf32, #tpu.memory_space<vmem>> -> memref<1x128xf32, #tpu.memory_space<vmem>>
            %dma_start3A_395 = arith.constant 0 : i32
            %dma_start3A_396 = tpu.memref_slice %arg2[%select_n3A_298, %dma_start3A_395] : memref<100000x128xf32, #tpu.memory_space<hbm>> -> memref<1x128xf32, #tpu.memory_space<hbm>>
            %dma_start3A_397 = arith.constant 0 : i32
            %dma_start3A_398 = tpu.memref_slice %arg2[%select_n3A_298, %dma_start3A_397] : memref<100000x128xf32, #tpu.memory_space<hbm>> -> memref<1x128xf32, #tpu.memory_space<hbm>>
            %dma_start3A_399 = arith.constant 0 : i32
            %dma_start3A_400 = tpu.memref_slice %arg10[%add3A_302, %dma_start3A_399] : memref<128x128xf32, #tpu.memory_space<vmem>> -> memref<1x128xf32, #tpu.memory_space<vmem>>
            tpu.enqueue_dma source(%dma_start3A_400 : memref<1x128xf32, #tpu.memory_space<vmem>>) target(%dma_start3A_398 : memref<1x128xf32, #tpu.memory_space<hbm>>) target_semaphore(%run_scoped3A : memref<!tpu.dma_semaphore, #tpu.memory_space<semaphore_mem>>)
            %dma_wait3A_401 = arith.constant 0 : i32
            %dma_wait3A_402 = tpu.memref_slice %arg10[%add3A_302, %dma_wait3A_401] : memref<128x128xf32, #tpu.memory_space<vmem>> -> memref<1x128xf32, #tpu.memory_space<vmem>>
            %dma_wait3A_403 = arith.constant 0 : i32
            %dma_wait3A_404 = tpu.memref_slice %arg2[%select_n3A_298, %dma_wait3A_403] : memref<100000x128xf32, #tpu.memory_space<hbm>> -> memref<1x128xf32, #tpu.memory_space<hbm>>
            %dma_wait3A_405 = arith.constant 0 : i32
            %dma_wait3A_406 = tpu.memref_slice %arg2[%select_n3A_298, %dma_wait3A_405] : memref<100000x128xf32, #tpu.memory_space<hbm>> -> memref<1x128xf32, #tpu.memory_space<hbm>>
            %dma_wait3A_407 = arith.constant 0 : i32
            %dma_wait3A_408 = tpu.memref_slice %arg10[%add3A_302, %dma_wait3A_407] : memref<128x128xf32, #tpu.memory_space<vmem>> -> memref<1x128xf32, #tpu.memory_space<vmem>>
            tpu.wait_dma2 semaphore(%run_scoped3A : memref<!tpu.dma_semaphore, #tpu.memory_space<semaphore_mem>>) src(%dma_wait3A_408 : memref<1x128xf32, #tpu.memory_space<vmem>>) dst(%dma_wait3A_406 : memref<1x128xf32, #tpu.memory_space<hbm>>)
            tpu.yield
          }) : () -> ()
          %mul3A_303 = arith.constant 8 : i32
          %mul3A_304 = arith.muli %scan3A_253, %mul3A_303 : i32
          %add3A_305 = arith.addi %add3A_123, %mul3A_304 : i32
          %add3A_306 = arith.constant 2 : i32
          %add3A_307 = arith.addi %add3A_305, %add3A_306 : i32
          %add3A_308 = arith.addi %squeeze3A, %add3A_307 : i32
          %ge3A_309 = arith.constant 100000 : i32
          %ge3A_310 = arith.cmpi sge, %add3A_308, %ge3A_309 : i32
          %sub3A_311 = arith.constant 100000 : i32
          %sub3A_312 = arith.subi %add3A_308, %sub3A_311 : i32
          %select_n3A_313 = arith.select %ge3A_310, %sub3A_312, %add3A_308 : i32
          %mul3A_314 = arith.constant 8 : i32
          %mul3A_315 = arith.muli %scan3A_253, %mul3A_314 : i32
          %add3A_316 = arith.constant 2 : i32
          %add3A_317 = arith.addi %mul3A_315, %add3A_316 : i32
          "tpu.region"() ({
            %run_scoped3A = tpu.sem_alloc : memref<!tpu.dma_semaphore, #tpu.memory_space<semaphore_mem>>
            %dma_start3A_393 = arith.constant 0 : i32
            %dma_start3A_394 = tpu.memref_slice %arg10[%add3A_317, %dma_start3A_393] : memref<128x128xf32, #tpu.memory_space<vmem>> -> memref<1x128xf32, #tpu.memory_space<vmem>>
            %dma_start3A_395 = arith.constant 0 : i32
            %dma_start3A_396 = tpu.memref_slice %arg2[%select_n3A_313, %dma_start3A_395] : memref<100000x128xf32, #tpu.memory_space<hbm>> -> memref<1x128xf32, #tpu.memory_space<hbm>>
            %dma_start3A_397 = arith.constant 0 : i32
            %dma_start3A_398 = tpu.memref_slice %arg2[%select_n3A_313, %dma_start3A_397] : memref<100000x128xf32, #tpu.memory_space<hbm>> -> memref<1x128xf32, #tpu.memory_space<hbm>>
            %dma_start3A_399 = arith.constant 0 : i32
            %dma_start3A_400 = tpu.memref_slice %arg10[%add3A_317, %dma_start3A_399] : memref<128x128xf32, #tpu.memory_space<vmem>> -> memref<1x128xf32, #tpu.memory_space<vmem>>
            tpu.enqueue_dma source(%dma_start3A_400 : memref<1x128xf32, #tpu.memory_space<vmem>>) target(%dma_start3A_398 : memref<1x128xf32, #tpu.memory_space<hbm>>) target_semaphore(%run_scoped3A : memref<!tpu.dma_semaphore, #tpu.memory_space<semaphore_mem>>)
            %dma_wait3A_401 = arith.constant 0 : i32
            %dma_wait3A_402 = tpu.memref_slice %arg10[%add3A_317, %dma_wait3A_401] : memref<128x128xf32, #tpu.memory_space<vmem>> -> memref<1x128xf32, #tpu.memory_space<vmem>>
            %dma_wait3A_403 = arith.constant 0 : i32
            %dma_wait3A_404 = tpu.memref_slice %arg2[%select_n3A_313, %dma_wait3A_403] : memref<100000x128xf32, #tpu.memory_space<hbm>> -> memref<1x128xf32, #tpu.memory_space<hbm>>
            %dma_wait3A_405 = arith.constant 0 : i32
            %dma_wait3A_406 = tpu.memref_slice %arg2[%select_n3A_313, %dma_wait3A_405] : memref<100000x128xf32, #tpu.memory_space<hbm>> -> memref<1x128xf32, #tpu.memory_space<hbm>>
            %dma_wait3A_407 = arith.constant 0 : i32
            %dma_wait3A_408 = tpu.memref_slice %arg10[%add3A_317, %dma_wait3A_407] : memref<128x128xf32, #tpu.memory_space<vmem>> -> memref<1x128xf32, #tpu.memory_space<vmem>>
            tpu.wait_dma2 semaphore(%run_scoped3A : memref<!tpu.dma_semaphore, #tpu.memory_space<semaphore_mem>>) src(%dma_wait3A_408 : memref<1x128xf32, #tpu.memory_space<vmem>>) dst(%dma_wait3A_406 : memref<1x128xf32, #tpu.memory_space<hbm>>)
            tpu.yield
          }) : () -> ()
          %mul3A_318 = arith.constant 8 : i32
          %mul3A_319 = arith.muli %scan3A_253, %mul3A_318 : i32
          %add3A_320 = arith.addi %add3A_123, %mul3A_319 : i32
          %add3A_321 = arith.constant 3 : i32
          %add3A_322 = arith.addi %add3A_320, %add3A_321 : i32
          %add3A_323 = arith.addi %squeeze3A, %add3A_322 : i32
          %ge3A_324 = arith.constant 100000 : i32
          %ge3A_325 = arith.cmpi sge, %add3A_323, %ge3A_324 : i32
          %sub3A_326 = arith.constant 100000 : i32
          %sub3A_327 = arith.subi %add3A_323, %sub3A_326 : i32
          %select_n3A_328 = arith.select %ge3A_325, %sub3A_327, %add3A_323 : i32
          %mul3A_329 = arith.constant 8 : i32
          %mul3A_330 = arith.muli %scan3A_253, %mul3A_329 : i32
          %add3A_331 = arith.constant 3 : i32
          %add3A_332 = arith.addi %mul3A_330, %add3A_331 : i32
          "tpu.region"() ({
            %run_scoped3A = tpu.sem_alloc : memref<!tpu.dma_semaphore, #tpu.memory_space<semaphore_mem>>
            %dma_start3A_393 = arith.constant 0 : i32
            %dma_start3A_394 = tpu.memref_slice %arg10[%add3A_332, %dma_start3A_393] : memref<128x128xf32, #tpu.memory_space<vmem>> -> memref<1x128xf32, #tpu.memory_space<vmem>>
            %dma_start3A_395 = arith.constant 0 : i32
            %dma_start3A_396 = tpu.memref_slice %arg2[%select_n3A_328, %dma_start3A_395] : memref<100000x128xf32, #tpu.memory_space<hbm>> -> memref<1x128xf32, #tpu.memory_space<hbm>>
            %dma_start3A_397 = arith.constant 0 : i32
            %dma_start3A_398 = tpu.memref_slice %arg2[%select_n3A_328, %dma_start3A_397] : memref<100000x128xf32, #tpu.memory_space<hbm>> -> memref<1x128xf32, #tpu.memory_space<hbm>>
            %dma_start3A_399 = arith.constant 0 : i32
            %dma_start3A_400 = tpu.memref_slice %arg10[%add3A_332, %dma_start3A_399] : memref<128x128xf32, #tpu.memory_space<vmem>> -> memref<1x128xf32, #tpu.memory_space<vmem>>
            tpu.enqueue_dma source(%dma_start3A_400 : memref<1x128xf32, #tpu.memory_space<vmem>>) target(%dma_start3A_398 : memref<1x128xf32, #tpu.memory_space<hbm>>) target_semaphore(%run_scoped3A : memref<!tpu.dma_semaphore, #tpu.memory_space<semaphore_mem>>)
            %dma_wait3A_401 = arith.constant 0 : i32
            %dma_wait3A_402 = tpu.memref_slice %arg10[%add3A_332, %dma_wait3A_401] : memref<128x128xf32, #tpu.memory_space<vmem>> -> memref<1x128xf32, #tpu.memory_space<vmem>>
            %dma_wait3A_403 = arith.constant 0 : i32
            %dma_wait3A_404 = tpu.memref_slice %arg2[%select_n3A_328, %dma_wait3A_403] : memref<100000x128xf32, #tpu.memory_space<hbm>> -> memref<1x128xf32, #tpu.memory_space<hbm>>
            %dma_wait3A_405 = arith.constant 0 : i32
            %dma_wait3A_406 = tpu.memref_slice %arg2[%select_n3A_328, %dma_wait3A_405] : memref<100000x128xf32, #tpu.memory_space<hbm>> -> memref<1x128xf32, #tpu.memory_space<hbm>>
            %dma_wait3A_407 = arith.constant 0 : i32
            %dma_wait3A_408 = tpu.memref_slice %arg10[%add3A_332, %dma_wait3A_407] : memref<128x128xf32, #tpu.memory_space<vmem>> -> memref<1x128xf32, #tpu.memory_space<vmem>>
            tpu.wait_dma2 semaphore(%run_scoped3A : memref<!tpu.dma_semaphore, #tpu.memory_space<semaphore_mem>>) src(%dma_wait3A_408 : memref<1x128xf32, #tpu.memory_space<vmem>>) dst(%dma_wait3A_406 : memref<1x128xf32, #tpu.memory_space<hbm>>)
            tpu.yield
          }) : () -> ()
          %mul3A_333 = arith.constant 8 : i32
          %mul3A_334 = arith.muli %scan3A_253, %mul3A_333 : i32
          %add3A_335 = arith.addi %add3A_123, %mul3A_334 : i32
          %add3A_336 = arith.constant 4 : i32
          %add3A_337 = arith.addi %add3A_335, %add3A_336 : i32
          %add3A_338 = arith.addi %squeeze3A, %add3A_337 : i32
          %ge3A_339 = arith.constant 100000 : i32
          %ge3A_340 = arith.cmpi sge, %add3A_338, %ge3A_339 : i32
          %sub3A_341 = arith.constant 100000 : i32
          %sub3A_342 = arith.subi %add3A_338, %sub3A_341 : i32
          %select_n3A_343 = arith.select %ge3A_340, %sub3A_342, %add3A_338 : i32
          %mul3A_344 = arith.constant 8 : i32
          %mul3A_345 = arith.muli %scan3A_253, %mul3A_344 : i32
          %add3A_346 = arith.constant 4 : i32
          %add3A_347 = arith.addi %mul3A_345, %add3A_346 : i32
          "tpu.region"() ({
            %run_scoped3A = tpu.sem_alloc : memref<!tpu.dma_semaphore, #tpu.memory_space<semaphore_mem>>
            %dma_start3A_393 = arith.constant 0 : i32
            %dma_start3A_394 = tpu.memref_slice %arg10[%add3A_347, %dma_start3A_393] : memref<128x128xf32, #tpu.memory_space<vmem>> -> memref<1x128xf32, #tpu.memory_space<vmem>>
            %dma_start3A_395 = arith.constant 0 : i32
            %dma_start3A_396 = tpu.memref_slice %arg2[%select_n3A_343, %dma_start3A_395] : memref<100000x128xf32, #tpu.memory_space<hbm>> -> memref<1x128xf32, #tpu.memory_space<hbm>>
            %dma_start3A_397 = arith.constant 0 : i32
            %dma_start3A_398 = tpu.memref_slice %arg2[%select_n3A_343, %dma_start3A_397] : memref<100000x128xf32, #tpu.memory_space<hbm>> -> memref<1x128xf32, #tpu.memory_space<hbm>>
            %dma_start3A_399 = arith.constant 0 : i32
            %dma_start3A_400 = tpu.memref_slice %arg10[%add3A_347, %dma_start3A_399] : memref<128x128xf32, #tpu.memory_space<vmem>> -> memref<1x128xf32, #tpu.memory_space<vmem>>
            tpu.enqueue_dma source(%dma_start3A_400 : memref<1x128xf32, #tpu.memory_space<vmem>>) target(%dma_start3A_398 : memref<1x128xf32, #tpu.memory_space<hbm>>) target_semaphore(%run_scoped3A : memref<!tpu.dma_semaphore, #tpu.memory_space<semaphore_mem>>)
            %dma_wait3A_401 = arith.constant 0 : i32
            %dma_wait3A_402 = tpu.memref_slice %arg10[%add3A_347, %dma_wait3A_401] : memref<128x128xf32, #tpu.memory_space<vmem>> -> memref<1x128xf32, #tpu.memory_space<vmem>>
            %dma_wait3A_403 = arith.constant 0 : i32
            %dma_wait3A_404 = tpu.memref_slice %arg2[%select_n3A_343, %dma_wait3A_403] : memref<100000x128xf32, #tpu.memory_space<hbm>> -> memref<1x128xf32, #tpu.memory_space<hbm>>
            %dma_wait3A_405 = arith.constant 0 : i32
            %dma_wait3A_406 = tpu.memref_slice %arg2[%select_n3A_343, %dma_wait3A_405] : memref<100000x128xf32, #tpu.memory_space<hbm>> -> memref<1x128xf32, #tpu.memory_space<hbm>>
            %dma_wait3A_407 = arith.constant 0 : i32
            %dma_wait3A_408 = tpu.memref_slice %arg10[%add3A_347, %dma_wait3A_407] : memref<128x128xf32, #tpu.memory_space<vmem>> -> memref<1x128xf32, #tpu.memory_space<vmem>>
            tpu.wait_dma2 semaphore(%run_scoped3A : memref<!tpu.dma_semaphore, #tpu.memory_space<semaphore_mem>>) src(%dma_wait3A_408 : memref<1x128xf32, #tpu.memory_space<vmem>>) dst(%dma_wait3A_406 : memref<1x128xf32, #tpu.memory_space<hbm>>)
            tpu.yield
          }) : () -> ()
          %mul3A_348 = arith.constant 8 : i32
          %mul3A_349 = arith.muli %scan3A_253, %mul3A_348 : i32
          %add3A_350 = arith.addi %add3A_123, %mul3A_349 : i32
          %add3A_351 = arith.constant 5 : i32
          %add3A_352 = arith.addi %add3A_350, %add3A_351 : i32
          %add3A_353 = arith.addi %squeeze3A, %add3A_352 : i32
          %ge3A_354 = arith.constant 100000 : i32
          %ge3A_355 = arith.cmpi sge, %add3A_353, %ge3A_354 : i32
          %sub3A_356 = arith.constant 100000 : i32
          %sub3A_357 = arith.subi %add3A_353, %sub3A_356 : i32
          %select_n3A_358 = arith.select %ge3A_355, %sub3A_357, %add3A_353 : i32
          %mul3A_359 = arith.constant 8 : i32
          %mul3A_360 = arith.muli %scan3A_253, %mul3A_359 : i32
          %add3A_361 = arith.constant 5 : i32
          %add3A_362 = arith.addi %mul3A_360, %add3A_361 : i32
          "tpu.region"() ({
            %run_scoped3A = tpu.sem_alloc : memref<!tpu.dma_semaphore, #tpu.memory_space<semaphore_mem>>
            %dma_start3A_393 = arith.constant 0 : i32
            %dma_start3A_394 = tpu.memref_slice %arg10[%add3A_362, %dma_start3A_393] : memref<128x128xf32, #tpu.memory_space<vmem>> -> memref<1x128xf32, #tpu.memory_space<vmem>>
            %dma_start3A_395 = arith.constant 0 : i32
            %dma_start3A_396 = tpu.memref_slice %arg2[%select_n3A_358, %dma_start3A_395] : memref<100000x128xf32, #tpu.memory_space<hbm>> -> memref<1x128xf32, #tpu.memory_space<hbm>>
            %dma_start3A_397 = arith.constant 0 : i32
            %dma_start3A_398 = tpu.memref_slice %arg2[%select_n3A_358, %dma_start3A_397] : memref<100000x128xf32, #tpu.memory_space<hbm>> -> memref<1x128xf32, #tpu.memory_space<hbm>>
            %dma_start3A_399 = arith.constant 0 : i32
            %dma_start3A_400 = tpu.memref_slice %arg10[%add3A_362, %dma_start3A_399] : memref<128x128xf32, #tpu.memory_space<vmem>> -> memref<1x128xf32, #tpu.memory_space<vmem>>
            tpu.enqueue_dma source(%dma_start3A_400 : memref<1x128xf32, #tpu.memory_space<vmem>>) target(%dma_start3A_398 : memref<1x128xf32, #tpu.memory_space<hbm>>) target_semaphore(%run_scoped3A : memref<!tpu.dma_semaphore, #tpu.memory_space<semaphore_mem>>)
            %dma_wait3A_401 = arith.constant 0 : i32
            %dma_wait3A_402 = tpu.memref_slice %arg10[%add3A_362, %dma_wait3A_401] : memref<128x128xf32, #tpu.memory_space<vmem>> -> memref<1x128xf32, #tpu.memory_space<vmem>>
            %dma_wait3A_403 = arith.constant 0 : i32
            %dma_wait3A_404 = tpu.memref_slice %arg2[%select_n3A_358, %dma_wait3A_403] : memref<100000x128xf32, #tpu.memory_space<hbm>> -> memref<1x128xf32, #tpu.memory_space<hbm>>
            %dma_wait3A_405 = arith.constant 0 : i32
            %dma_wait3A_406 = tpu.memref_slice %arg2[%select_n3A_358, %dma_wait3A_405] : memref<100000x128xf32, #tpu.memory_space<hbm>> -> memref<1x128xf32, #tpu.memory_space<hbm>>
            %dma_wait3A_407 = arith.constant 0 : i32
            %dma_wait3A_408 = tpu.memref_slice %arg10[%add3A_362, %dma_wait3A_407] : memref<128x128xf32, #tpu.memory_space<vmem>> -> memref<1x128xf32, #tpu.memory_space<vmem>>
            tpu.wait_dma2 semaphore(%run_scoped3A : memref<!tpu.dma_semaphore, #tpu.memory_space<semaphore_mem>>) src(%dma_wait3A_408 : memref<1x128xf32, #tpu.memory_space<vmem>>) dst(%dma_wait3A_406 : memref<1x128xf32, #tpu.memory_space<hbm>>)
            tpu.yield
          }) : () -> ()
          %mul3A_363 = arith.constant 8 : i32
          %mul3A_364 = arith.muli %scan3A_253, %mul3A_363 : i32
          %add3A_365 = arith.addi %add3A_123, %mul3A_364 : i32
          %add3A_366 = arith.constant 6 : i32
          %add3A_367 = arith.addi %add3A_365, %add3A_366 : i32
          %add3A_368 = arith.addi %squeeze3A, %add3A_367 : i32
          %ge3A_369 = arith.constant 100000 : i32
          %ge3A_370 = arith.cmpi sge, %add3A_368, %ge3A_369 : i32
          %sub3A_371 = arith.constant 100000 : i32
          %sub3A_372 = arith.subi %add3A_368, %sub3A_371 : i32
          %select_n3A_373 = arith.select %ge3A_370, %sub3A_372, %add3A_368 : i32
          %mul3A_374 = arith.constant 8 : i32
          %mul3A_375 = arith.muli %scan3A_253, %mul3A_374 : i32
          %add3A_376 = arith.constant 6 : i32
          %add3A_377 = arith.addi %mul3A_375, %add3A_376 : i32
          "tpu.region"() ({
            %run_scoped3A = tpu.sem_alloc : memref<!tpu.dma_semaphore, #tpu.memory_space<semaphore_mem>>
            %dma_start3A_393 = arith.constant 0 : i32
            %dma_start3A_394 = tpu.memref_slice %arg10[%add3A_377, %dma_start3A_393] : memref<128x128xf32, #tpu.memory_space<vmem>> -> memref<1x128xf32, #tpu.memory_space<vmem>>
            %dma_start3A_395 = arith.constant 0 : i32
            %dma_start3A_396 = tpu.memref_slice %arg2[%select_n3A_373, %dma_start3A_395] : memref<100000x128xf32, #tpu.memory_space<hbm>> -> memref<1x128xf32, #tpu.memory_space<hbm>>
            %dma_start3A_397 = arith.constant 0 : i32
            %dma_start3A_398 = tpu.memref_slice %arg2[%select_n3A_373, %dma_start3A_397] : memref<100000x128xf32, #tpu.memory_space<hbm>> -> memref<1x128xf32, #tpu.memory_space<hbm>>
            %dma_start3A_399 = arith.constant 0 : i32
            %dma_start3A_400 = tpu.memref_slice %arg10[%add3A_377, %dma_start3A_399] : memref<128x128xf32, #tpu.memory_space<vmem>> -> memref<1x128xf32, #tpu.memory_space<vmem>>
            tpu.enqueue_dma source(%dma_start3A_400 : memref<1x128xf32, #tpu.memory_space<vmem>>) target(%dma_start3A_398 : memref<1x128xf32, #tpu.memory_space<hbm>>) target_semaphore(%run_scoped3A : memref<!tpu.dma_semaphore, #tpu.memory_space<semaphore_mem>>)
            %dma_wait3A_401 = arith.constant 0 : i32
            %dma_wait3A_402 = tpu.memref_slice %arg10[%add3A_377, %dma_wait3A_401] : memref<128x128xf32, #tpu.memory_space<vmem>> -> memref<1x128xf32, #tpu.memory_space<vmem>>
            %dma_wait3A_403 = arith.constant 0 : i32
            %dma_wait3A_404 = tpu.memref_slice %arg2[%select_n3A_373, %dma_wait3A_403] : memref<100000x128xf32, #tpu.memory_space<hbm>> -> memref<1x128xf32, #tpu.memory_space<hbm>>
            %dma_wait3A_405 = arith.constant 0 : i32
            %dma_wait3A_406 = tpu.memref_slice %arg2[%select_n3A_373, %dma_wait3A_405] : memref<100000x128xf32, #tpu.memory_space<hbm>> -> memref<1x128xf32, #tpu.memory_space<hbm>>
            %dma_wait3A_407 = arith.constant 0 : i32
            %dma_wait3A_408 = tpu.memref_slice %arg10[%add3A_377, %dma_wait3A_407] : memref<128x128xf32, #tpu.memory_space<vmem>> -> memref<1x128xf32, #tpu.memory_space<vmem>>
            tpu.wait_dma2 semaphore(%run_scoped3A : memref<!tpu.dma_semaphore, #tpu.memory_space<semaphore_mem>>) src(%dma_wait3A_408 : memref<1x128xf32, #tpu.memory_space<vmem>>) dst(%dma_wait3A_406 : memref<1x128xf32, #tpu.memory_space<hbm>>)
            tpu.yield
          }) : () -> ()
          %mul3A_378 = arith.constant 8 : i32
          %mul3A_379 = arith.muli %scan3A_253, %mul3A_378 : i32
          %add3A_380 = arith.addi %add3A_123, %mul3A_379 : i32
          %add3A_381 = arith.constant 7 : i32
          %add3A_382 = arith.addi %add3A_380, %add3A_381 : i32
          %add3A_383 = arith.addi %squeeze3A, %add3A_382 : i32
          %ge3A_384 = arith.constant 100000 : i32
          %ge3A_385 = arith.cmpi sge, %add3A_383, %ge3A_384 : i32
          %sub3A_386 = arith.constant 100000 : i32
          %sub3A_387 = arith.subi %add3A_383, %sub3A_386 : i32
          %select_n3A_388 = arith.select %ge3A_385, %sub3A_387, %add3A_383 : i32
          %mul3A_389 = arith.constant 8 : i32
          %mul3A_390 = arith.muli %scan3A_253, %mul3A_389 : i32
          %add3A_391 = arith.constant 7 : i32
          %add3A_392 = arith.addi %mul3A_390, %add3A_391 : i32
          "tpu.region"() ({
            %run_scoped3A = tpu.sem_alloc : memref<!tpu.dma_semaphore, #tpu.memory_space<semaphore_mem>>
            %dma_start3A_393 = arith.constant 0 : i32
            %dma_start3A_394 = tpu.memref_slice %arg10[%add3A_392, %dma_start3A_393] : memref<128x128xf32, #tpu.memory_space<vmem>> -> memref<1x128xf32, #tpu.memory_space<vmem>>
            %dma_start3A_395 = arith.constant 0 : i32
            %dma_start3A_396 = tpu.memref_slice %arg2[%select_n3A_388, %dma_start3A_395] : memref<100000x128xf32, #tpu.memory_space<hbm>> -> memref<1x128xf32, #tpu.memory_space<hbm>>
            %dma_start3A_397 = arith.constant 0 : i32
            %dma_start3A_398 = tpu.memref_slice %arg2[%select_n3A_388, %dma_start3A_397] : memref<100000x128xf32, #tpu.memory_space<hbm>> -> memref<1x128xf32, #tpu.memory_space<hbm>>
            %dma_start3A_399 = arith.constant 0 : i32
            %dma_start3A_400 = tpu.memref_slice %arg10[%add3A_392, %dma_start3A_399] : memref<128x128xf32, #tpu.memory_space<vmem>> -> memref<1x128xf32, #tpu.memory_space<vmem>>
            tpu.enqueue_dma source(%dma_start3A_400 : memref<1x128xf32, #tpu.memory_space<vmem>>) target(%dma_start3A_398 : memref<1x128xf32, #tpu.memory_space<hbm>>) target_semaphore(%run_scoped3A : memref<!tpu.dma_semaphore, #tpu.memory_space<semaphore_mem>>)
            %dma_wait3A_401 = arith.constant 0 : i32
            %dma_wait3A_402 = tpu.memref_slice %arg10[%add3A_392, %dma_wait3A_401] : memref<128x128xf32, #tpu.memory_space<vmem>> -> memref<1x128xf32, #tpu.memory_space<vmem>>
            %dma_wait3A_403 = arith.constant 0 : i32
            %dma_wait3A_404 = tpu.memref_slice %arg2[%select_n3A_388, %dma_wait3A_403] : memref<100000x128xf32, #tpu.memory_space<hbm>> -> memref<1x128xf32, #tpu.memory_space<hbm>>
            %dma_wait3A_405 = arith.constant 0 : i32
            %dma_wait3A_406 = tpu.memref_slice %arg2[%select_n3A_388, %dma_wait3A_405] : memref<100000x128xf32, #tpu.memory_space<hbm>> -> memref<1x128xf32, #tpu.memory_space<hbm>>
            %dma_wait3A_407 = arith.constant 0 : i32
            %dma_wait3A_408 = tpu.memref_slice %arg10[%add3A_392, %dma_wait3A_407] : memref<128x128xf32, #tpu.memory_space<vmem>> -> memref<1x128xf32, #tpu.memory_space<vmem>>
            tpu.wait_dma2 semaphore(%run_scoped3A : memref<!tpu.dma_semaphore, #tpu.memory_space<semaphore_mem>>) src(%dma_wait3A_408 : memref<1x128xf32, #tpu.memory_space<vmem>>) dst(%dma_wait3A_406 : memref<1x128xf32, #tpu.memory_space<hbm>>)
            tpu.yield
          }) : () -> ()
        } else {
        }
      }
      %scan3A_252 = arith.constant 16 : i32
    } else {
    }
    %add3A_146 = arith.constant 256 : i32
    %add3A_147 = arith.addi %mul3A_2, %add3A_146 : i32
    %add3A_148 = arith.addi %squeeze3A, %add3A_147 : i32
    %ge3A_149 = arith.constant 100000 : i32
    %ge3A_150 = arith.cmpi sge, %add3A_148, %ge3A_149 : i32
    %sub3A_151 = arith.constant 100000 : i32
    %sub3A_152 = arith.subi %add3A_148, %sub3A_151 : i32
    %select_n3A_153 = arith.select %ge3A_150, %sub3A_152, %add3A_148 : i32
    %dma_wait3A_154 = arith.constant 0 : i32
    %dma_wait3A_155 = arith.constant 0 : i32
    %dma_wait3A_156 = tpu.memref_slice %arg4[%dma_wait3A_154, %dma_wait3A_155] : memref<16384x128xf32, #tpu.memory_space<hbm>> -> memref<128x128xf32, #tpu.memory_space<hbm>>
    %dma_wait3A_157 = arith.constant 0 : i32
    %dma_wait3A_158 = arith.constant 0 : i32
    %dma_wait3A_159 = tpu.memref_slice %arg4[%dma_wait3A_157, %dma_wait3A_158] : memref<16384x128xf32, #tpu.memory_space<hbm>> -> memref<128x128xf32, #tpu.memory_space<hbm>>
    tpu.wait_dma2 semaphore(%arg18 : memref<!tpu.dma_semaphore, #tpu.memory_space<semaphore_mem>>) src(%dma_wait3A_159 : memref<128x128xf32, #tpu.memory_space<hbm>>) dst(%arg11 : memref<128x128xf32, #tpu.memory_space<vmem>>)
    %gt3A_160 = arith.constant 99872 : i32
    %gt3A_161 = arith.cmpi sgt, %select_n3A_153, %gt3A_160 : i32
    %not3A_162 = arith.constant true
    %not3A_163 = arith.xori %gt3A_161, %not3A_162 : i1
    %convert_element_type3A_164 = arith.extui %not3A_163 : i1 to i32
    %cond3A_165 = arith.constant 0 : i32
    %cond3A_166 = arith.cmpi ne, %convert_element_type3A_164, %cond3A_165 : i32
    scf.if %cond3A_166 {
      %dma_start3A_248 = arith.constant 0 : i32
      %dma_start3A_249 = tpu.memref_slice %arg2[%select_n3A_153, %dma_start3A_248] : memref<100000x128xf32, #tpu.memory_space<hbm>> -> memref<128x128xf32, #tpu.memory_space<hbm>>
      %dma_start3A_250 = arith.constant 0 : i32
      %dma_start3A_251 = tpu.memref_slice %arg2[%select_n3A_153, %dma_start3A_250] : memref<100000x128xf32, #tpu.memory_space<hbm>> -> memref<128x128xf32, #tpu.memory_space<hbm>>
      tpu.enqueue_dma source(%arg11 : memref<128x128xf32, #tpu.memory_space<vmem>>) target(%dma_start3A_251 : memref<128x128xf32, #tpu.memory_space<hbm>>) target_semaphore(%arg22 : memref<!tpu.dma_semaphore, #tpu.memory_space<semaphore_mem>>)
    } else {
    }
    %convert_element_type3A_167 = arith.extui %gt3A_161 : i1 to i32
    %cond3A_168 = arith.constant 0 : i32
    %cond3A_169 = arith.cmpi ne, %convert_element_type3A_167, %cond3A_168 : i32
    scf.if %cond3A_169 {
      %scan3A = arith.constant 0 : i32
      %scan3A_248 = arith.constant 0 : i32
      %scan3A_249 = arith.constant 16 : i32
      %scan3A_250 = arith.addi %scan3A_248, %scan3A_249 : i32
      %scan3A_251 = arith.constant 1 : i32
      scf.for %scan3A_253 = %scan3A_248 to %scan3A_250 step %scan3A_251  : i32 {
        %mul3A_254 = arith.constant 8 : i32
        %mul3A_255 = arith.muli %scan3A_253, %mul3A_254 : i32
        %add3A_256 = arith.addi %add3A_147, %mul3A_255 : i32
        %add3A_257 = arith.addi %squeeze3A, %add3A_256 : i32
        %ge3A_258 = arith.constant 100000 : i32
        %ge3A_259 = arith.cmpi sge, %add3A_257, %ge3A_258 : i32
        %sub3A_260 = arith.constant 100000 : i32
        %sub3A_261 = arith.subi %add3A_257, %sub3A_260 : i32
        %select_n3A_262 = arith.select %ge3A_259, %sub3A_261, %add3A_257 : i32
        %gt3A_263 = arith.constant 99992 : i32
        %gt3A_264 = arith.cmpi sgt, %select_n3A_262, %gt3A_263 : i32
        %not3A_265 = arith.constant true
        %not3A_266 = arith.xori %gt3A_264, %not3A_265 : i1
        %convert_element_type3A_267 = arith.extui %not3A_266 : i1 to i32
        %cond3A_268 = arith.constant 0 : i32
        %cond3A_269 = arith.cmpi ne, %convert_element_type3A_267, %cond3A_268 : i32
        scf.if %cond3A_269 {
          %mul3A_273 = arith.constant 8 : i32
          %mul3A_274 = arith.muli %scan3A_253, %mul3A_273 : i32
          "tpu.region"() ({
            %run_scoped3A = tpu.sem_alloc : memref<!tpu.dma_semaphore, #tpu.memory_space<semaphore_mem>>
            %dma_start3A_275 = arith.constant 0 : i32
            %dma_start3A_276 = tpu.memref_slice %arg11[%mul3A_274, %dma_start3A_275] : memref<128x128xf32, #tpu.memory_space<vmem>> -> memref<8x128xf32, #tpu.memory_space<vmem>>
            %dma_start3A_277 = arith.constant 0 : i32
            %dma_start3A_278 = tpu.memref_slice %arg2[%select_n3A_262, %dma_start3A_277] : memref<100000x128xf32, #tpu.memory_space<hbm>> -> memref<8x128xf32, #tpu.memory_space<hbm>>
            %dma_start3A_279 = arith.constant 0 : i32
            %dma_start3A_280 = tpu.memref_slice %arg2[%select_n3A_262, %dma_start3A_279] : memref<100000x128xf32, #tpu.memory_space<hbm>> -> memref<8x128xf32, #tpu.memory_space<hbm>>
            %dma_start3A_281 = arith.constant 0 : i32
            %dma_start3A_282 = tpu.memref_slice %arg11[%mul3A_274, %dma_start3A_281] : memref<128x128xf32, #tpu.memory_space<vmem>> -> memref<8x128xf32, #tpu.memory_space<vmem>>
            tpu.enqueue_dma source(%dma_start3A_282 : memref<8x128xf32, #tpu.memory_space<vmem>>) target(%dma_start3A_280 : memref<8x128xf32, #tpu.memory_space<hbm>>) target_semaphore(%run_scoped3A : memref<!tpu.dma_semaphore, #tpu.memory_space<semaphore_mem>>)
            %dma_wait3A_283 = arith.constant 0 : i32
            %dma_wait3A_284 = tpu.memref_slice %arg11[%mul3A_274, %dma_wait3A_283] : memref<128x128xf32, #tpu.memory_space<vmem>> -> memref<8x128xf32, #tpu.memory_space<vmem>>
            %dma_wait3A_285 = arith.constant 0 : i32
            %dma_wait3A_286 = tpu.memref_slice %arg2[%select_n3A_262, %dma_wait3A_285] : memref<100000x128xf32, #tpu.memory_space<hbm>> -> memref<8x128xf32, #tpu.memory_space<hbm>>
            %dma_wait3A_287 = arith.constant 0 : i32
            %dma_wait3A_288 = tpu.memref_slice %arg2[%select_n3A_262, %dma_wait3A_287] : memref<100000x128xf32, #tpu.memory_space<hbm>> -> memref<8x128xf32, #tpu.memory_space<hbm>>
            %dma_wait3A_289 = arith.constant 0 : i32
            %dma_wait3A_290 = tpu.memref_slice %arg11[%mul3A_274, %dma_wait3A_289] : memref<128x128xf32, #tpu.memory_space<vmem>> -> memref<8x128xf32, #tpu.memory_space<vmem>>
            tpu.wait_dma2 semaphore(%run_scoped3A : memref<!tpu.dma_semaphore, #tpu.memory_space<semaphore_mem>>) src(%dma_wait3A_290 : memref<8x128xf32, #tpu.memory_space<vmem>>) dst(%dma_wait3A_288 : memref<8x128xf32, #tpu.memory_space<hbm>>)
            tpu.yield
          }) : () -> ()
        } else {
        }
        %convert_element_type3A_270 = arith.extui %gt3A_264 : i1 to i32
        %cond3A_271 = arith.constant 0 : i32
        %cond3A_272 = arith.cmpi ne, %convert_element_type3A_270, %cond3A_271 : i32
        scf.if %cond3A_272 {
          %mul3A_273 = arith.constant 8 : i32
          %mul3A_274 = arith.muli %scan3A_253, %mul3A_273 : i32
          %add3A_275 = arith.addi %add3A_147, %mul3A_274 : i32
          %add3A_276 = arith.constant 0 : i32
          %add3A_277 = arith.addi %add3A_275, %add3A_276 : i32
          %add3A_278 = arith.addi %squeeze3A, %add3A_277 : i32
          %ge3A_279 = arith.constant 100000 : i32
          %ge3A_280 = arith.cmpi sge, %add3A_278, %ge3A_279 : i32
          %sub3A_281 = arith.constant 100000 : i32
          %sub3A_282 = arith.subi %add3A_278, %sub3A_281 : i32
          %select_n3A_283 = arith.select %ge3A_280, %sub3A_282, %add3A_278 : i32
          %mul3A_284 = arith.constant 8 : i32
          %mul3A_285 = arith.muli %scan3A_253, %mul3A_284 : i32
          %add3A_286 = arith.constant 0 : i32
          %add3A_287 = arith.addi %mul3A_285, %add3A_286 : i32
          "tpu.region"() ({
            %run_scoped3A = tpu.sem_alloc : memref<!tpu.dma_semaphore, #tpu.memory_space<semaphore_mem>>
            %dma_start3A_393 = arith.constant 0 : i32
            %dma_start3A_394 = tpu.memref_slice %arg11[%add3A_287, %dma_start3A_393] : memref<128x128xf32, #tpu.memory_space<vmem>> -> memref<1x128xf32, #tpu.memory_space<vmem>>
            %dma_start3A_395 = arith.constant 0 : i32
            %dma_start3A_396 = tpu.memref_slice %arg2[%select_n3A_283, %dma_start3A_395] : memref<100000x128xf32, #tpu.memory_space<hbm>> -> memref<1x128xf32, #tpu.memory_space<hbm>>
            %dma_start3A_397 = arith.constant 0 : i32
            %dma_start3A_398 = tpu.memref_slice %arg2[%select_n3A_283, %dma_start3A_397] : memref<100000x128xf32, #tpu.memory_space<hbm>> -> memref<1x128xf32, #tpu.memory_space<hbm>>
            %dma_start3A_399 = arith.constant 0 : i32
            %dma_start3A_400 = tpu.memref_slice %arg11[%add3A_287, %dma_start3A_399] : memref<128x128xf32, #tpu.memory_space<vmem>> -> memref<1x128xf32, #tpu.memory_space<vmem>>
            tpu.enqueue_dma source(%dma_start3A_400 : memref<1x128xf32, #tpu.memory_space<vmem>>) target(%dma_start3A_398 : memref<1x128xf32, #tpu.memory_space<hbm>>) target_semaphore(%run_scoped3A : memref<!tpu.dma_semaphore, #tpu.memory_space<semaphore_mem>>)
            %dma_wait3A_401 = arith.constant 0 : i32
            %dma_wait3A_402 = tpu.memref_slice %arg11[%add3A_287, %dma_wait3A_401] : memref<128x128xf32, #tpu.memory_space<vmem>> -> memref<1x128xf32, #tpu.memory_space<vmem>>
            %dma_wait3A_403 = arith.constant 0 : i32
            %dma_wait3A_404 = tpu.memref_slice %arg2[%select_n3A_283, %dma_wait3A_403] : memref<100000x128xf32, #tpu.memory_space<hbm>> -> memref<1x128xf32, #tpu.memory_space<hbm>>
            %dma_wait3A_405 = arith.constant 0 : i32
            %dma_wait3A_406 = tpu.memref_slice %arg2[%select_n3A_283, %dma_wait3A_405] : memref<100000x128xf32, #tpu.memory_space<hbm>> -> memref<1x128xf32, #tpu.memory_space<hbm>>
            %dma_wait3A_407 = arith.constant 0 : i32
            %dma_wait3A_408 = tpu.memref_slice %arg11[%add3A_287, %dma_wait3A_407] : memref<128x128xf32, #tpu.memory_space<vmem>> -> memref<1x128xf32, #tpu.memory_space<vmem>>
            tpu.wait_dma2 semaphore(%run_scoped3A : memref<!tpu.dma_semaphore, #tpu.memory_space<semaphore_mem>>) src(%dma_wait3A_408 : memref<1x128xf32, #tpu.memory_space<vmem>>) dst(%dma_wait3A_406 : memref<1x128xf32, #tpu.memory_space<hbm>>)
            tpu.yield
          }) : () -> ()
          %mul3A_288 = arith.constant 8 : i32
          %mul3A_289 = arith.muli %scan3A_253, %mul3A_288 : i32
          %add3A_290 = arith.addi %add3A_147, %mul3A_289 : i32
          %add3A_291 = arith.constant 1 : i32
          %add3A_292 = arith.addi %add3A_290, %add3A_291 : i32
          %add3A_293 = arith.addi %squeeze3A, %add3A_292 : i32
          %ge3A_294 = arith.constant 100000 : i32
          %ge3A_295 = arith.cmpi sge, %add3A_293, %ge3A_294 : i32
          %sub3A_296 = arith.constant 100000 : i32
          %sub3A_297 = arith.subi %add3A_293, %sub3A_296 : i32
          %select_n3A_298 = arith.select %ge3A_295, %sub3A_297, %add3A_293 : i32
          %mul3A_299 = arith.constant 8 : i32
          %mul3A_300 = arith.muli %scan3A_253, %mul3A_299 : i32
          %add3A_301 = arith.constant 1 : i32
          %add3A_302 = arith.addi %mul3A_300, %add3A_301 : i32
          "tpu.region"() ({
            %run_scoped3A = tpu.sem_alloc : memref<!tpu.dma_semaphore, #tpu.memory_space<semaphore_mem>>
            %dma_start3A_393 = arith.constant 0 : i32
            %dma_start3A_394 = tpu.memref_slice %arg11[%add3A_302, %dma_start3A_393] : memref<128x128xf32, #tpu.memory_space<vmem>> -> memref<1x128xf32, #tpu.memory_space<vmem>>
            %dma_start3A_395 = arith.constant 0 : i32
            %dma_start3A_396 = tpu.memref_slice %arg2[%select_n3A_298, %dma_start3A_395] : memref<100000x128xf32, #tpu.memory_space<hbm>> -> memref<1x128xf32, #tpu.memory_space<hbm>>
            %dma_start3A_397 = arith.constant 0 : i32
            %dma_start3A_398 = tpu.memref_slice %arg2[%select_n3A_298, %dma_start3A_397] : memref<100000x128xf32, #tpu.memory_space<hbm>> -> memref<1x128xf32, #tpu.memory_space<hbm>>
            %dma_start3A_399 = arith.constant 0 : i32
            %dma_start3A_400 = tpu.memref_slice %arg11[%add3A_302, %dma_start3A_399] : memref<128x128xf32, #tpu.memory_space<vmem>> -> memref<1x128xf32, #tpu.memory_space<vmem>>
            tpu.enqueue_dma source(%dma_start3A_400 : memref<1x128xf32, #tpu.memory_space<vmem>>) target(%dma_start3A_398 : memref<1x128xf32, #tpu.memory_space<hbm>>) target_semaphore(%run_scoped3A : memref<!tpu.dma_semaphore, #tpu.memory_space<semaphore_mem>>)
            %dma_wait3A_401 = arith.constant 0 : i32
            %dma_wait3A_402 = tpu.memref_slice %arg11[%add3A_302, %dma_wait3A_401] : memref<128x128xf32, #tpu.memory_space<vmem>> -> memref<1x128xf32, #tpu.memory_space<vmem>>
            %dma_wait3A_403 = arith.constant 0 : i32
            %dma_wait3A_404 = tpu.memref_slice %arg2[%select_n3A_298, %dma_wait3A_403] : memref<100000x128xf32, #tpu.memory_space<hbm>> -> memref<1x128xf32, #tpu.memory_space<hbm>>
            %dma_wait3A_405 = arith.constant 0 : i32
            %dma_wait3A_406 = tpu.memref_slice %arg2[%select_n3A_298, %dma_wait3A_405] : memref<100000x128xf32, #tpu.memory_space<hbm>> -> memref<1x128xf32, #tpu.memory_space<hbm>>
            %dma_wait3A_407 = arith.constant 0 : i32
            %dma_wait3A_408 = tpu.memref_slice %arg11[%add3A_302, %dma_wait3A_407] : memref<128x128xf32, #tpu.memory_space<vmem>> -> memref<1x128xf32, #tpu.memory_space<vmem>>
            tpu.wait_dma2 semaphore(%run_scoped3A : memref<!tpu.dma_semaphore, #tpu.memory_space<semaphore_mem>>) src(%dma_wait3A_408 : memref<1x128xf32, #tpu.memory_space<vmem>>) dst(%dma_wait3A_406 : memref<1x128xf32, #tpu.memory_space<hbm>>)
            tpu.yield
          }) : () -> ()
          %mul3A_303 = arith.constant 8 : i32
          %mul3A_304 = arith.muli %scan3A_253, %mul3A_303 : i32
          %add3A_305 = arith.addi %add3A_147, %mul3A_304 : i32
          %add3A_306 = arith.constant 2 : i32
          %add3A_307 = arith.addi %add3A_305, %add3A_306 : i32
          %add3A_308 = arith.addi %squeeze3A, %add3A_307 : i32
          %ge3A_309 = arith.constant 100000 : i32
          %ge3A_310 = arith.cmpi sge, %add3A_308, %ge3A_309 : i32
          %sub3A_311 = arith.constant 100000 : i32
          %sub3A_312 = arith.subi %add3A_308, %sub3A_311 : i32
          %select_n3A_313 = arith.select %ge3A_310, %sub3A_312, %add3A_308 : i32
          %mul3A_314 = arith.constant 8 : i32
          %mul3A_315 = arith.muli %scan3A_253, %mul3A_314 : i32
          %add3A_316 = arith.constant 2 : i32
          %add3A_317 = arith.addi %mul3A_315, %add3A_316 : i32
          "tpu.region"() ({
            %run_scoped3A = tpu.sem_alloc : memref<!tpu.dma_semaphore, #tpu.memory_space<semaphore_mem>>
            %dma_start3A_393 = arith.constant 0 : i32
            %dma_start3A_394 = tpu.memref_slice %arg11[%add3A_317, %dma_start3A_393] : memref<128x128xf32, #tpu.memory_space<vmem>> -> memref<1x128xf32, #tpu.memory_space<vmem>>
            %dma_start3A_395 = arith.constant 0 : i32
            %dma_start3A_396 = tpu.memref_slice %arg2[%select_n3A_313, %dma_start3A_395] : memref<100000x128xf32, #tpu.memory_space<hbm>> -> memref<1x128xf32, #tpu.memory_space<hbm>>
            %dma_start3A_397 = arith.constant 0 : i32
            %dma_start3A_398 = tpu.memref_slice %arg2[%select_n3A_313, %dma_start3A_397] : memref<100000x128xf32, #tpu.memory_space<hbm>> -> memref<1x128xf32, #tpu.memory_space<hbm>>
            %dma_start3A_399 = arith.constant 0 : i32
            %dma_start3A_400 = tpu.memref_slice %arg11[%add3A_317, %dma_start3A_399] : memref<128x128xf32, #tpu.memory_space<vmem>> -> memref<1x128xf32, #tpu.memory_space<vmem>>
            tpu.enqueue_dma source(%dma_start3A_400 : memref<1x128xf32, #tpu.memory_space<vmem>>) target(%dma_start3A_398 : memref<1x128xf32, #tpu.memory_space<hbm>>) target_semaphore(%run_scoped3A : memref<!tpu.dma_semaphore, #tpu.memory_space<semaphore_mem>>)
            %dma_wait3A_401 = arith.constant 0 : i32
            %dma_wait3A_402 = tpu.memref_slice %arg11[%add3A_317, %dma_wait3A_401] : memref<128x128xf32, #tpu.memory_space<vmem>> -> memref<1x128xf32, #tpu.memory_space<vmem>>
            %dma_wait3A_403 = arith.constant 0 : i32
            %dma_wait3A_404 = tpu.memref_slice %arg2[%select_n3A_313, %dma_wait3A_403] : memref<100000x128xf32, #tpu.memory_space<hbm>> -> memref<1x128xf32, #tpu.memory_space<hbm>>
            %dma_wait3A_405 = arith.constant 0 : i32
            %dma_wait3A_406 = tpu.memref_slice %arg2[%select_n3A_313, %dma_wait3A_405] : memref<100000x128xf32, #tpu.memory_space<hbm>> -> memref<1x128xf32, #tpu.memory_space<hbm>>
            %dma_wait3A_407 = arith.constant 0 : i32
            %dma_wait3A_408 = tpu.memref_slice %arg11[%add3A_317, %dma_wait3A_407] : memref<128x128xf32, #tpu.memory_space<vmem>> -> memref<1x128xf32, #tpu.memory_space<vmem>>
            tpu.wait_dma2 semaphore(%run_scoped3A : memref<!tpu.dma_semaphore, #tpu.memory_space<semaphore_mem>>) src(%dma_wait3A_408 : memref<1x128xf32, #tpu.memory_space<vmem>>) dst(%dma_wait3A_406 : memref<1x128xf32, #tpu.memory_space<hbm>>)
            tpu.yield
          }) : () -> ()
          %mul3A_318 = arith.constant 8 : i32
          %mul3A_319 = arith.muli %scan3A_253, %mul3A_318 : i32
          %add3A_320 = arith.addi %add3A_147, %mul3A_319 : i32
          %add3A_321 = arith.constant 3 : i32
          %add3A_322 = arith.addi %add3A_320, %add3A_321 : i32
          %add3A_323 = arith.addi %squeeze3A, %add3A_322 : i32
          %ge3A_324 = arith.constant 100000 : i32
          %ge3A_325 = arith.cmpi sge, %add3A_323, %ge3A_324 : i32
          %sub3A_326 = arith.constant 100000 : i32
          %sub3A_327 = arith.subi %add3A_323, %sub3A_326 : i32
          %select_n3A_328 = arith.select %ge3A_325, %sub3A_327, %add3A_323 : i32
          %mul3A_329 = arith.constant 8 : i32
          %mul3A_330 = arith.muli %scan3A_253, %mul3A_329 : i32
          %add3A_331 = arith.constant 3 : i32
          %add3A_332 = arith.addi %mul3A_330, %add3A_331 : i32
          "tpu.region"() ({
            %run_scoped3A = tpu.sem_alloc : memref<!tpu.dma_semaphore, #tpu.memory_space<semaphore_mem>>
            %dma_start3A_393 = arith.constant 0 : i32
            %dma_start3A_394 = tpu.memref_slice %arg11[%add3A_332, %dma_start3A_393] : memref<128x128xf32, #tpu.memory_space<vmem>> -> memref<1x128xf32, #tpu.memory_space<vmem>>
            %dma_start3A_395 = arith.constant 0 : i32
            %dma_start3A_396 = tpu.memref_slice %arg2[%select_n3A_328, %dma_start3A_395] : memref<100000x128xf32, #tpu.memory_space<hbm>> -> memref<1x128xf32, #tpu.memory_space<hbm>>
            %dma_start3A_397 = arith.constant 0 : i32
            %dma_start3A_398 = tpu.memref_slice %arg2[%select_n3A_328, %dma_start3A_397] : memref<100000x128xf32, #tpu.memory_space<hbm>> -> memref<1x128xf32, #tpu.memory_space<hbm>>
            %dma_start3A_399 = arith.constant 0 : i32
            %dma_start3A_400 = tpu.memref_slice %arg11[%add3A_332, %dma_start3A_399] : memref<128x128xf32, #tpu.memory_space<vmem>> -> memref<1x128xf32, #tpu.memory_space<vmem>>
            tpu.enqueue_dma source(%dma_start3A_400 : memref<1x128xf32, #tpu.memory_space<vmem>>) target(%dma_start3A_398 : memref<1x128xf32, #tpu.memory_space<hbm>>) target_semaphore(%run_scoped3A : memref<!tpu.dma_semaphore, #tpu.memory_space<semaphore_mem>>)
            %dma_wait3A_401 = arith.constant 0 : i32
            %dma_wait3A_402 = tpu.memref_slice %arg11[%add3A_332, %dma_wait3A_401] : memref<128x128xf32, #tpu.memory_space<vmem>> -> memref<1x128xf32, #tpu.memory_space<vmem>>
            %dma_wait3A_403 = arith.constant 0 : i32
            %dma_wait3A_404 = tpu.memref_slice %arg2[%select_n3A_328, %dma_wait3A_403] : memref<100000x128xf32, #tpu.memory_space<hbm>> -> memref<1x128xf32, #tpu.memory_space<hbm>>
            %dma_wait3A_405 = arith.constant 0 : i32
            %dma_wait3A_406 = tpu.memref_slice %arg2[%select_n3A_328, %dma_wait3A_405] : memref<100000x128xf32, #tpu.memory_space<hbm>> -> memref<1x128xf32, #tpu.memory_space<hbm>>
            %dma_wait3A_407 = arith.constant 0 : i32
            %dma_wait3A_408 = tpu.memref_slice %arg11[%add3A_332, %dma_wait3A_407] : memref<128x128xf32, #tpu.memory_space<vmem>> -> memref<1x128xf32, #tpu.memory_space<vmem>>
            tpu.wait_dma2 semaphore(%run_scoped3A : memref<!tpu.dma_semaphore, #tpu.memory_space<semaphore_mem>>) src(%dma_wait3A_408 : memref<1x128xf32, #tpu.memory_space<vmem>>) dst(%dma_wait3A_406 : memref<1x128xf32, #tpu.memory_space<hbm>>)
            tpu.yield
          }) : () -> ()
          %mul3A_333 = arith.constant 8 : i32
          %mul3A_334 = arith.muli %scan3A_253, %mul3A_333 : i32
          %add3A_335 = arith.addi %add3A_147, %mul3A_334 : i32
          %add3A_336 = arith.constant 4 : i32
          %add3A_337 = arith.addi %add3A_335, %add3A_336 : i32
          %add3A_338 = arith.addi %squeeze3A, %add3A_337 : i32
          %ge3A_339 = arith.constant 100000 : i32
          %ge3A_340 = arith.cmpi sge, %add3A_338, %ge3A_339 : i32
          %sub3A_341 = arith.constant 100000 : i32
          %sub3A_342 = arith.subi %add3A_338, %sub3A_341 : i32
          %select_n3A_343 = arith.select %ge3A_340, %sub3A_342, %add3A_338 : i32
          %mul3A_344 = arith.constant 8 : i32
          %mul3A_345 = arith.muli %scan3A_253, %mul3A_344 : i32
          %add3A_346 = arith.constant 4 : i32
          %add3A_347 = arith.addi %mul3A_345, %add3A_346 : i32
          "tpu.region"() ({
            %run_scoped3A = tpu.sem_alloc : memref<!tpu.dma_semaphore, #tpu.memory_space<semaphore_mem>>
            %dma_start3A_393 = arith.constant 0 : i32
            %dma_start3A_394 = tpu.memref_slice %arg11[%add3A_347, %dma_start3A_393] : memref<128x128xf32, #tpu.memory_space<vmem>> -> memref<1x128xf32, #tpu.memory_space<vmem>>
            %dma_start3A_395 = arith.constant 0 : i32
            %dma_start3A_396 = tpu.memref_slice %arg2[%select_n3A_343, %dma_start3A_395] : memref<100000x128xf32, #tpu.memory_space<hbm>> -> memref<1x128xf32, #tpu.memory_space<hbm>>
            %dma_start3A_397 = arith.constant 0 : i32
            %dma_start3A_398 = tpu.memref_slice %arg2[%select_n3A_343, %dma_start3A_397] : memref<100000x128xf32, #tpu.memory_space<hbm>> -> memref<1x128xf32, #tpu.memory_space<hbm>>
            %dma_start3A_399 = arith.constant 0 : i32
            %dma_start3A_400 = tpu.memref_slice %arg11[%add3A_347, %dma_start3A_399] : memref<128x128xf32, #tpu.memory_space<vmem>> -> memref<1x128xf32, #tpu.memory_space<vmem>>
            tpu.enqueue_dma source(%dma_start3A_400 : memref<1x128xf32, #tpu.memory_space<vmem>>) target(%dma_start3A_398 : memref<1x128xf32, #tpu.memory_space<hbm>>) target_semaphore(%run_scoped3A : memref<!tpu.dma_semaphore, #tpu.memory_space<semaphore_mem>>)
            %dma_wait3A_401 = arith.constant 0 : i32
            %dma_wait3A_402 = tpu.memref_slice %arg11[%add3A_347, %dma_wait3A_401] : memref<128x128xf32, #tpu.memory_space<vmem>> -> memref<1x128xf32, #tpu.memory_space<vmem>>
            %dma_wait3A_403 = arith.constant 0 : i32
            %dma_wait3A_404 = tpu.memref_slice %arg2[%select_n3A_343, %dma_wait3A_403] : memref<100000x128xf32, #tpu.memory_space<hbm>> -> memref<1x128xf32, #tpu.memory_space<hbm>>
            %dma_wait3A_405 = arith.constant 0 : i32
            %dma_wait3A_406 = tpu.memref_slice %arg2[%select_n3A_343, %dma_wait3A_405] : memref<100000x128xf32, #tpu.memory_space<hbm>> -> memref<1x128xf32, #tpu.memory_space<hbm>>
            %dma_wait3A_407 = arith.constant 0 : i32
            %dma_wait3A_408 = tpu.memref_slice %arg11[%add3A_347, %dma_wait3A_407] : memref<128x128xf32, #tpu.memory_space<vmem>> -> memref<1x128xf32, #tpu.memory_space<vmem>>
            tpu.wait_dma2 semaphore(%run_scoped3A : memref<!tpu.dma_semaphore, #tpu.memory_space<semaphore_mem>>) src(%dma_wait3A_408 : memref<1x128xf32, #tpu.memory_space<vmem>>) dst(%dma_wait3A_406 : memref<1x128xf32, #tpu.memory_space<hbm>>)
            tpu.yield
          }) : () -> ()
          %mul3A_348 = arith.constant 8 : i32
          %mul3A_349 = arith.muli %scan3A_253, %mul3A_348 : i32
          %add3A_350 = arith.addi %add3A_147, %mul3A_349 : i32
          %add3A_351 = arith.constant 5 : i32
          %add3A_352 = arith.addi %add3A_350, %add3A_351 : i32
          %add3A_353 = arith.addi %squeeze3A, %add3A_352 : i32
          %ge3A_354 = arith.constant 100000 : i32
          %ge3A_355 = arith.cmpi sge, %add3A_353, %ge3A_354 : i32
          %sub3A_356 = arith.constant 100000 : i32
          %sub3A_357 = arith.subi %add3A_353, %sub3A_356 : i32
          %select_n3A_358 = arith.select %ge3A_355, %sub3A_357, %add3A_353 : i32
          %mul3A_359 = arith.constant 8 : i32
          %mul3A_360 = arith.muli %scan3A_253, %mul3A_359 : i32
          %add3A_361 = arith.constant 5 : i32
          %add3A_362 = arith.addi %mul3A_360, %add3A_361 : i32
          "tpu.region"() ({
            %run_scoped3A = tpu.sem_alloc : memref<!tpu.dma_semaphore, #tpu.memory_space<semaphore_mem>>
            %dma_start3A_393 = arith.constant 0 : i32
            %dma_start3A_394 = tpu.memref_slice %arg11[%add3A_362, %dma_start3A_393] : memref<128x128xf32, #tpu.memory_space<vmem>> -> memref<1x128xf32, #tpu.memory_space<vmem>>
            %dma_start3A_395 = arith.constant 0 : i32
            %dma_start3A_396 = tpu.memref_slice %arg2[%select_n3A_358, %dma_start3A_395] : memref<100000x128xf32, #tpu.memory_space<hbm>> -> memref<1x128xf32, #tpu.memory_space<hbm>>
            %dma_start3A_397 = arith.constant 0 : i32
            %dma_start3A_398 = tpu.memref_slice %arg2[%select_n3A_358, %dma_start3A_397] : memref<100000x128xf32, #tpu.memory_space<hbm>> -> memref<1x128xf32, #tpu.memory_space<hbm>>
            %dma_start3A_399 = arith.constant 0 : i32
            %dma_start3A_400 = tpu.memref_slice %arg11[%add3A_362, %dma_start3A_399] : memref<128x128xf32, #tpu.memory_space<vmem>> -> memref<1x128xf32, #tpu.memory_space<vmem>>
            tpu.enqueue_dma source(%dma_start3A_400 : memref<1x128xf32, #tpu.memory_space<vmem>>) target(%dma_start3A_398 : memref<1x128xf32, #tpu.memory_space<hbm>>) target_semaphore(%run_scoped3A : memref<!tpu.dma_semaphore, #tpu.memory_space<semaphore_mem>>)
            %dma_wait3A_401 = arith.constant 0 : i32
            %dma_wait3A_402 = tpu.memref_slice %arg11[%add3A_362, %dma_wait3A_401] : memref<128x128xf32, #tpu.memory_space<vmem>> -> memref<1x128xf32, #tpu.memory_space<vmem>>
            %dma_wait3A_403 = arith.constant 0 : i32
            %dma_wait3A_404 = tpu.memref_slice %arg2[%select_n3A_358, %dma_wait3A_403] : memref<100000x128xf32, #tpu.memory_space<hbm>> -> memref<1x128xf32, #tpu.memory_space<hbm>>
            %dma_wait3A_405 = arith.constant 0 : i32
            %dma_wait3A_406 = tpu.memref_slice %arg2[%select_n3A_358, %dma_wait3A_405] : memref<100000x128xf32, #tpu.memory_space<hbm>> -> memref<1x128xf32, #tpu.memory_space<hbm>>
            %dma_wait3A_407 = arith.constant 0 : i32
            %dma_wait3A_408 = tpu.memref_slice %arg11[%add3A_362, %dma_wait3A_407] : memref<128x128xf32, #tpu.memory_space<vmem>> -> memref<1x128xf32, #tpu.memory_space<vmem>>
            tpu.wait_dma2 semaphore(%run_scoped3A : memref<!tpu.dma_semaphore, #tpu.memory_space<semaphore_mem>>) src(%dma_wait3A_408 : memref<1x128xf32, #tpu.memory_space<vmem>>) dst(%dma_wait3A_406 : memref<1x128xf32, #tpu.memory_space<hbm>>)
            tpu.yield
          }) : () -> ()
          %mul3A_363 = arith.constant 8 : i32
          %mul3A_364 = arith.muli %scan3A_253, %mul3A_363 : i32
          %add3A_365 = arith.addi %add3A_147, %mul3A_364 : i32
          %add3A_366 = arith.constant 6 : i32
          %add3A_367 = arith.addi %add3A_365, %add3A_366 : i32
          %add3A_368 = arith.addi %squeeze3A, %add3A_367 : i32
          %ge3A_369 = arith.constant 100000 : i32
          %ge3A_370 = arith.cmpi sge, %add3A_368, %ge3A_369 : i32
          %sub3A_371 = arith.constant 100000 : i32
          %sub3A_372 = arith.subi %add3A_368, %sub3A_371 : i32
          %select_n3A_373 = arith.select %ge3A_370, %sub3A_372, %add3A_368 : i32
          %mul3A_374 = arith.constant 8 : i32
          %mul3A_375 = arith.muli %scan3A_253, %mul3A_374 : i32
          %add3A_376 = arith.constant 6 : i32
          %add3A_377 = arith.addi %mul3A_375, %add3A_376 : i32
          "tpu.region"() ({
            %run_scoped3A = tpu.sem_alloc : memref<!tpu.dma_semaphore, #tpu.memory_space<semaphore_mem>>
            %dma_start3A_393 = arith.constant 0 : i32
            %dma_start3A_394 = tpu.memref_slice %arg11[%add3A_377, %dma_start3A_393] : memref<128x128xf32, #tpu.memory_space<vmem>> -> memref<1x128xf32, #tpu.memory_space<vmem>>
            %dma_start3A_395 = arith.constant 0 : i32
            %dma_start3A_396 = tpu.memref_slice %arg2[%select_n3A_373, %dma_start3A_395] : memref<100000x128xf32, #tpu.memory_space<hbm>> -> memref<1x128xf32, #tpu.memory_space<hbm>>
            %dma_start3A_397 = arith.constant 0 : i32
            %dma_start3A_398 = tpu.memref_slice %arg2[%select_n3A_373, %dma_start3A_397] : memref<100000x128xf32, #tpu.memory_space<hbm>> -> memref<1x128xf32, #tpu.memory_space<hbm>>
            %dma_start3A_399 = arith.constant 0 : i32
            %dma_start3A_400 = tpu.memref_slice %arg11[%add3A_377, %dma_start3A_399] : memref<128x128xf32, #tpu.memory_space<vmem>> -> memref<1x128xf32, #tpu.memory_space<vmem>>
            tpu.enqueue_dma source(%dma_start3A_400 : memref<1x128xf32, #tpu.memory_space<vmem>>) target(%dma_start3A_398 : memref<1x128xf32, #tpu.memory_space<hbm>>) target_semaphore(%run_scoped3A : memref<!tpu.dma_semaphore, #tpu.memory_space<semaphore_mem>>)
            %dma_wait3A_401 = arith.constant 0 : i32
            %dma_wait3A_402 = tpu.memref_slice %arg11[%add3A_377, %dma_wait3A_401] : memref<128x128xf32, #tpu.memory_space<vmem>> -> memref<1x128xf32, #tpu.memory_space<vmem>>
            %dma_wait3A_403 = arith.constant 0 : i32
            %dma_wait3A_404 = tpu.memref_slice %arg2[%select_n3A_373, %dma_wait3A_403] : memref<100000x128xf32, #tpu.memory_space<hbm>> -> memref<1x128xf32, #tpu.memory_space<hbm>>
            %dma_wait3A_405 = arith.constant 0 : i32
            %dma_wait3A_406 = tpu.memref_slice %arg2[%select_n3A_373, %dma_wait3A_405] : memref<100000x128xf32, #tpu.memory_space<hbm>> -> memref<1x128xf32, #tpu.memory_space<hbm>>
            %dma_wait3A_407 = arith.constant 0 : i32
            %dma_wait3A_408 = tpu.memref_slice %arg11[%add3A_377, %dma_wait3A_407] : memref<128x128xf32, #tpu.memory_space<vmem>> -> memref<1x128xf32, #tpu.memory_space<vmem>>
            tpu.wait_dma2 semaphore(%run_scoped3A : memref<!tpu.dma_semaphore, #tpu.memory_space<semaphore_mem>>) src(%dma_wait3A_408 : memref<1x128xf32, #tpu.memory_space<vmem>>) dst(%dma_wait3A_406 : memref<1x128xf32, #tpu.memory_space<hbm>>)
            tpu.yield
          }) : () -> ()
          %mul3A_378 = arith.constant 8 : i32
          %mul3A_379 = arith.muli %scan3A_253, %mul3A_378 : i32
          %add3A_380 = arith.addi %add3A_147, %mul3A_379 : i32
          %add3A_381 = arith.constant 7 : i32
          %add3A_382 = arith.addi %add3A_380, %add3A_381 : i32
          %add3A_383 = arith.addi %squeeze3A, %add3A_382 : i32
          %ge3A_384 = arith.constant 100000 : i32
          %ge3A_385 = arith.cmpi sge, %add3A_383, %ge3A_384 : i32
          %sub3A_386 = arith.constant 100000 : i32
          %sub3A_387 = arith.subi %add3A_383, %sub3A_386 : i32
          %select_n3A_388 = arith.select %ge3A_385, %sub3A_387, %add3A_383 : i32
          %mul3A_389 = arith.constant 8 : i32
          %mul3A_390 = arith.muli %scan3A_253, %mul3A_389 : i32
          %add3A_391 = arith.constant 7 : i32
          %add3A_392 = arith.addi %mul3A_390, %add3A_391 : i32
          "tpu.region"() ({
            %run_scoped3A = tpu.sem_alloc : memref<!tpu.dma_semaphore, #tpu.memory_space<semaphore_mem>>
            %dma_start3A_393 = arith.constant 0 : i32
            %dma_start3A_394 = tpu.memref_slice %arg11[%add3A_392, %dma_start3A_393] : memref<128x128xf32, #tpu.memory_space<vmem>> -> memref<1x128xf32, #tpu.memory_space<vmem>>
            %dma_start3A_395 = arith.constant 0 : i32
            %dma_start3A_396 = tpu.memref_slice %arg2[%select_n3A_388, %dma_start3A_395] : memref<100000x128xf32, #tpu.memory_space<hbm>> -> memref<1x128xf32, #tpu.memory_space<hbm>>
            %dma_start3A_397 = arith.constant 0 : i32
            %dma_start3A_398 = tpu.memref_slice %arg2[%select_n3A_388, %dma_start3A_397] : memref<100000x128xf32, #tpu.memory_space<hbm>> -> memref<1x128xf32, #tpu.memory_space<hbm>>
            %dma_start3A_399 = arith.constant 0 : i32
            %dma_start3A_400 = tpu.memref_slice %arg11[%add3A_392, %dma_start3A_399] : memref<128x128xf32, #tpu.memory_space<vmem>> -> memref<1x128xf32, #tpu.memory_space<vmem>>
            tpu.enqueue_dma source(%dma_start3A_400 : memref<1x128xf32, #tpu.memory_space<vmem>>) target(%dma_start3A_398 : memref<1x128xf32, #tpu.memory_space<hbm>>) target_semaphore(%run_scoped3A : memref<!tpu.dma_semaphore, #tpu.memory_space<semaphore_mem>>)
            %dma_wait3A_401 = arith.constant 0 : i32
            %dma_wait3A_402 = tpu.memref_slice %arg11[%add3A_392, %dma_wait3A_401] : memref<128x128xf32, #tpu.memory_space<vmem>> -> memref<1x128xf32, #tpu.memory_space<vmem>>
            %dma_wait3A_403 = arith.constant 0 : i32
            %dma_wait3A_404 = tpu.memref_slice %arg2[%select_n3A_388, %dma_wait3A_403] : memref<100000x128xf32, #tpu.memory_space<hbm>> -> memref<1x128xf32, #tpu.memory_space<hbm>>
            %dma_wait3A_405 = arith.constant 0 : i32
            %dma_wait3A_406 = tpu.memref_slice %arg2[%select_n3A_388, %dma_wait3A_405] : memref<100000x128xf32, #tpu.memory_space<hbm>> -> memref<1x128xf32, #tpu.memory_space<hbm>>
            %dma_wait3A_407 = arith.constant 0 : i32
            %dma_wait3A_408 = tpu.memref_slice %arg11[%add3A_392, %dma_wait3A_407] : memref<128x128xf32, #tpu.memory_space<vmem>> -> memref<1x128xf32, #tpu.memory_space<vmem>>
            tpu.wait_dma2 semaphore(%run_scoped3A : memref<!tpu.dma_semaphore, #tpu.memory_space<semaphore_mem>>) src(%dma_wait3A_408 : memref<1x128xf32, #tpu.memory_space<vmem>>) dst(%dma_wait3A_406 : memref<1x128xf32, #tpu.memory_space<hbm>>)
            tpu.yield
          }) : () -> ()
        } else {
        }
      }
      %scan3A_252 = arith.constant 16 : i32
    } else {
    }
    %add3A_170 = arith.constant 384 : i32
    %add3A_171 = arith.addi %mul3A_2, %add3A_170 : i32
    %add3A_172 = arith.addi %squeeze3A, %add3A_171 : i32
    %ge3A_173 = arith.constant 100000 : i32
    %ge3A_174 = arith.cmpi sge, %add3A_172, %ge3A_173 : i32
    %sub3A_175 = arith.constant 100000 : i32
    %sub3A_176 = arith.subi %add3A_172, %sub3A_175 : i32
    %select_n3A_177 = arith.select %ge3A_174, %sub3A_176, %add3A_172 : i32
    %dma_wait3A_178 = arith.constant 0 : i32
    %dma_wait3A_179 = arith.constant 0 : i32
    %dma_wait3A_180 = tpu.memref_slice %arg4[%dma_wait3A_178, %dma_wait3A_179] : memref<16384x128xf32, #tpu.memory_space<hbm>> -> memref<128x128xf32, #tpu.memory_space<hbm>>
    %dma_wait3A_181 = arith.constant 0 : i32
    %dma_wait3A_182 = arith.constant 0 : i32
    %dma_wait3A_183 = tpu.memref_slice %arg4[%dma_wait3A_181, %dma_wait3A_182] : memref<16384x128xf32, #tpu.memory_space<hbm>> -> memref<128x128xf32, #tpu.memory_space<hbm>>
    tpu.wait_dma2 semaphore(%arg19 : memref<!tpu.dma_semaphore, #tpu.memory_space<semaphore_mem>>) src(%dma_wait3A_183 : memref<128x128xf32, #tpu.memory_space<hbm>>) dst(%arg12 : memref<128x128xf32, #tpu.memory_space<vmem>>)
    %gt3A_184 = arith.constant 99872 : i32
    %gt3A_185 = arith.cmpi sgt, %select_n3A_177, %gt3A_184 : i32
    %not3A_186 = arith.constant true
    %not3A_187 = arith.xori %gt3A_185, %not3A_186 : i1
    %convert_element_type3A_188 = arith.extui %not3A_187 : i1 to i32
    %cond3A_189 = arith.constant 0 : i32
    %cond3A_190 = arith.cmpi ne, %convert_element_type3A_188, %cond3A_189 : i32
    scf.if %cond3A_190 {
      %dma_start3A_248 = arith.constant 0 : i32
      %dma_start3A_249 = tpu.memref_slice %arg2[%select_n3A_177, %dma_start3A_248] : memref<100000x128xf32, #tpu.memory_space<hbm>> -> memref<128x128xf32, #tpu.memory_space<hbm>>
      %dma_start3A_250 = arith.constant 0 : i32
      %dma_start3A_251 = tpu.memref_slice %arg2[%select_n3A_177, %dma_start3A_250] : memref<100000x128xf32, #tpu.memory_space<hbm>> -> memref<128x128xf32, #tpu.memory_space<hbm>>
      tpu.enqueue_dma source(%arg12 : memref<128x128xf32, #tpu.memory_space<vmem>>) target(%dma_start3A_251 : memref<128x128xf32, #tpu.memory_space<hbm>>) target_semaphore(%arg23 : memref<!tpu.dma_semaphore, #tpu.memory_space<semaphore_mem>>)
    } else {
    }
    %convert_element_type3A_191 = arith.extui %gt3A_185 : i1 to i32
    %cond3A_192 = arith.constant 0 : i32
    %cond3A_193 = arith.cmpi ne, %convert_element_type3A_191, %cond3A_192 : i32
    scf.if %cond3A_193 {
      %scan3A = arith.constant 0 : i32
      %scan3A_248 = arith.constant 0 : i32
      %scan3A_249 = arith.constant 16 : i32
      %scan3A_250 = arith.addi %scan3A_248, %scan3A_249 : i32
      %scan3A_251 = arith.constant 1 : i32
      scf.for %scan3A_253 = %scan3A_248 to %scan3A_250 step %scan3A_251  : i32 {
        %mul3A_254 = arith.constant 8 : i32
        %mul3A_255 = arith.muli %scan3A_253, %mul3A_254 : i32
        %add3A_256 = arith.addi %add3A_171, %mul3A_255 : i32
        %add3A_257 = arith.addi %squeeze3A, %add3A_256 : i32
        %ge3A_258 = arith.constant 100000 : i32
        %ge3A_259 = arith.cmpi sge, %add3A_257, %ge3A_258 : i32
        %sub3A_260 = arith.constant 100000 : i32
        %sub3A_261 = arith.subi %add3A_257, %sub3A_260 : i32
        %select_n3A_262 = arith.select %ge3A_259, %sub3A_261, %add3A_257 : i32
        %gt3A_263 = arith.constant 99992 : i32
        %gt3A_264 = arith.cmpi sgt, %select_n3A_262, %gt3A_263 : i32
        %not3A_265 = arith.constant true
        %not3A_266 = arith.xori %gt3A_264, %not3A_265 : i1
        %convert_element_type3A_267 = arith.extui %not3A_266 : i1 to i32
        %cond3A_268 = arith.constant 0 : i32
        %cond3A_269 = arith.cmpi ne, %convert_element_type3A_267, %cond3A_268 : i32
        scf.if %cond3A_269 {
          %mul3A_273 = arith.constant 8 : i32
          %mul3A_274 = arith.muli %scan3A_253, %mul3A_273 : i32
          "tpu.region"() ({
            %run_scoped3A = tpu.sem_alloc : memref<!tpu.dma_semaphore, #tpu.memory_space<semaphore_mem>>
            %dma_start3A_275 = arith.constant 0 : i32
            %dma_start3A_276 = tpu.memref_slice %arg12[%mul3A_274, %dma_start3A_275] : memref<128x128xf32, #tpu.memory_space<vmem>> -> memref<8x128xf32, #tpu.memory_space<vmem>>
            %dma_start3A_277 = arith.constant 0 : i32
            %dma_start3A_278 = tpu.memref_slice %arg2[%select_n3A_262, %dma_start3A_277] : memref<100000x128xf32, #tpu.memory_space<hbm>> -> memref<8x128xf32, #tpu.memory_space<hbm>>
            %dma_start3A_279 = arith.constant 0 : i32
            %dma_start3A_280 = tpu.memref_slice %arg2[%select_n3A_262, %dma_start3A_279] : memref<100000x128xf32, #tpu.memory_space<hbm>> -> memref<8x128xf32, #tpu.memory_space<hbm>>
            %dma_start3A_281 = arith.constant 0 : i32
            %dma_start3A_282 = tpu.memref_slice %arg12[%mul3A_274, %dma_start3A_281] : memref<128x128xf32, #tpu.memory_space<vmem>> -> memref<8x128xf32, #tpu.memory_space<vmem>>
            tpu.enqueue_dma source(%dma_start3A_282 : memref<8x128xf32, #tpu.memory_space<vmem>>) target(%dma_start3A_280 : memref<8x128xf32, #tpu.memory_space<hbm>>) target_semaphore(%run_scoped3A : memref<!tpu.dma_semaphore, #tpu.memory_space<semaphore_mem>>)
            %dma_wait3A_283 = arith.constant 0 : i32
            %dma_wait3A_284 = tpu.memref_slice %arg12[%mul3A_274, %dma_wait3A_283] : memref<128x128xf32, #tpu.memory_space<vmem>> -> memref<8x128xf32, #tpu.memory_space<vmem>>
            %dma_wait3A_285 = arith.constant 0 : i32
            %dma_wait3A_286 = tpu.memref_slice %arg2[%select_n3A_262, %dma_wait3A_285] : memref<100000x128xf32, #tpu.memory_space<hbm>> -> memref<8x128xf32, #tpu.memory_space<hbm>>
            %dma_wait3A_287 = arith.constant 0 : i32
            %dma_wait3A_288 = tpu.memref_slice %arg2[%select_n3A_262, %dma_wait3A_287] : memref<100000x128xf32, #tpu.memory_space<hbm>> -> memref<8x128xf32, #tpu.memory_space<hbm>>
            %dma_wait3A_289 = arith.constant 0 : i32
            %dma_wait3A_290 = tpu.memref_slice %arg12[%mul3A_274, %dma_wait3A_289] : memref<128x128xf32, #tpu.memory_space<vmem>> -> memref<8x128xf32, #tpu.memory_space<vmem>>
            tpu.wait_dma2 semaphore(%run_scoped3A : memref<!tpu.dma_semaphore, #tpu.memory_space<semaphore_mem>>) src(%dma_wait3A_290 : memref<8x128xf32, #tpu.memory_space<vmem>>) dst(%dma_wait3A_288 : memref<8x128xf32, #tpu.memory_space<hbm>>)
            tpu.yield
          }) : () -> ()
        } else {
        }
        %convert_element_type3A_270 = arith.extui %gt3A_264 : i1 to i32
        %cond3A_271 = arith.constant 0 : i32
        %cond3A_272 = arith.cmpi ne, %convert_element_type3A_270, %cond3A_271 : i32
        scf.if %cond3A_272 {
          %mul3A_273 = arith.constant 8 : i32
          %mul3A_274 = arith.muli %scan3A_253, %mul3A_273 : i32
          %add3A_275 = arith.addi %add3A_171, %mul3A_274 : i32
          %add3A_276 = arith.constant 0 : i32
          %add3A_277 = arith.addi %add3A_275, %add3A_276 : i32
          %add3A_278 = arith.addi %squeeze3A, %add3A_277 : i32
          %ge3A_279 = arith.constant 100000 : i32
          %ge3A_280 = arith.cmpi sge, %add3A_278, %ge3A_279 : i32
          %sub3A_281 = arith.constant 100000 : i32
          %sub3A_282 = arith.subi %add3A_278, %sub3A_281 : i32
          %select_n3A_283 = arith.select %ge3A_280, %sub3A_282, %add3A_278 : i32
          %mul3A_284 = arith.constant 8 : i32
          %mul3A_285 = arith.muli %scan3A_253, %mul3A_284 : i32
          %add3A_286 = arith.constant 0 : i32
          %add3A_287 = arith.addi %mul3A_285, %add3A_286 : i32
          "tpu.region"() ({
            %run_scoped3A = tpu.sem_alloc : memref<!tpu.dma_semaphore, #tpu.memory_space<semaphore_mem>>
            %dma_start3A_393 = arith.constant 0 : i32
            %dma_start3A_394 = tpu.memref_slice %arg12[%add3A_287, %dma_start3A_393] : memref<128x128xf32, #tpu.memory_space<vmem>> -> memref<1x128xf32, #tpu.memory_space<vmem>>
            %dma_start3A_395 = arith.constant 0 : i32
            %dma_start3A_396 = tpu.memref_slice %arg2[%select_n3A_283, %dma_start3A_395] : memref<100000x128xf32, #tpu.memory_space<hbm>> -> memref<1x128xf32, #tpu.memory_space<hbm>>
            %dma_start3A_397 = arith.constant 0 : i32
            %dma_start3A_398 = tpu.memref_slice %arg2[%select_n3A_283, %dma_start3A_397] : memref<100000x128xf32, #tpu.memory_space<hbm>> -> memref<1x128xf32, #tpu.memory_space<hbm>>
            %dma_start3A_399 = arith.constant 0 : i32
            %dma_start3A_400 = tpu.memref_slice %arg12[%add3A_287, %dma_start3A_399] : memref<128x128xf32, #tpu.memory_space<vmem>> -> memref<1x128xf32, #tpu.memory_space<vmem>>
            tpu.enqueue_dma source(%dma_start3A_400 : memref<1x128xf32, #tpu.memory_space<vmem>>) target(%dma_start3A_398 : memref<1x128xf32, #tpu.memory_space<hbm>>) target_semaphore(%run_scoped3A : memref<!tpu.dma_semaphore, #tpu.memory_space<semaphore_mem>>)
            %dma_wait3A_401 = arith.constant 0 : i32
            %dma_wait3A_402 = tpu.memref_slice %arg12[%add3A_287, %dma_wait3A_401] : memref<128x128xf32, #tpu.memory_space<vmem>> -> memref<1x128xf32, #tpu.memory_space<vmem>>
            %dma_wait3A_403 = arith.constant 0 : i32
            %dma_wait3A_404 = tpu.memref_slice %arg2[%select_n3A_283, %dma_wait3A_403] : memref<100000x128xf32, #tpu.memory_space<hbm>> -> memref<1x128xf32, #tpu.memory_space<hbm>>
            %dma_wait3A_405 = arith.constant 0 : i32
            %dma_wait3A_406 = tpu.memref_slice %arg2[%select_n3A_283, %dma_wait3A_405] : memref<100000x128xf32, #tpu.memory_space<hbm>> -> memref<1x128xf32, #tpu.memory_space<hbm>>
            %dma_wait3A_407 = arith.constant 0 : i32
            %dma_wait3A_408 = tpu.memref_slice %arg12[%add3A_287, %dma_wait3A_407] : memref<128x128xf32, #tpu.memory_space<vmem>> -> memref<1x128xf32, #tpu.memory_space<vmem>>
            tpu.wait_dma2 semaphore(%run_scoped3A : memref<!tpu.dma_semaphore, #tpu.memory_space<semaphore_mem>>) src(%dma_wait3A_408 : memref<1x128xf32, #tpu.memory_space<vmem>>) dst(%dma_wait3A_406 : memref<1x128xf32, #tpu.memory_space<hbm>>)
            tpu.yield
          }) : () -> ()
          %mul3A_288 = arith.constant 8 : i32
          %mul3A_289 = arith.muli %scan3A_253, %mul3A_288 : i32
          %add3A_290 = arith.addi %add3A_171, %mul3A_289 : i32
          %add3A_291 = arith.constant 1 : i32
          %add3A_292 = arith.addi %add3A_290, %add3A_291 : i32
          %add3A_293 = arith.addi %squeeze3A, %add3A_292 : i32
          %ge3A_294 = arith.constant 100000 : i32
          %ge3A_295 = arith.cmpi sge, %add3A_293, %ge3A_294 : i32
          %sub3A_296 = arith.constant 100000 : i32
          %sub3A_297 = arith.subi %add3A_293, %sub3A_296 : i32
          %select_n3A_298 = arith.select %ge3A_295, %sub3A_297, %add3A_293 : i32
          %mul3A_299 = arith.constant 8 : i32
          %mul3A_300 = arith.muli %scan3A_253, %mul3A_299 : i32
          %add3A_301 = arith.constant 1 : i32
          %add3A_302 = arith.addi %mul3A_300, %add3A_301 : i32
          "tpu.region"() ({
            %run_scoped3A = tpu.sem_alloc : memref<!tpu.dma_semaphore, #tpu.memory_space<semaphore_mem>>
            %dma_start3A_393 = arith.constant 0 : i32
            %dma_start3A_394 = tpu.memref_slice %arg12[%add3A_302, %dma_start3A_393] : memref<128x128xf32, #tpu.memory_space<vmem>> -> memref<1x128xf32, #tpu.memory_space<vmem>>
            %dma_start3A_395 = arith.constant 0 : i32
            %dma_start3A_396 = tpu.memref_slice %arg2[%select_n3A_298, %dma_start3A_395] : memref<100000x128xf32, #tpu.memory_space<hbm>> -> memref<1x128xf32, #tpu.memory_space<hbm>>
            %dma_start3A_397 = arith.constant 0 : i32
            %dma_start3A_398 = tpu.memref_slice %arg2[%select_n3A_298, %dma_start3A_397] : memref<100000x128xf32, #tpu.memory_space<hbm>> -> memref<1x128xf32, #tpu.memory_space<hbm>>
            %dma_start3A_399 = arith.constant 0 : i32
            %dma_start3A_400 = tpu.memref_slice %arg12[%add3A_302, %dma_start3A_399] : memref<128x128xf32, #tpu.memory_space<vmem>> -> memref<1x128xf32, #tpu.memory_space<vmem>>
            tpu.enqueue_dma source(%dma_start3A_400 : memref<1x128xf32, #tpu.memory_space<vmem>>) target(%dma_start3A_398 : memref<1x128xf32, #tpu.memory_space<hbm>>) target_semaphore(%run_scoped3A : memref<!tpu.dma_semaphore, #tpu.memory_space<semaphore_mem>>)
            %dma_wait3A_401 = arith.constant 0 : i32
            %dma_wait3A_402 = tpu.memref_slice %arg12[%add3A_302, %dma_wait3A_401] : memref<128x128xf32, #tpu.memory_space<vmem>> -> memref<1x128xf32, #tpu.memory_space<vmem>>
            %dma_wait3A_403 = arith.constant 0 : i32
            %dma_wait3A_404 = tpu.memref_slice %arg2[%select_n3A_298, %dma_wait3A_403] : memref<100000x128xf32, #tpu.memory_space<hbm>> -> memref<1x128xf32, #tpu.memory_space<hbm>>
            %dma_wait3A_405 = arith.constant 0 : i32
            %dma_wait3A_406 = tpu.memref_slice %arg2[%select_n3A_298, %dma_wait3A_405] : memref<100000x128xf32, #tpu.memory_space<hbm>> -> memref<1x128xf32, #tpu.memory_space<hbm>>
            %dma_wait3A_407 = arith.constant 0 : i32
            %dma_wait3A_408 = tpu.memref_slice %arg12[%add3A_302, %dma_wait3A_407] : memref<128x128xf32, #tpu.memory_space<vmem>> -> memref<1x128xf32, #tpu.memory_space<vmem>>
            tpu.wait_dma2 semaphore(%run_scoped3A : memref<!tpu.dma_semaphore, #tpu.memory_space<semaphore_mem>>) src(%dma_wait3A_408 : memref<1x128xf32, #tpu.memory_space<vmem>>) dst(%dma_wait3A_406 : memref<1x128xf32, #tpu.memory_space<hbm>>)
            tpu.yield
          }) : () -> ()
          %mul3A_303 = arith.constant 8 : i32
          %mul3A_304 = arith.muli %scan3A_253, %mul3A_303 : i32
          %add3A_305 = arith.addi %add3A_171, %mul3A_304 : i32
          %add3A_306 = arith.constant 2 : i32
          %add3A_307 = arith.addi %add3A_305, %add3A_306 : i32
          %add3A_308 = arith.addi %squeeze3A, %add3A_307 : i32
          %ge3A_309 = arith.constant 100000 : i32
          %ge3A_310 = arith.cmpi sge, %add3A_308, %ge3A_309 : i32
          %sub3A_311 = arith.constant 100000 : i32
          %sub3A_312 = arith.subi %add3A_308, %sub3A_311 : i32
          %select_n3A_313 = arith.select %ge3A_310, %sub3A_312, %add3A_308 : i32
          %mul3A_314 = arith.constant 8 : i32
          %mul3A_315 = arith.muli %scan3A_253, %mul3A_314 : i32
          %add3A_316 = arith.constant 2 : i32
          %add3A_317 = arith.addi %mul3A_315, %add3A_316 : i32
          "tpu.region"() ({
            %run_scoped3A = tpu.sem_alloc : memref<!tpu.dma_semaphore, #tpu.memory_space<semaphore_mem>>
            %dma_start3A_393 = arith.constant 0 : i32
            %dma_start3A_394 = tpu.memref_slice %arg12[%add3A_317, %dma_start3A_393] : memref<128x128xf32, #tpu.memory_space<vmem>> -> memref<1x128xf32, #tpu.memory_space<vmem>>
            %dma_start3A_395 = arith.constant 0 : i32
            %dma_start3A_396 = tpu.memref_slice %arg2[%select_n3A_313, %dma_start3A_395] : memref<100000x128xf32, #tpu.memory_space<hbm>> -> memref<1x128xf32, #tpu.memory_space<hbm>>
            %dma_start3A_397 = arith.constant 0 : i32
            %dma_start3A_398 = tpu.memref_slice %arg2[%select_n3A_313, %dma_start3A_397] : memref<100000x128xf32, #tpu.memory_space<hbm>> -> memref<1x128xf32, #tpu.memory_space<hbm>>
            %dma_start3A_399 = arith.constant 0 : i32
            %dma_start3A_400 = tpu.memref_slice %arg12[%add3A_317, %dma_start3A_399] : memref<128x128xf32, #tpu.memory_space<vmem>> -> memref<1x128xf32, #tpu.memory_space<vmem>>
            tpu.enqueue_dma source(%dma_start3A_400 : memref<1x128xf32, #tpu.memory_space<vmem>>) target(%dma_start3A_398 : memref<1x128xf32, #tpu.memory_space<hbm>>) target_semaphore(%run_scoped3A : memref<!tpu.dma_semaphore, #tpu.memory_space<semaphore_mem>>)
            %dma_wait3A_401 = arith.constant 0 : i32
            %dma_wait3A_402 = tpu.memref_slice %arg12[%add3A_317, %dma_wait3A_401] : memref<128x128xf32, #tpu.memory_space<vmem>> -> memref<1x128xf32, #tpu.memory_space<vmem>>
            %dma_wait3A_403 = arith.constant 0 : i32
            %dma_wait3A_404 = tpu.memref_slice %arg2[%select_n3A_313, %dma_wait3A_403] : memref<100000x128xf32, #tpu.memory_space<hbm>> -> memref<1x128xf32, #tpu.memory_space<hbm>>
            %dma_wait3A_405 = arith.constant 0 : i32
            %dma_wait3A_406 = tpu.memref_slice %arg2[%select_n3A_313, %dma_wait3A_405] : memref<100000x128xf32, #tpu.memory_space<hbm>> -> memref<1x128xf32, #tpu.memory_space<hbm>>
            %dma_wait3A_407 = arith.constant 0 : i32
            %dma_wait3A_408 = tpu.memref_slice %arg12[%add3A_317, %dma_wait3A_407] : memref<128x128xf32, #tpu.memory_space<vmem>> -> memref<1x128xf32, #tpu.memory_space<vmem>>
            tpu.wait_dma2 semaphore(%run_scoped3A : memref<!tpu.dma_semaphore, #tpu.memory_space<semaphore_mem>>) src(%dma_wait3A_408 : memref<1x128xf32, #tpu.memory_space<vmem>>) dst(%dma_wait3A_406 : memref<1x128xf32, #tpu.memory_space<hbm>>)
            tpu.yield
          }) : () -> ()
          %mul3A_318 = arith.constant 8 : i32
          %mul3A_319 = arith.muli %scan3A_253, %mul3A_318 : i32
          %add3A_320 = arith.addi %add3A_171, %mul3A_319 : i32
          %add3A_321 = arith.constant 3 : i32
          %add3A_322 = arith.addi %add3A_320, %add3A_321 : i32
          %add3A_323 = arith.addi %squeeze3A, %add3A_322 : i32
          %ge3A_324 = arith.constant 100000 : i32
          %ge3A_325 = arith.cmpi sge, %add3A_323, %ge3A_324 : i32
          %sub3A_326 = arith.constant 100000 : i32
          %sub3A_327 = arith.subi %add3A_323, %sub3A_326 : i32
          %select_n3A_328 = arith.select %ge3A_325, %sub3A_327, %add3A_323 : i32
          %mul3A_329 = arith.constant 8 : i32
          %mul3A_330 = arith.muli %scan3A_253, %mul3A_329 : i32
          %add3A_331 = arith.constant 3 : i32
          %add3A_332 = arith.addi %mul3A_330, %add3A_331 : i32
          "tpu.region"() ({
            %run_scoped3A = tpu.sem_alloc : memref<!tpu.dma_semaphore, #tpu.memory_space<semaphore_mem>>
            %dma_start3A_393 = arith.constant 0 : i32
            %dma_start3A_394 = tpu.memref_slice %arg12[%add3A_332, %dma_start3A_393] : memref<128x128xf32, #tpu.memory_space<vmem>> -> memref<1x128xf32, #tpu.memory_space<vmem>>
            %dma_start3A_395 = arith.constant 0 : i32
            %dma_start3A_396 = tpu.memref_slice %arg2[%select_n3A_328, %dma_start3A_395] : memref<100000x128xf32, #tpu.memory_space<hbm>> -> memref<1x128xf32, #tpu.memory_space<hbm>>
            %dma_start3A_397 = arith.constant 0 : i32
            %dma_start3A_398 = tpu.memref_slice %arg2[%select_n3A_328, %dma_start3A_397] : memref<100000x128xf32, #tpu.memory_space<hbm>> -> memref<1x128xf32, #tpu.memory_space<hbm>>
            %dma_start3A_399 = arith.constant 0 : i32
            %dma_start3A_400 = tpu.memref_slice %arg12[%add3A_332, %dma_start3A_399] : memref<128x128xf32, #tpu.memory_space<vmem>> -> memref<1x128xf32, #tpu.memory_space<vmem>>
            tpu.enqueue_dma source(%dma_start3A_400 : memref<1x128xf32, #tpu.memory_space<vmem>>) target(%dma_start3A_398 : memref<1x128xf32, #tpu.memory_space<hbm>>) target_semaphore(%run_scoped3A : memref<!tpu.dma_semaphore, #tpu.memory_space<semaphore_mem>>)
            %dma_wait3A_401 = arith.constant 0 : i32
            %dma_wait3A_402 = tpu.memref_slice %arg12[%add3A_332, %dma_wait3A_401] : memref<128x128xf32, #tpu.memory_space<vmem>> -> memref<1x128xf32, #tpu.memory_space<vmem>>
            %dma_wait3A_403 = arith.constant 0 : i32
            %dma_wait3A_404 = tpu.memref_slice %arg2[%select_n3A_328, %dma_wait3A_403] : memref<100000x128xf32, #tpu.memory_space<hbm>> -> memref<1x128xf32, #tpu.memory_space<hbm>>
            %dma_wait3A_405 = arith.constant 0 : i32
            %dma_wait3A_406 = tpu.memref_slice %arg2[%select_n3A_328, %dma_wait3A_405] : memref<100000x128xf32, #tpu.memory_space<hbm>> -> memref<1x128xf32, #tpu.memory_space<hbm>>
            %dma_wait3A_407 = arith.constant 0 : i32
            %dma_wait3A_408 = tpu.memref_slice %arg12[%add3A_332, %dma_wait3A_407] : memref<128x128xf32, #tpu.memory_space<vmem>> -> memref<1x128xf32, #tpu.memory_space<vmem>>
            tpu.wait_dma2 semaphore(%run_scoped3A : memref<!tpu.dma_semaphore, #tpu.memory_space<semaphore_mem>>) src(%dma_wait3A_408 : memref<1x128xf32, #tpu.memory_space<vmem>>) dst(%dma_wait3A_406 : memref<1x128xf32, #tpu.memory_space<hbm>>)
            tpu.yield
          }) : () -> ()
          %mul3A_333 = arith.constant 8 : i32
          %mul3A_334 = arith.muli %scan3A_253, %mul3A_333 : i32
          %add3A_335 = arith.addi %add3A_171, %mul3A_334 : i32
          %add3A_336 = arith.constant 4 : i32
          %add3A_337 = arith.addi %add3A_335, %add3A_336 : i32
          %add3A_338 = arith.addi %squeeze3A, %add3A_337 : i32
          %ge3A_339 = arith.constant 100000 : i32
          %ge3A_340 = arith.cmpi sge, %add3A_338, %ge3A_339 : i32
          %sub3A_341 = arith.constant 100000 : i32
          %sub3A_342 = arith.subi %add3A_338, %sub3A_341 : i32
          %select_n3A_343 = arith.select %ge3A_340, %sub3A_342, %add3A_338 : i32
          %mul3A_344 = arith.constant 8 : i32
          %mul3A_345 = arith.muli %scan3A_253, %mul3A_344 : i32
          %add3A_346 = arith.constant 4 : i32
          %add3A_347 = arith.addi %mul3A_345, %add3A_346 : i32
          "tpu.region"() ({
            %run_scoped3A = tpu.sem_alloc : memref<!tpu.dma_semaphore, #tpu.memory_space<semaphore_mem>>
            %dma_start3A_393 = arith.constant 0 : i32
            %dma_start3A_394 = tpu.memref_slice %arg12[%add3A_347, %dma_start3A_393] : memref<128x128xf32, #tpu.memory_space<vmem>> -> memref<1x128xf32, #tpu.memory_space<vmem>>
            %dma_start3A_395 = arith.constant 0 : i32
            %dma_start3A_396 = tpu.memref_slice %arg2[%select_n3A_343, %dma_start3A_395] : memref<100000x128xf32, #tpu.memory_space<hbm>> -> memref<1x128xf32, #tpu.memory_space<hbm>>
            %dma_start3A_397 = arith.constant 0 : i32
            %dma_start3A_398 = tpu.memref_slice %arg2[%select_n3A_343, %dma_start3A_397] : memref<100000x128xf32, #tpu.memory_space<hbm>> -> memref<1x128xf32, #tpu.memory_space<hbm>>
            %dma_start3A_399 = arith.constant 0 : i32
            %dma_start3A_400 = tpu.memref_slice %arg12[%add3A_347, %dma_start3A_399] : memref<128x128xf32, #tpu.memory_space<vmem>> -> memref<1x128xf32, #tpu.memory_space<vmem>>
            tpu.enqueue_dma source(%dma_start3A_400 : memref<1x128xf32, #tpu.memory_space<vmem>>) target(%dma_start3A_398 : memref<1x128xf32, #tpu.memory_space<hbm>>) target_semaphore(%run_scoped3A : memref<!tpu.dma_semaphore, #tpu.memory_space<semaphore_mem>>)
            %dma_wait3A_401 = arith.constant 0 : i32
            %dma_wait3A_402 = tpu.memref_slice %arg12[%add3A_347, %dma_wait3A_401] : memref<128x128xf32, #tpu.memory_space<vmem>> -> memref<1x128xf32, #tpu.memory_space<vmem>>
            %dma_wait3A_403 = arith.constant 0 : i32
            %dma_wait3A_404 = tpu.memref_slice %arg2[%select_n3A_343, %dma_wait3A_403] : memref<100000x128xf32, #tpu.memory_space<hbm>> -> memref<1x128xf32, #tpu.memory_space<hbm>>
            %dma_wait3A_405 = arith.constant 0 : i32
            %dma_wait3A_406 = tpu.memref_slice %arg2[%select_n3A_343, %dma_wait3A_405] : memref<100000x128xf32, #tpu.memory_space<hbm>> -> memref<1x128xf32, #tpu.memory_space<hbm>>
            %dma_wait3A_407 = arith.constant 0 : i32
            %dma_wait3A_408 = tpu.memref_slice %arg12[%add3A_347, %dma_wait3A_407] : memref<128x128xf32, #tpu.memory_space<vmem>> -> memref<1x128xf32, #tpu.memory_space<vmem>>
            tpu.wait_dma2 semaphore(%run_scoped3A : memref<!tpu.dma_semaphore, #tpu.memory_space<semaphore_mem>>) src(%dma_wait3A_408 : memref<1x128xf32, #tpu.memory_space<vmem>>) dst(%dma_wait3A_406 : memref<1x128xf32, #tpu.memory_space<hbm>>)
            tpu.yield
          }) : () -> ()
          %mul3A_348 = arith.constant 8 : i32
          %mul3A_349 = arith.muli %scan3A_253, %mul3A_348 : i32
          %add3A_350 = arith.addi %add3A_171, %mul3A_349 : i32
          %add3A_351 = arith.constant 5 : i32
          %add3A_352 = arith.addi %add3A_350, %add3A_351 : i32
          %add3A_353 = arith.addi %squeeze3A, %add3A_352 : i32
          %ge3A_354 = arith.constant 100000 : i32
          %ge3A_355 = arith.cmpi sge, %add3A_353, %ge3A_354 : i32
          %sub3A_356 = arith.constant 100000 : i32
          %sub3A_357 = arith.subi %add3A_353, %sub3A_356 : i32
          %select_n3A_358 = arith.select %ge3A_355, %sub3A_357, %add3A_353 : i32
          %mul3A_359 = arith.constant 8 : i32
          %mul3A_360 = arith.muli %scan3A_253, %mul3A_359 : i32
          %add3A_361 = arith.constant 5 : i32
          %add3A_362 = arith.addi %mul3A_360, %add3A_361 : i32
          "tpu.region"() ({
            %run_scoped3A = tpu.sem_alloc : memref<!tpu.dma_semaphore, #tpu.memory_space<semaphore_mem>>
            %dma_start3A_393 = arith.constant 0 : i32
            %dma_start3A_394 = tpu.memref_slice %arg12[%add3A_362, %dma_start3A_393] : memref<128x128xf32, #tpu.memory_space<vmem>> -> memref<1x128xf32, #tpu.memory_space<vmem>>
            %dma_start3A_395 = arith.constant 0 : i32
            %dma_start3A_396 = tpu.memref_slice %arg2[%select_n3A_358, %dma_start3A_395] : memref<100000x128xf32, #tpu.memory_space<hbm>> -> memref<1x128xf32, #tpu.memory_space<hbm>>
            %dma_start3A_397 = arith.constant 0 : i32
            %dma_start3A_398 = tpu.memref_slice %arg2[%select_n3A_358, %dma_start3A_397] : memref<100000x128xf32, #tpu.memory_space<hbm>> -> memref<1x128xf32, #tpu.memory_space<hbm>>
            %dma_start3A_399 = arith.constant 0 : i32
            %dma_start3A_400 = tpu.memref_slice %arg12[%add3A_362, %dma_start3A_399] : memref<128x128xf32, #tpu.memory_space<vmem>> -> memref<1x128xf32, #tpu.memory_space<vmem>>
            tpu.enqueue_dma source(%dma_start3A_400 : memref<1x128xf32, #tpu.memory_space<vmem>>) target(%dma_start3A_398 : memref<1x128xf32, #tpu.memory_space<hbm>>) target_semaphore(%run_scoped3A : memref<!tpu.dma_semaphore, #tpu.memory_space<semaphore_mem>>)
            %dma_wait3A_401 = arith.constant 0 : i32
            %dma_wait3A_402 = tpu.memref_slice %arg12[%add3A_362, %dma_wait3A_401] : memref<128x128xf32, #tpu.memory_space<vmem>> -> memref<1x128xf32, #tpu.memory_space<vmem>>
            %dma_wait3A_403 = arith.constant 0 : i32
            %dma_wait3A_404 = tpu.memref_slice %arg2[%select_n3A_358, %dma_wait3A_403] : memref<100000x128xf32, #tpu.memory_space<hbm>> -> memref<1x128xf32, #tpu.memory_space<hbm>>
            %dma_wait3A_405 = arith.constant 0 : i32
            %dma_wait3A_406 = tpu.memref_slice %arg2[%select_n3A_358, %dma_wait3A_405] : memref<100000x128xf32, #tpu.memory_space<hbm>> -> memref<1x128xf32, #tpu.memory_space<hbm>>
            %dma_wait3A_407 = arith.constant 0 : i32
            %dma_wait3A_408 = tpu.memref_slice %arg12[%add3A_362, %dma_wait3A_407] : memref<128x128xf32, #tpu.memory_space<vmem>> -> memref<1x128xf32, #tpu.memory_space<vmem>>
            tpu.wait_dma2 semaphore(%run_scoped3A : memref<!tpu.dma_semaphore, #tpu.memory_space<semaphore_mem>>) src(%dma_wait3A_408 : memref<1x128xf32, #tpu.memory_space<vmem>>) dst(%dma_wait3A_406 : memref<1x128xf32, #tpu.memory_space<hbm>>)
            tpu.yield
          }) : () -> ()
          %mul3A_363 = arith.constant 8 : i32
          %mul3A_364 = arith.muli %scan3A_253, %mul3A_363 : i32
          %add3A_365 = arith.addi %add3A_171, %mul3A_364 : i32
          %add3A_366 = arith.constant 6 : i32
          %add3A_367 = arith.addi %add3A_365, %add3A_366 : i32
          %add3A_368 = arith.addi %squeeze3A, %add3A_367 : i32
          %ge3A_369 = arith.constant 100000 : i32
          %ge3A_370 = arith.cmpi sge, %add3A_368, %ge3A_369 : i32
          %sub3A_371 = arith.constant 100000 : i32
          %sub3A_372 = arith.subi %add3A_368, %sub3A_371 : i32
          %select_n3A_373 = arith.select %ge3A_370, %sub3A_372, %add3A_368 : i32
          %mul3A_374 = arith.constant 8 : i32
          %mul3A_375 = arith.muli %scan3A_253, %mul3A_374 : i32
          %add3A_376 = arith.constant 6 : i32
          %add3A_377 = arith.addi %mul3A_375, %add3A_376 : i32
          "tpu.region"() ({
            %run_scoped3A = tpu.sem_alloc : memref<!tpu.dma_semaphore, #tpu.memory_space<semaphore_mem>>
            %dma_start3A_393 = arith.constant 0 : i32
            %dma_start3A_394 = tpu.memref_slice %arg12[%add3A_377, %dma_start3A_393] : memref<128x128xf32, #tpu.memory_space<vmem>> -> memref<1x128xf32, #tpu.memory_space<vmem>>
            %dma_start3A_395 = arith.constant 0 : i32
            %dma_start3A_396 = tpu.memref_slice %arg2[%select_n3A_373, %dma_start3A_395] : memref<100000x128xf32, #tpu.memory_space<hbm>> -> memref<1x128xf32, #tpu.memory_space<hbm>>
            %dma_start3A_397 = arith.constant 0 : i32
            %dma_start3A_398 = tpu.memref_slice %arg2[%select_n3A_373, %dma_start3A_397] : memref<100000x128xf32, #tpu.memory_space<hbm>> -> memref<1x128xf32, #tpu.memory_space<hbm>>
            %dma_start3A_399 = arith.constant 0 : i32
            %dma_start3A_400 = tpu.memref_slice %arg12[%add3A_377, %dma_start3A_399] : memref<128x128xf32, #tpu.memory_space<vmem>> -> memref<1x128xf32, #tpu.memory_space<vmem>>
            tpu.enqueue_dma source(%dma_start3A_400 : memref<1x128xf32, #tpu.memory_space<vmem>>) target(%dma_start3A_398 : memref<1x128xf32, #tpu.memory_space<hbm>>) target_semaphore(%run_scoped3A : memref<!tpu.dma_semaphore, #tpu.memory_space<semaphore_mem>>)
            %dma_wait3A_401 = arith.constant 0 : i32
            %dma_wait3A_402 = tpu.memref_slice %arg12[%add3A_377, %dma_wait3A_401] : memref<128x128xf32, #tpu.memory_space<vmem>> -> memref<1x128xf32, #tpu.memory_space<vmem>>
            %dma_wait3A_403 = arith.constant 0 : i32
            %dma_wait3A_404 = tpu.memref_slice %arg2[%select_n3A_373, %dma_wait3A_403] : memref<100000x128xf32, #tpu.memory_space<hbm>> -> memref<1x128xf32, #tpu.memory_space<hbm>>
            %dma_wait3A_405 = arith.constant 0 : i32
            %dma_wait3A_406 = tpu.memref_slice %arg2[%select_n3A_373, %dma_wait3A_405] : memref<100000x128xf32, #tpu.memory_space<hbm>> -> memref<1x128xf32, #tpu.memory_space<hbm>>
            %dma_wait3A_407 = arith.constant 0 : i32
            %dma_wait3A_408 = tpu.memref_slice %arg12[%add3A_377, %dma_wait3A_407] : memref<128x128xf32, #tpu.memory_space<vmem>> -> memref<1x128xf32, #tpu.memory_space<vmem>>
            tpu.wait_dma2 semaphore(%run_scoped3A : memref<!tpu.dma_semaphore, #tpu.memory_space<semaphore_mem>>) src(%dma_wait3A_408 : memref<1x128xf32, #tpu.memory_space<vmem>>) dst(%dma_wait3A_406 : memref<1x128xf32, #tpu.memory_space<hbm>>)
            tpu.yield
          }) : () -> ()
          %mul3A_378 = arith.constant 8 : i32
          %mul3A_379 = arith.muli %scan3A_253, %mul3A_378 : i32
          %add3A_380 = arith.addi %add3A_171, %mul3A_379 : i32
          %add3A_381 = arith.constant 7 : i32
          %add3A_382 = arith.addi %add3A_380, %add3A_381 : i32
          %add3A_383 = arith.addi %squeeze3A, %add3A_382 : i32
          %ge3A_384 = arith.constant 100000 : i32
          %ge3A_385 = arith.cmpi sge, %add3A_383, %ge3A_384 : i32
          %sub3A_386 = arith.constant 100000 : i32
          %sub3A_387 = arith.subi %add3A_383, %sub3A_386 : i32
          %select_n3A_388 = arith.select %ge3A_385, %sub3A_387, %add3A_383 : i32
          %mul3A_389 = arith.constant 8 : i32
          %mul3A_390 = arith.muli %scan3A_253, %mul3A_389 : i32
          %add3A_391 = arith.constant 7 : i32
          %add3A_392 = arith.addi %mul3A_390, %add3A_391 : i32
          "tpu.region"() ({
            %run_scoped3A = tpu.sem_alloc : memref<!tpu.dma_semaphore, #tpu.memory_space<semaphore_mem>>
            %dma_start3A_393 = arith.constant 0 : i32
            %dma_start3A_394 = tpu.memref_slice %arg12[%add3A_392, %dma_start3A_393] : memref<128x128xf32, #tpu.memory_space<vmem>> -> memref<1x128xf32, #tpu.memory_space<vmem>>
            %dma_start3A_395 = arith.constant 0 : i32
            %dma_start3A_396 = tpu.memref_slice %arg2[%select_n3A_388, %dma_start3A_395] : memref<100000x128xf32, #tpu.memory_space<hbm>> -> memref<1x128xf32, #tpu.memory_space<hbm>>
            %dma_start3A_397 = arith.constant 0 : i32
            %dma_start3A_398 = tpu.memref_slice %arg2[%select_n3A_388, %dma_start3A_397] : memref<100000x128xf32, #tpu.memory_space<hbm>> -> memref<1x128xf32, #tpu.memory_space<hbm>>
            %dma_start3A_399 = arith.constant 0 : i32
            %dma_start3A_400 = tpu.memref_slice %arg12[%add3A_392, %dma_start3A_399] : memref<128x128xf32, #tpu.memory_space<vmem>> -> memref<1x128xf32, #tpu.memory_space<vmem>>
            tpu.enqueue_dma source(%dma_start3A_400 : memref<1x128xf32, #tpu.memory_space<vmem>>) target(%dma_start3A_398 : memref<1x128xf32, #tpu.memory_space<hbm>>) target_semaphore(%run_scoped3A : memref<!tpu.dma_semaphore, #tpu.memory_space<semaphore_mem>>)
            %dma_wait3A_401 = arith.constant 0 : i32
            %dma_wait3A_402 = tpu.memref_slice %arg12[%add3A_392, %dma_wait3A_401] : memref<128x128xf32, #tpu.memory_space<vmem>> -> memref<1x128xf32, #tpu.memory_space<vmem>>
            %dma_wait3A_403 = arith.constant 0 : i32
            %dma_wait3A_404 = tpu.memref_slice %arg2[%select_n3A_388, %dma_wait3A_403] : memref<100000x128xf32, #tpu.memory_space<hbm>> -> memref<1x128xf32, #tpu.memory_space<hbm>>
            %dma_wait3A_405 = arith.constant 0 : i32
            %dma_wait3A_406 = tpu.memref_slice %arg2[%select_n3A_388, %dma_wait3A_405] : memref<100000x128xf32, #tpu.memory_space<hbm>> -> memref<1x128xf32, #tpu.memory_space<hbm>>
            %dma_wait3A_407 = arith.constant 0 : i32
            %dma_wait3A_408 = tpu.memref_slice %arg12[%add3A_392, %dma_wait3A_407] : memref<128x128xf32, #tpu.memory_space<vmem>> -> memref<1x128xf32, #tpu.memory_space<vmem>>
            tpu.wait_dma2 semaphore(%run_scoped3A : memref<!tpu.dma_semaphore, #tpu.memory_space<semaphore_mem>>) src(%dma_wait3A_408 : memref<1x128xf32, #tpu.memory_space<vmem>>) dst(%dma_wait3A_406 : memref<1x128xf32, #tpu.memory_space<hbm>>)
            tpu.yield
          }) : () -> ()
        } else {
        }
      }
      %scan3A_252 = arith.constant 16 : i32
    } else {
    }
    %convert_element_type3A_194 = arith.extui %lt3A_5 : i1 to i32
    %cond3A_195 = arith.constant 0 : i32
    %cond3A_196 = arith.cmpi ne, %convert_element_type3A_194, %cond3A_195 : i32
    scf.if %cond3A_196 {
      %dma_wait3A_248 = arith.constant 0 : i32
      %dma_wait3A_249 = tpu.memref_slice %arg3[%dma_wait3A_248] : memref<100000xi32, #tpu.memory_space<hbm>> -> memref<4000xi32, #tpu.memory_space<hbm>>
      %dma_wait3A_250 = arith.constant 0 : i32
      %dma_wait3A_251 = tpu.memref_slice %arg3[%dma_wait3A_250] : memref<100000xi32, #tpu.memory_space<hbm>> -> memref<4000xi32, #tpu.memory_space<hbm>>
      tpu.wait_dma2 semaphore(%arg24 : memref<!tpu.dma_semaphore, #tpu.memory_space<semaphore_mem>>) src(%dma_wait3A_251 : memref<4000xi32, #tpu.memory_space<hbm>>) dst(%arg13 : memref<4000xi32, #tpu.memory_space<vmem>>)
      %convert_element_type3A_252 = arith.extui %or3A : i1 to i32
      %cond3A_253 = arith.constant 0 : i32
      %cond3A_254 = arith.cmpi ne, %convert_element_type3A_252, %cond3A_253 : i32
      scf.if %cond3A_254 {
        tpu.wait_dma2 semaphore(%arg25 : memref<!tpu.dma_semaphore, #tpu.memory_space<semaphore_mem>>) src(%arg5 : memref<16384xi32, #tpu.memory_space<hbm>>) dst(%arg14 : memref<16384xi32, #tpu.memory_space<vmem>>)
        %iota3A = tpu.iota {dimensions = array<i32: 0>} : vector<16xi32>
        %while3A = arith.constant 0 : i32
        %while3A_255 = arith.subi %max3A_97, %select_n3A_69 : i32
        %while3A_256 = arith.addi %select_n3A_69, %while3A_255 : i32
        %while3A_257 = arith.constant 1 : i32
        %while3A_258 = arith.divsi %while3A_255, %while3A_257 : i32
        %while3A_259 = arith.muli %while3A_258, %while3A_257 : i32
        %while3A_260 = arith.addi %select_n3A_69, %while3A_259 : i32
        %while3A_261 = arith.constant 1 : i32
        scf.for %while3A_263 = %select_n3A_69 to %while3A_260 step %while3A_261  : i32 {
          %mul3A_264 = arith.constant 16 : i32
          %mul3A_265 = arith.muli %while3A_263, %mul3A_264 : i32
          %add3A_266 = arith.addi %mul3A_4, %mul3A_265 : i32
          %add3A_267 = vector.broadcast %add3A_266 : i32 to vector<16xi32>
          %add3A_268 = arith.addi %add3A_267, %iota3A : vector<16xi32>
          %sub3A_269 = vector.broadcast %squeeze3A : i32 to vector<16xi32>
          %sub3A_270 = arith.subi %add3A_268, %sub3A_269 : vector<16xi32>
          %lt3A_271 = arith.constant 0 : i32
          %lt3A_272 = vector.broadcast %lt3A_271 : i32 to vector<16xi32>
          %lt3A_273 = arith.cmpi slt, %sub3A_270, %lt3A_272 : vector<16xi32>
          %add3A_274 = arith.constant 100000 : i32
          %add3A_275 = vector.broadcast %add3A_274 : i32 to vector<16xi32>
          %add3A_276 = arith.addi %sub3A_270, %add3A_275 : vector<16xi32>
          %select_n3A_277 = arith.select %lt3A_273, %add3A_276, %sub3A_270 : vector<16xi1>, vector<16xi32>
          %lt3A_278 = arith.constant 16384 : i32
          %lt3A_279 = vector.broadcast %lt3A_278 : i32 to vector<16xi32>
          %lt3A_280 = arith.cmpi slt, %select_n3A_277, %lt3A_279 : vector<16xi32>
          %jit3A_281 = arith.constant 0 : i32
          %broadcast_in_dim3A = vector.broadcast %jit3A_281 : i32 to vector<16xi32>
          %select_n3A_282 = arith.select %lt3A_280, %select_n3A_277, %broadcast_in_dim3A : vector<16xi1>, vector<16xi32>
          %gather3A = tpu.vector_load_idx %arg14[%select_n3A_282] : memref<16384xi32, #tpu.memory_space<vmem>>[vector<16xi32>], vector<16xi32>,
          %get3A_283 = arith.index_cast %mul3A_265 : i32 to index
          %get3A_284 = tpu.vector_load %arg13[%get3A_283] {strides = array<i32>} : memref<4000xi32, #tpu.memory_space<vmem>>, vector<16xi32>,
          %select_n3A_285 = arith.select %lt3A_280, %gather3A, %get3A_284 : vector<16xi1>, vector<16xi32>
          %swap3A = arith.index_cast %mul3A_265 : i32 to index
          %swap3A_286 = tpu.vector_load %arg13[%swap3A] {strides = array<i32>} : memref<4000xi32, #tpu.memory_space<vmem>>, vector<16xi32>,
          tpu.vector_store %arg13[%swap3A], %select_n3A_285 {strides = array<i32>} : memref<4000xi32, #tpu.memory_space<vmem>>, vector<16xi32>,
        }
        %while3A_262 = arith.constant 1 : i32
        scf.for %while3A_263 = %while3A_260 to %while3A_256 step %while3A_262  : i32 {
          %mul3A_264 = arith.constant 16 : i32
          %mul3A_265 = arith.muli %while3A_263, %mul3A_264 : i32
          %add3A_266 = arith.addi %mul3A_4, %mul3A_265 : i32
          %add3A_267 = vector.broadcast %add3A_266 : i32 to vector<16xi32>
          %add3A_268 = arith.addi %add3A_267, %iota3A : vector<16xi32>
          %sub3A_269 = vector.broadcast %squeeze3A : i32 to vector<16xi32>
          %sub3A_270 = arith.subi %add3A_268, %sub3A_269 : vector<16xi32>
          %lt3A_271 = arith.constant 0 : i32
          %lt3A_272 = vector.broadcast %lt3A_271 : i32 to vector<16xi32>
          %lt3A_273 = arith.cmpi slt, %sub3A_270, %lt3A_272 : vector<16xi32>
          %add3A_274 = arith.constant 100000 : i32
          %add3A_275 = vector.broadcast %add3A_274 : i32 to vector<16xi32>
          %add3A_276 = arith.addi %sub3A_270, %add3A_275 : vector<16xi32>
          %select_n3A_277 = arith.select %lt3A_273, %add3A_276, %sub3A_270 : vector<16xi1>, vector<16xi32>
          %lt3A_278 = arith.constant 16384 : i32
          %lt3A_279 = vector.broadcast %lt3A_278 : i32 to vector<16xi32>
          %lt3A_280 = arith.cmpi slt, %select_n3A_277, %lt3A_279 : vector<16xi32>
          %jit3A_281 = arith.constant 0 : i32
          %broadcast_in_dim3A = vector.broadcast %jit3A_281 : i32 to vector<16xi32>
          %select_n3A_282 = arith.select %lt3A_280, %select_n3A_277, %broadcast_in_dim3A : vector<16xi1>, vector<16xi32>
          %gather3A = tpu.vector_load_idx %arg14[%select_n3A_282] : memref<16384xi32, #tpu.memory_space<vmem>>[vector<16xi32>], vector<16xi32>,
          %get3A_283 = arith.index_cast %mul3A_265 : i32 to index
          %get3A_284 = tpu.vector_load %arg13[%get3A_283] {strides = array<i32>} : memref<4000xi32, #tpu.memory_space<vmem>>, vector<16xi32>,
          %select_n3A_285 = arith.select %lt3A_280, %gather3A, %get3A_284 : vector<16xi1>, vector<16xi32>
          %swap3A = arith.index_cast %mul3A_265 : i32 to index
          %swap3A_286 = tpu.vector_load %arg13[%swap3A] {strides = array<i32>} : memref<4000xi32, #tpu.memory_space<vmem>>, vector<16xi32>,
          tpu.vector_store %arg13[%swap3A], %select_n3A_285 {strides = array<i32>} : memref<4000xi32, #tpu.memory_space<vmem>>, vector<16xi32>,
        }
      } else {
      }
      "tpu.region"() ({
        %run_scoped3A = tpu.sem_alloc : memref<!tpu.dma_semaphore, #tpu.memory_space<semaphore_mem>>
        %dma_start3A_255 = tpu.memref_slice %arg7[%mul3A_4] : memref<100000xi32, #tpu.memory_space<hbm>> -> memref<4000xi32, #tpu.memory_space<hbm>>
        %dma_start3A_256 = tpu.memref_slice %arg7[%mul3A_4] : memref<100000xi32, #tpu.memory_space<hbm>> -> memref<4000xi32, #tpu.memory_space<hbm>>
        tpu.enqueue_dma source(%arg13 : memref<4000xi32, #tpu.memory_space<vmem>>) target(%dma_start3A_256 : memref<4000xi32, #tpu.memory_space<hbm>>) target_semaphore(%run_scoped3A : memref<!tpu.dma_semaphore, #tpu.memory_space<semaphore_mem>>)
        %dma_wait3A_257 = tpu.memref_slice %arg7[%mul3A_4] : memref<100000xi32, #tpu.memory_space<hbm>> -> memref<4000xi32, #tpu.memory_space<hbm>>
        %dma_wait3A_258 = tpu.memref_slice %arg7[%mul3A_4] : memref<100000xi32, #tpu.memory_space<hbm>> -> memref<4000xi32, #tpu.memory_space<hbm>>
        tpu.wait_dma2 semaphore(%run_scoped3A : memref<!tpu.dma_semaphore, #tpu.memory_space<semaphore_mem>>) src(%arg13 : memref<4000xi32, #tpu.memory_space<vmem>>) dst(%dma_wait3A_258 : memref<4000xi32, #tpu.memory_space<hbm>>)
        tpu.yield
      }) : () -> ()
    } else {
    }
    %add3A_197 = arith.constant 0 : i32
    %add3A_198 = arith.addi %mul3A_2, %add3A_197 : i32
    %add3A_199 = arith.addi %squeeze3A, %add3A_198 : i32
    %ge3A_200 = arith.constant 100000 : i32
    %ge3A_201 = arith.cmpi sge, %add3A_199, %ge3A_200 : i32
    %sub3A_202 = arith.constant 100000 : i32
    %sub3A_203 = arith.subi %add3A_199, %sub3A_202 : i32
    %select_n3A_204 = arith.select %ge3A_201, %sub3A_203, %add3A_199 : i32
    %le3A = arith.constant 99872 : i32
    %le3A_205 = arith.cmpi sle, %select_n3A_204, %le3A : i32
    %convert_element_type3A_206 = arith.extui %le3A_205 : i1 to i32
    %cond3A_207 = arith.constant 0 : i32
    %cond3A_208 = arith.cmpi ne, %convert_element_type3A_206, %cond3A_207 : i32
    scf.if %cond3A_208 {
      %dma_wait3A_248 = arith.constant 0 : i32
      %dma_wait3A_249 = arith.constant 0 : i32
      %dma_wait3A_250 = tpu.memref_slice %arg2[%dma_wait3A_248, %dma_wait3A_249] : memref<100000x128xf32, #tpu.memory_space<hbm>> -> memref<128x128xf32, #tpu.memory_space<hbm>>
      %dma_wait3A_251 = arith.constant 0 : i32
      %dma_wait3A_252 = arith.constant 0 : i32
      %dma_wait3A_253 = tpu.memref_slice %arg2[%dma_wait3A_251, %dma_wait3A_252] : memref<100000x128xf32, #tpu.memory_space<hbm>> -> memref<128x128xf32, #tpu.memory_space<hbm>>
      tpu.wait_dma2 semaphore(%arg20 : memref<!tpu.dma_semaphore, #tpu.memory_space<semaphore_mem>>) src(%arg9 : memref<128x128xf32, #tpu.memory_space<vmem>>) dst(%dma_wait3A_253 : memref<128x128xf32, #tpu.memory_space<hbm>>)
    } else {
    }
    %add3A_209 = arith.constant 128 : i32
    %add3A_210 = arith.addi %mul3A_2, %add3A_209 : i32
    %add3A_211 = arith.addi %squeeze3A, %add3A_210 : i32
    %ge3A_212 = arith.constant 100000 : i32
    %ge3A_213 = arith.cmpi sge, %add3A_211, %ge3A_212 : i32
    %sub3A_214 = arith.constant 100000 : i32
    %sub3A_215 = arith.subi %add3A_211, %sub3A_214 : i32
    %select_n3A_216 = arith.select %ge3A_213, %sub3A_215, %add3A_211 : i32
    %le3A_217 = arith.constant 99872 : i32
    %le3A_218 = arith.cmpi sle, %select_n3A_216, %le3A_217 : i32
    %convert_element_type3A_219 = arith.extui %le3A_218 : i1 to i32
    %cond3A_220 = arith.constant 0 : i32
    %cond3A_221 = arith.cmpi ne, %convert_element_type3A_219, %cond3A_220 : i32
    scf.if %cond3A_221 {
      %dma_wait3A_248 = arith.constant 0 : i32
      %dma_wait3A_249 = arith.constant 0 : i32
      %dma_wait3A_250 = tpu.memref_slice %arg2[%dma_wait3A_248, %dma_wait3A_249] : memref<100000x128xf32, #tpu.memory_space<hbm>> -> memref<128x128xf32, #tpu.memory_space<hbm>>
      %dma_wait3A_251 = arith.constant 0 : i32
      %dma_wait3A_252 = arith.constant 0 : i32
      %dma_wait3A_253 = tpu.memref_slice %arg2[%dma_wait3A_251, %dma_wait3A_252] : memref<100000x128xf32, #tpu.memory_space<hbm>> -> memref<128x128xf32, #tpu.memory_space<hbm>>
      tpu.wait_dma2 semaphore(%arg21 : memref<!tpu.dma_semaphore, #tpu.memory_space<semaphore_mem>>) src(%arg10 : memref<128x128xf32, #tpu.memory_space<vmem>>) dst(%dma_wait3A_253 : memref<128x128xf32, #tpu.memory_space<hbm>>)
    } else {
    }
    %add3A_222 = arith.constant 256 : i32
    %add3A_223 = arith.addi %mul3A_2, %add3A_222 : i32
    %add3A_224 = arith.addi %squeeze3A, %add3A_223 : i32
    %ge3A_225 = arith.constant 100000 : i32
    %ge3A_226 = arith.cmpi sge, %add3A_224, %ge3A_225 : i32
    %sub3A_227 = arith.constant 100000 : i32
    %sub3A_228 = arith.subi %add3A_224, %sub3A_227 : i32
    %select_n3A_229 = arith.select %ge3A_226, %sub3A_228, %add3A_224 : i32
    %le3A_230 = arith.constant 99872 : i32
    %le3A_231 = arith.cmpi sle, %select_n3A_229, %le3A_230 : i32
    %convert_element_type3A_232 = arith.extui %le3A_231 : i1 to i32
    %cond3A_233 = arith.constant 0 : i32
    %cond3A_234 = arith.cmpi ne, %convert_element_type3A_232, %cond3A_233 : i32
    scf.if %cond3A_234 {
      %dma_wait3A_248 = arith.constant 0 : i32
      %dma_wait3A_249 = arith.constant 0 : i32
      %dma_wait3A_250 = tpu.memref_slice %arg2[%dma_wait3A_248, %dma_wait3A_249] : memref<100000x128xf32, #tpu.memory_space<hbm>> -> memref<128x128xf32, #tpu.memory_space<hbm>>
      %dma_wait3A_251 = arith.constant 0 : i32
      %dma_wait3A_252 = arith.constant 0 : i32
      %dma_wait3A_253 = tpu.memref_slice %arg2[%dma_wait3A_251, %dma_wait3A_252] : memref<100000x128xf32, #tpu.memory_space<hbm>> -> memref<128x128xf32, #tpu.memory_space<hbm>>
      tpu.wait_dma2 semaphore(%arg22 : memref<!tpu.dma_semaphore, #tpu.memory_space<semaphore_mem>>) src(%arg11 : memref<128x128xf32, #tpu.memory_space<vmem>>) dst(%dma_wait3A_253 : memref<128x128xf32, #tpu.memory_space<hbm>>)
    } else {
    }
    %add3A_235 = arith.constant 384 : i32
    %add3A_236 = arith.addi %mul3A_2, %add3A_235 : i32
    %add3A_237 = arith.addi %squeeze3A, %add3A_236 : i32
    %ge3A_238 = arith.constant 100000 : i32
    %ge3A_239 = arith.cmpi sge, %add3A_237, %ge3A_238 : i32
    %sub3A_240 = arith.constant 100000 : i32
    %sub3A_241 = arith.subi %add3A_237, %sub3A_240 : i32
    %select_n3A_242 = arith.select %ge3A_239, %sub3A_241, %add3A_237 : i32
    %le3A_243 = arith.constant 99872 : i32
    %le3A_244 = arith.cmpi sle, %select_n3A_242, %le3A_243 : i32
    %convert_element_type3A_245 = arith.extui %le3A_244 : i1 to i32
    %cond3A_246 = arith.constant 0 : i32
    %cond3A_247 = arith.cmpi ne, %convert_element_type3A_245, %cond3A_246 : i32
    scf.if %cond3A_247 {
      %dma_wait3A_248 = arith.constant 0 : i32
      %dma_wait3A_249 = arith.constant 0 : i32
      %dma_wait3A_250 = tpu.memref_slice %arg2[%dma_wait3A_248, %dma_wait3A_249] : memref<100000x128xf32, #tpu.memory_space<hbm>> -> memref<128x128xf32, #tpu.memory_space<hbm>>
      %dma_wait3A_251 = arith.constant 0 : i32
      %dma_wait3A_252 = arith.constant 0 : i32
      %dma_wait3A_253 = tpu.memref_slice %arg2[%dma_wait3A_251, %dma_wait3A_252] : memref<100000x128xf32, #tpu.memory_space<hbm>> -> memref<128x128xf32, #tpu.memory_space<hbm>>
      tpu.wait_dma2 semaphore(%arg23 : memref<!tpu.dma_semaphore, #tpu.memory_space<semaphore_mem>>) src(%arg12 : memref<128x128xf32, #tpu.memory_space<vmem>>) dst(%dma_wait3A_253 : memref<128x128xf32, #tpu.memory_space<hbm>>)
    } else {
    }
    return
  }
}

</mosaic_0001>

<sc_bundles>
// kernel: kernel.3.cloned.1.call-start
scs
__scs_entry_jumppad:
0x0: {  	(pc) =	sbr.rel $0x88, $3  }
0x1: {  	(tag) =	ssettag $0x0;
	lr =	simm.s32 $0x1  }
0x2: {  	[smem:$0x3F9C] =	sst lr;
	_ =	strace $0xD0000000  }
0x3: {  	_ = 	snop  }
0x4: {  	_ = 	snop  }
0x5: {  	_ = 	snop  }
0x6: {  	_ = 	snop  }
0x7: {  	_ = 	snop  }
__scs_overlays_trampoline_lowered:
0x8: {  	[smem:$0x3FAB] =	sst s0  }
0x9: {  	[smem:$0x3FAC] =	sst s1  }
0xa: {  	[smem:$0x3FAD] =	sst s2  }
0xb: {  	[smem:$0x3FAE] =	sst s3  }
0xc: {  	[smem:$0x3FAF] =	sst s4  }
0xd: {  	[smem:$0x3FB0] =	sst s5  }
0xe: {  	[smem:$0x3FB1] =	sst s6  }
0xf: {  	[smem:$0x3FB2] =	sst s7  }
0x10: {  	[smem:$0x3FB3] =	sst s8  }
0x11: {  	[smem:$0x3FB4] =	sst s9;
	s0 =	simm.s32 @!p0 $0x0  }
0x12: {  	s1 =	sld [smem:$0x3F9A];
	s0 =	simm.s32 @p0 $0x1  }
0x13: {  	[smem:$0x3FB5] =	sst s0;
	s0 =	simm.s32 @!p1 $0x0  }
0x14: {  	s2 =	sld [smem:$0x3F99];
	s0 =	simm.s32 @p1 $0x1  }
0x15: {  	[smem:$0x3FB6] =	sst s0;
	s0 =	simm.s32 @!p2 $0x0  }
0x16: {  	s3 =	sld [smem:$0x3FDB];
	s0 =	simm.s32 @p2 $0x1  }
0x17: {  	s4 =	simm.s32 $0x1BF5;
	[smem:$0x3FB8] =	sst s0  }
0x18: {  	s0 =	sld [smem:$0x3F9B];
	_ =	swait.ge [sflag:s4], $0x0  }
0x19: {  	s7 =	sld [smem:$0x3F9C]  }
0x1a: {  	s8 =	sadd.s32 $0xFFFFE003, lr  }
0x1b: {  	s9 =	sadd.s32 $0xFFFFFEF7, lr;
	s5 =	simm.s32 $0xFFFFFFFF;
	p2 =	slt.u32 s8, $0xFFFFF086  }
0x1c: {  	p1 =	slt.u32 s9, $0xF7A;
	s5 =	simm.s32 @!p2 $0x0  }
0x1d: {  	s5 =	simm.s32 @p1 $0x1;
	p0 =	seq.s32 s7, s2  }
0x1e: {  	s7 =	smul.u32 @!p0 $0xF7A, s2;
	p2 =	seq.s32 @!p0 s5, $0x0  }
0x1f: {  	s9 =	smul.u32 $0xF7A, s1;
	s8 =	simm.s32 @!p0 $0x1BF5;
	p2 =	por !p2, p0  }
0x20: {  	[sflag:s8] =	ssyncset.s32 @!p0 $0xFFFFF086;
	s6 =	sadd.s32 @!p0 s3, s7;
	s7 =	simm.s32 @!p0 $0x108  }
0x21: {  	s3 =	sadd.s32 s3, s9;
	s6 =	sadd.s32 @!p0 $0x88, s6;
	s7 =	simm.s32 @p2 $0x1082  }
0x22: {  	[simem:s7], [sflag:s8] =	dma.local @!p0 [hbm:s6], $0xF7A  }
0x23: {  	s9 =	sor.u32 $0xD0000000, s2;
	s6 =	simm.s32 $0x108;
	_ =	swait.ge @!p0 [sflag:s8], $0x0  }
0x24: {  	s3 =	sadd.s32 $0x88, s3;
	s6 =	simm.s32 @!p1 $0x1082;
	[sflag:s4] =	ssyncset.s32 $0xFFFFF086  }
0x25: {  	[simem:s6], [sflag:s4] =	dma.local [hbm:s3], $0xF7A  }
0x26: {  	[smem:$0x3F9C] =	sst s1;
	(tag) =	ssettag s2;
	_ =	strace s9  }
0x27: {  	s1 =	sld [smem:$0x3FAC]  }
0x28: {  	s2 =	sld [smem:$0x3FAD]  }
0x29: {  	s4 =	sld [smem:$0x3FAF]  }
0x2a: {  	p0 =	seq.s32 s5, $0x0;
	s5 =	sld [smem:$0x3FB0]  }
0x2b: {  	s6 =	sld [smem:$0x3FB1]  }
0x2c: {  	s7 =	sld [smem:$0x3FB2]  }
0x2d: {  	s3 =	simm.s32 $0x108;
	s8 =	sld [smem:$0x3FB3]  }
0x2e: {  	s3 =	simm.s32 @!p0 $0x1082;
	s9 =	sld [smem:$0x3FB4]  }
0x2f: {  	lr =	sadd.s32 s0, s3;
	s0 =	sld [smem:$0x3FAB]  }
0x30: {  	s3 =	sld [smem:$0x3FAE]  }
0x31: {  	[smem:$0x3FB7] =	sst s10  }
0x32: {  	s10 =	sld [smem:$0x3FB5];
	_ =	sdelay $0x3  }
0x33: {  	p0 =	seq.s32 s10, $0x1;
	s10 =	sld [smem:$0x3FB7];
	_ =	sdelay $0x3  }
0x34: {  	[smem:$0x3FB7] =	sst s10  }
0x35: {  	s10 =	sld [smem:$0x3FB6];
	_ =	sdelay $0x3  }
0x36: {  	p1 =	seq.s32 s10, $0x1;
	s10 =	sld [smem:$0x3FB7];
	_ =	sdelay $0x3  }
0x37: {  	[smem:$0x3FB7] =	sst s10  }
0x38: {  	s10 =	sld [smem:$0x3FB8]  }
0x39: {  	_ = 	snop;
	(pc) =	sbr.ind lr, $3  }
0x3a: {  	_ = 	snop  }
0x3b: {  	_ = 	snop  }
0x3c: {  	p2 =	seq.s32 s10, $0x1;
	s10 =	sld [smem:$0x3FB7]  }
0x3d: {  	_ =	shalt  }
0x3e: {  	_ =	shalt  }
0x3f: {  	_ =	shalt  }
0x40: {  	_ =	shalt  }
0x41: {  	_ =	shalt  }
0x42: {  	_ =	shalt  }
0x43: {  	_ =	shalt  }
0x44: {  	_ =	shalt  }
0x45: {  	_ =	shalt  }
0x46: {  	_ =	shalt  }
0x47: {  	_ =	shalt  }
0x48: {  	_ =	shalt  }
0x49: {  	_ =	shalt  }
0x4a: {  	_ =	shalt  }
0x4b: {  	_ =	shalt  }
0x4c: {  	_ =	shalt  }
0x4d: {  	_ =	shalt  }
0x4e: {  	_ =	shalt  }
0x4f: {  	_ =	shalt  }
0x50: {  	_ =	shalt  }
0x51: {  	_ =	shalt  }
0x52: {  	_ =	shalt  }
0x53: {  	_ =	shalt  }
0x54: {  	_ =	shalt  }
0x55: {  	_ =	shalt  }
0x56: {  	_ =	shalt  }
0x57: {  	_ =	shalt  }
0x58: {  	_ =	shalt  }
0x59: {  	_ =	shalt  }
0x5a: {  	_ =	shalt  }
0x5b: {  	_ =	shalt  }
0x5c: {  	_ =	shalt  }
0x5d: {  	_ =	shalt  }
0x5e: {  	_ =	shalt  }
0x5f: {  	_ =	shalt  }
0x60: {  	_ =	shalt  }
0x61: {  	_ =	shalt  }
0x62: {  	_ =	shalt  }
0x63: {  	_ =	shalt  }
0x64: {  	_ =	shalt  }
0x65: {  	_ =	shalt  }
0x66: {  	_ =	shalt  }
0x67: {  	_ =	shalt  }
0x68: {  	_ =	shalt  }
0x69: {  	_ =	shalt  }
0x6a: {  	_ =	shalt  }
0x6b: {  	_ =	shalt  }
0x6c: {  	_ =	shalt  }
0x6d: {  	_ =	shalt  }
0x6e: {  	_ =	shalt  }
0x6f: {  	_ =	shalt  }
0x70: {  	_ =	shalt  }
0x71: {  	_ =	shalt  }
0x72: {  	_ =	shalt  }
0x73: {  	_ =	shalt  }
0x74: {  	_ =	shalt  }
0x75: {  	_ =	shalt  }
0x76: {  	_ =	shalt  }
0x77: {  	_ =	shalt  }
0x78: {  	_ =	shalt  }
0x79: {  	_ =	shalt  }
0x7a: {  	_ =	shalt  }
0x7b: {  	_ =	shalt  }
0x7c: {  	_ =	shalt  }
0x7d: {  	_ =	shalt  }
0x7e: {  	_ =	shalt  }
0x7f: {  	_ =	shalt  }
0x80: {  	_ =	shalt  }
0x81: {  	_ =	shalt  }
0x82: {  	_ =	shalt  }
0x83: {  	_ =	shalt  }
0x84: {  	_ =	shalt  }
0x85: {  	_ =	shalt  }
0x86: {  	_ =	shalt  }
0x87: {  	_ =	shalt  }
.Lfunc_end0:
.L_simem_size_0:
called_computation_lowered:
.L_overlay_start_0:
0x88: {  	s2 =	sld [smem:$0x3FD9]  }
0x89: {  	s3 =	sld [smem:$0x3FFE];
	_ =	sdelay $0x1  }
0x8a: {  	s1 =	srdreg.scid  }
0x8b: {  	s0 =	sand.u32 $0x1, s1  }
0x8c: {  	s14 =	sshll.u32 s0, $0xA;
	s2 =	sadd.s32 s3, s2  }
0x8d: {  	s2 =	sadd.s32 s2, s14  }
0x8e: {  	[smem:$0x3FC3] =	sst s2  }
0x8f: {  	_ = 	snop  }
0x90: {  	s2 =	sld [smem:$0x3FD0]  }
0x91: {  	s15 =	sld [smem:$0x3FC8]  }
0x92: {  	s4 =	sld [smem:$0x3FC7]  }
0x93: {  	s6 =	simm.s32 $0xA;
	s7 =	simm.s32 $0x10;
	s5 =	sld [smem:$0x3FC6]  }
0x94: {  	[smem:s7], [sflag:s6] =	dma.local [hbm:s2], $0x1  }
0x95: {  	_ =	swait.eq [sflag:s6], $0x1  }
0x96: {  	[sflag:s6] =	ssyncset.done $0x0  }
0x97: {  	s16 =	sld [smem:$0x10];
	[sflag:s6] =	ssyncadd.s32 $0xFFFFFFFF  }
0x98: {  	s17 =	sld [smem:$0x11];
	(tm) =	ssettm $0x1  }
0x99: {  	s18 =	sld [smem:$0x3FFB];
	_ =	sdelay $0x3  }
0x9a: {  	_ =	strace s18  }
0x9b: {  	s7 =	sld [smem:$0x3FFC];
	_ =	sdelay $0x3  }
0x9c: {  	_ =	strace s7  }
0x9d: {  	s7 =	sld [smem:$0x3FFD];
	_ =	sdelay $0x3  }
0x9e: {  	_ =	strace s7  }
0x9f: {  	_ =	strace $0x8FFFFFFF  }
0xa0: {  	s19 =	sld [smem:$0x3FDB];
	_ =	sdelay $0x1  }
0xa1: {  	s8 =	simm.s32 $_scs_section_size  }
0xa2: {  	s9 =	simm.s32 $_size__tile_overlayer_lowered;
	s10 =	simm.s32 $_tile_overlayer_lowered  }
0xa3: {  	s22 =	simm.s32 $0x1BFF;
	s21 =	sshll.u32 s10, $0x1;
	s7 =	sadd.s32 s8, s19  }
0xa4: {  	s11 =	simm.s32 $0x0;
	s20 =	sshll.u32 s9, $0x1;
	s9 =	sadd.s32 s21, s7  }
0xa5: {  	[timem:s11], [sflag:s22] =	dma.local [hbm:s9], s20  }
0xa6: {  	_ =	swait.ge [sflag:s22], s20  }
0xa7: {  	s8 =	ssub.s32 $0x0, s20;
	[sflag:s22] =	ssyncset.done $0x0  }
0xa8: {  	[sflag:s22] =	ssyncadd.s32 s8;
	_ =	sdelay $0x1  }
0xa9: {  	s23 =	simm.s32 $0x1B8B  }
0xaa: {  	_ =	swait.ge [sflag:s23], $0x1  }
0xab: {  	[sflag:s23] =	ssyncset.done $0x0  }
0xac: {  	s25 =	simm.s32 $0x1B8E;
	s24 =	sld [smem:$0x3FFE];
	[sflag:s23] =	ssyncadd.s32 $0xFFFFFFFF  }
0xad: {  	s26 =	simm.s32 $execute0_lowered;
	[smem:$0x3FD2] =	sst s25  }
0xae: {  	s9 =	sshll.u32 s26, $0x1;
	_ =	strace $0x80000046;
	[dreg:$0x1] =	wrdreg $0xFFFFFFFF  }
0xaf: {  	s28 =	simm.s32 $_size_execute0_lowered;
	s7 =	sadd.s32 s7, s9;
	[dreg:$0x0] =	wrdreg $0x0  }
0xb0: {  	s9 =	sshll.u32 s28, $0x1;
	[dreg:$0x2] =	wrdreg s7  }
0xb1: {  	[dreg:$0x3] =	wrdreg s9  }
0xb2: {  	[dreg:$0x4] =	wrdreg $0xC0  }
0xb3: {  	_ =	task [dreg:s11], $0x5FFFF  }
0xb4: {  	[dreg:$0x1] =	wrdreg $0xFFFFFFFF  }
0xb5: {  	[dreg:$0x0] =	wrdreg $0x60  }
0xb6: {  	[dreg:$0x2] =	wrdreg s16  }
0xb7: {  	[dreg:$0x3] =	wrdreg s15  }
0xb8: {  	[dreg:$0x4] =	wrdreg s4  }
0xb9: {  	[dreg:$0x5] =	wrdreg s5  }
0xba: {  	[dreg:$0x6] =	wrdreg s24  }
0xbb: {  	[dreg:$0x7] =	wrdreg s17  }
0xbc: {  	[dreg:$0x8] =	wrdreg $0x9  }
0xbd: {  	_ =	task.clear_ibuf [dreg:s11], $0x9FFFF;
	_ =	strace $0x90000046  }
0xbe: {  	s29 =	simm.s32 $0x9;
	_ =	strace $0x80000048  }
0xbf: {  	_ =	swait.ge [sflag:s29], $0x1  }
0xc0: {  	[sflag:s29] =	ssyncadd.s32 $0xFFFFFFFF  }
0xc1: {  	_ =	strace $0x90000048  }
0xc2: {  	_ =	sfence  }
0xc3: {  	s30 =	sld [smem:$0x0];
	_ =	sdelay $0x2  }
0xc4: {  	s31 =	sshll.u32 s1, $0xD;
	s1 =	sshrl.u32 s1, $0x2  }
0xc5: {  	s3 =	sand.u32 $0x4000, s31;
	s1 =	sadd.s32 s1, s30  }
0xc6: {  	s0 =	sor.u32 s3, s0;
	s1 =	sshll.u32 s1, $0x11  }
0xc7: {  	s0 =	sor.u32 s1, s0  }
0xc8: {  	s0 =	sadd.s32 $0x8F2B, s0  }
0xc9: {  	[sflag:s0] =	ssyncadd.remote.s32 $0x1  }
0xca: {  	_ =	sfence.sel $0xFFFF  }
0xcb: {  	[dreg:$0x0] =	wrdreg $0xFFFFFFFF;
	(pc) =	sbr.abs _section_cstart, $3  }
0xcc: {  	[dreg:$0x1] =	wrdreg $0xFFFFFFFF  }
0xcd: {  	_ =	task.clear_ibuf [dreg:s11], $0x2FFFF;
	_ =	strace $0x9FFFFFFF  }
0xce: {  	(tm) =	ssettm $0x7FFFFFFF  }
0xcf: {  	_ =	shalt  }
tec
execute0_lowered:
.L_overlay_start_1:
0x0: {  	(tag) =	ssettag $0x1  }
0x1: {  	s1 =	rddreg [dreg:$0x0]  }
0x2: {  	s0 =	rddreg [dreg:$0x1]  }
0x3: {  	s2 =	rddreg [dreg:$0x2]  }
0x4: {  	s3 =	rddreg [dreg:$0x4]  }
0x5: {  	s5 =	rddreg [dreg:$0x5]  }
0x6: {  	s4 =	simm.s32 $0x0;
	s6 =	srdreg.scid;
	s15 =	stileid.u32  }
0x7: {  	s30 =	simm.s32 $0xB;
	s31 =	simm.s32 $0x1;
	s29 =	simm.s32 $0x10FA0  }
0x8: {  	[smem:$0x7FF] =	sst s4;
	s9 =	sand.u32 $0x1, s6;
	s3 =	sadd.s32 $0x800, s3  }
0x9: {  	s17 =	sshll.u32 s15, $0x9;
	s20 =	sshll.u32 s15, $0x10;
	s21 =	smul.u32 $0xFA0, s15  }
0xa: {  	s6 =	ssub.s32 $0x2, s9;
	s7 =	sshll.u32 s9, $0x4;
	_ =	strace $0x80000047  }
0xb: {  	[dreg:$0x7] =	wrdreg s3;
	s16 =	sshll.u32 s9, $0xD;
	s18 =	smul.u32 $0xFA00, s9  }
0xc: {  	s3 =	simm.s32 $0x3;
	s8 =	sshrl.u32 s6, $0x1;
	s11 =	sor.u32 s15, s7  }
0xd: {  	s26 =	ssub.s32 s6, s8;
	s6 =	sshll.u32 s11, $0x9;
	s7 =	smul.u32 $0xFA0, s11  }
0xe: {  	s10 =	sshll.u32 s11, $0xD;
	s25 =	sadd.s32 s21, s18;
	p0 =	sgt.u32 s11, $0x18  }
0xf: {  	s8 =	sor.u32 $0x80, s6;
	s10 =	sadd.s32 s2, s10;
	[dreg:$0x11] =	wrdreg s25  }
0x10: {  	[dreg:$0x8] =	wrdreg s10;
	s12 =	sshll.u32 s8, $0x4;
	s10 =	sor.u32 $0x100, s6  }
0x11: {  	s14 =	sshrl.u32 s7, $0x3;
	s24 =	sadd.s32 $0xFA0, s7;
	s12 =	sadd.s32 s2, s12  }
0x12: {  	s13 =	sshll.u32 s10, $0x4;
	s0 =	sadd.s32 s0, s14;
	[dreg:$0x9] =	wrdreg s12  }
0x13: {  	s5 =	sadd.s32 s5, s14;
	s12 =	sor.u32 $0x180, s6;
	[dreg:$0xc] =	wrdreg s0  }
0x14: {  	s13 =	sadd.s32 s2, s13;
	[dreg:$0xd] =	wrdreg s5;
	s28 =	sshll.u32 s12, $0x4  }
0x15: {  	s14 =	sshll.u32 s9, $0x14;
	[dreg:$0xa] =	wrdreg s13;
	s2 =	sadd.s32 s2, s28  }
0x16: {  	s13 =	smax.u32 s26, $0x1;
	[dreg:$0xb] =	wrdreg s2;
	s2 =	sor.u32 s17, s16  }
.Ltmp0:
0x17: {  	[dreg:$0xe] =	wrdreg s13;
	s22 =	sor.u32 $0x7, s2;
	(pc) =	sbr.rel .LBB2_1-.Ltmp0, $4  }
0x18: {  	s19 =	sor.u32 s20, s14;
	s23 =	sor.u32 $0x87, s2;
	[dreg:$0xf] =	wrdreg s22  }
0x19: {  	s0 =	simm.s32 $0x2;
	s26 =	sor.u32 $0x107, s2;
	[dreg:$0x10] =	wrdreg s23  }
0x1a: {  	s20 =	simm.s32 $0x0;
	s28 =	sor.u32 $0x187, s2;
	[dreg:$0x12] =	wrdreg s26  }
0x1b: {  	v0 =	vlaneseq.u32;
	s17 =	simm.s32 $0xC;
	[dreg:$0x13] =	wrdreg s28;
	s22 =	simm.s32 $0x4  }
.LBB2_28:
0x1c: {  	s14 =	smov.u32 s9  }
.LBB2_32:
0x1d: {  	_ =	sdelay $0x1  }
0x1e: {  	v1 =	vsel @p1 vm1, v3, v4  }
0x1f: {  	s11 =	sadd.s32 @p1 $0x10, s14;
	[tilespmem:s14+$0x0] =	vst @p1 v1  }
0x20: {  	s9 =	smov.u32 @p1 s11;
	v1 =	vld.idx.msk [tilespmem:v2+s29+$0x0], $0xffff  }
0x21: {  	v2 =	vld [tilespmem:s9+$0x0];
	_ =	sdelay $0x3  }
0x22: {  	vm0 =	vmmov vm0  }
0x23: {  	v1 =	vsel vm0, v1, v2  }
0x24: {  	[tilespmem:s9+$0x0] =	vst v1  }
.LBB2_33:
0x25: {  	s9 =	rddreg [dreg:$0xd];
	s11 =	simm.s32 $0x10000  }
0x26: {  	[hbm4b:s9+s4] =	stream.linear.scatter [tilespmem:s11], [sflag:$0xB], $0xFA0, $0x38;
	[tilespmem:$0x14FB0] =	vst v63  }
0x27: {  	_ =	swait.ge [sflag:s30], $0xFA0  }
0x28: {  	[sflag:s30] =	ssyncset.done $0x0  }
0x29: {  	[sflag:s30] =	ssyncadd.s32 $0xFFFFF060  }
.LBB2_34:
0x2a: {  	p1 =	sgt.s32 s21, $0x18620  }
0x2b: {  	s9 =	simm.s32 @!p1 $0x5  }
0x2c: {  	_ =	swait.ge @!p1 [sflag:s9], $0x4000  }
0x2d: {  	p2 =	sgt.s32 s26, $0x18620;
	[sflag:s9] =	ssyncset.done @!p1 $0x0  }
0x2e: {  	[sflag:s9] =	ssyncadd.s32 @!p1 $0xFFFFC000;
	s9 =	simm.s32 @!p2 $0x6  }
0x2f: {  	_ =	swait.ge @!p2 [sflag:s9], $0x4000  }
0x30: {  	p1 =	sgt.s32 s2, $0x18620;
	[sflag:s9] =	ssyncset.done @!p2 $0x0  }
0x31: {  	s2 =	simm.s32 @!p1 $0x7;
	[sflag:s9] =	ssyncadd.s32 @!p2 $0xFFFFC000  }
0x32: {  	_ =	swait.ge @!p1 [sflag:s2], $0x4000  }
0x33: {  	p2 =	sgt.s32 s5, $0x18620;
	[sflag:s2] =	ssyncset.done @!p1 $0x0  }
0x34: {  	[sflag:s2] =	ssyncadd.s32 @!p1 $0xFFFFC000;
	s2 =	simm.s32 @!p2 $0x8  }
0x35: {  	_ =	swait.ge @!p2 [sflag:s2], $0x4000  }
0x36: {  	s20 =	sadd.s32 $0x1, s20;
	s28 =	rddreg [dreg:$0xe]  }
0x37: {  	p1 =	sne.s32 s20, s28  }
.Ltmp1:
0x38: {  	_ = 	snop;
	(pc) =	sbr.rel @!p1 .LBB2_35-.Ltmp1, $3  }
0x39: {  	_ =	sdelay $0x1  }
0x3a: {  	[sflag:s2] =	ssyncset.done @!p2 $0x0  }
0x3b: {  	[sflag:s2] =	ssyncadd.s32 @!p2 $0xFFFFC000  }
.LBB2_1:
0x3c: {  	s2 =	rddreg [dreg:$0x8]  }
0x3d: {  	[tilespmem:s4], [sflag:$0x1] =	stream.linear.gather [hbm4b:s2+s4], $0x4000, $0x38;
	[tilespmem:$0x14FB0] =	vst v63  }
0x3e: {  	s15 =	rddreg [dreg:$0x9];
	s5 =	simm.s32 $0x4000  }
0x3f: {  	[tilespmem:s5], [sflag:$0x2] =	stream.linear.gather [hbm4b:s15+s4], $0x4000, $0x38;
	[tilespmem:$0x14FB0] =	vst v63  }
0x40: {  	s16 =	rddreg [dreg:$0xa];
	s18 =	simm.s32 $0x8000  }
0x41: {  	[tilespmem:s18], [sflag:$0x3] =	stream.linear.gather [hbm4b:s16+s4], $0x4000, $0x38;
	[tilespmem:$0x14FB0] =	vst v63  }
0x42: {  	s21 =	rddreg [dreg:$0xb];
	s23 =	simm.s32 $0xC000  }
0x43: {  	[tilespmem:s23], [sflag:$0x4] =	stream.linear.gather [hbm4b:s21+s4], $0x4000, $0x38;
	[tilespmem:$0x14FB0] =	vst v63  }
0x44: {  	s9 =	rddreg [dreg:$0xc];
	s2 =	simm.s32 @!p0 $0x0;
	s5 =	simm.s32 @!p0 $0x10000  }
0x45: {  	[tilespmem:s5], [sflag:$0x9] =	stream.linear.gather @!p0 [hbm4b:s9+s2], $0xFA0, $0x38;
	[tilespmem:$0x14FB0] =	vst v63  }
0x46: {  	s25 =	rddreg [dreg:$0x7];
	s26 =	simm.s32 $0x14FA0  }
0x47: {  	[tilespmem:s26], [sflag:$0xB] =	stream.linear.gather [hbm4b:s25+s4], $0x10, $0x38;
	[tilespmem:$0x14FB0] =	vst v63  }
0x48: {  	_ =	swait.ge [sflag:s30], $0x10  }
0x49: {  	[sflag:s30] =	ssyncset.done $0x0  }
0x4a: {  	[sflag:s30] =	ssyncadd.s32 $0xFFFFFFF0  }
0x4b: {  	v1 =	vld [tilespmem:$0x14FA0];
	_ =	sdelay $0x4  }
0x4c: {  	(v2sf) =	vpush v1, $0x0;
	_ =	sdelay $0xe  }
0x4d: {  	s25 =	spop (v2sf)  }
0x4e: {  	s2 =	sadd.s32 $0x4000, s25  }
0x4f: {  	s16 =	smov.u32 s24;
	p1 =	slt.s32 s2, s24  }
0x50: {  	s16 =	smov.u32 @p1 s2  }
0x51: {  	s28 =	smov.u32 s25;
	p1 =	sgt.s32 s7, s25;
	p2 =	slt.s32 s16, $0x186A0  }
0x52: {  	s23 =	sadd.s32 $0xFFFEB960, s25;
	s28 =	smov.u32 @p1 s7;
	s16 =	simm.s32 @!p2 $0x186A0  }
0x53: {  	p3 =	sgt.s32 s23, s7;
	p2 =	slt.s32 s28, s16  }
0x54: {  	p1 =	por p3, p2  }
0x55: {  	s9 =	rddreg [dreg:$0x3];
	p4 =	por !p1, p0  }
0x56: {  	s21 =	sadd.s32 s6, s25;
	s2 =	simm.s32 @!p4 $0x0;
	s5 =	simm.s32 @!p4 $0x10FA0  }
0x57: {  	[tilespmem:s5], [sflag:$0xA] =	stream.linear.gather @!p4 [hbm4b:s9+s2], $0x4000, $0x38;
	[tilespmem:$0x14FB0] =	vst v63  }
0x58: {  	p4 =	sgt.s32 s21, $0x1869F;
	s2 =	sadd.s32 $0xFFFE7960, s21  }
0x59: {  	s21 =	smov.u32 @p4 s2  }
0x5a: {  	p4 =	slt.s32 s21, $0x18621  }
.Ltmp2:
0x5b: {  	_ = 	snop;
	(pc) =	sbr.rel @!p4 .LBB2_2-.Ltmp2, $4  }
0x5c: {  	_ = 	snop  }
0x5d: {  	_ =	swait.ge [sflag:s31], $0x4000  }
0x5e: {  	[sflag:s31] =	ssyncset.done $0x0  }
0x5f: {  	[sflag:s31] =	ssyncadd.s32 $0xFFFFC000  }
0x60: {  	s2 =	sshll.u32 s21, $0x4  }
0x61: {  	s2 =	sand.u32 $0x1FFFFFF0, s2  }
0x62: {  	s2 =	sadd.s32 s1, s2  }
0x63: {  	[hbm4b:s2+s4] =	stream.linear.scatter [tilespmem:s4], [sflag:$0x5], $0x4000, $0x38;
	[tilespmem:$0x14FB0] =	vst v63  }
.LBB2_7:
0x64: {  	s26 =	sadd.s32 s8, s25  }
0x65: {  	p4 =	sgt.s32 s26, $0x1869F;
	s2 =	sadd.s32 $0xFFFE7960, s26  }
0x66: {  	s26 =	smov.u32 @p4 s2  }
0x67: {  	p4 =	slt.s32 s26, $0x18621  }
.Ltmp3:
0x68: {  	_ = 	snop;
	(pc) =	sbr.rel @!p4 .LBB2_8-.Ltmp3, $4  }
0x69: {  	_ = 	snop  }
0x6a: {  	_ =	swait.ge [sflag:s0], $0x4000  }
0x6b: {  	[sflag:s0] =	ssyncset.done $0x0  }
0x6c: {  	[sflag:s0] =	ssyncadd.s32 $0xFFFFC000  }
0x6d: {  	s2 =	sshll.u32 s26, $0x4  }
0x6e: {  	s2 =	sand.u32 $0x1FFFFFF0, s2  }
0x6f: {  	s5 =	simm.s32 $0x4000;
	s2 =	sadd.s32 s1, s2  }
0x70: {  	[hbm4b:s2+s4] =	stream.linear.scatter [tilespmem:s5], [sflag:$0x6], $0x4000, $0x38;
	[tilespmem:$0x14FB0] =	vst v63  }
.LBB2_13:
0x71: {  	s2 =	sadd.s32 s10, s25  }
0x72: {  	p4 =	sgt.s32 s2, $0x1869F;
	s5 =	sadd.s32 $0xFFFE7960, s2  }
0x73: {  	s2 =	smov.u32 @p4 s5  }
0x74: {  	p4 =	slt.s32 s2, $0x18621  }
.Ltmp4:
0x75: {  	_ = 	snop;
	(pc) =	sbr.rel @!p4 .LBB2_14-.Ltmp4, $4  }
0x76: {  	_ = 	snop  }
0x77: {  	_ =	swait.ge [sflag:s3], $0x4000  }
0x78: {  	[sflag:s3] =	ssyncset.done $0x0  }
0x79: {  	[sflag:s3] =	ssyncadd.s32 $0xFFFFC000  }
0x7a: {  	s5 =	sshll.u32 s2, $0x4  }
0x7b: {  	s5 =	sand.u32 $0x1FFFFFF0, s5  }
0x7c: {  	s9 =	simm.s32 $0x8000;
	s5 =	sadd.s32 s1, s5  }
0x7d: {  	[hbm4b:s5+s4] =	stream.linear.scatter [tilespmem:s9], [sflag:$0x7], $0x4000, $0x38;
	[tilespmem:$0x14FB0] =	vst v63  }
.LBB2_19:
0x7e: {  	s5 =	sadd.s32 s12, s25  }
0x7f: {  	p4 =	sgt.s32 s5, $0x1869F;
	s9 =	sadd.s32 $0xFFFE7960, s5  }
0x80: {  	s5 =	smov.u32 @p4 s9  }
0x81: {  	p4 =	slt.s32 s5, $0x18621  }
.Ltmp5:
0x82: {  	_ = 	snop;
	(pc) =	sbr.rel @!p4 .LBB2_20-.Ltmp5, $4  }
0x83: {  	_ = 	snop  }
0x84: {  	_ =	swait.ge [sflag:s22], $0x4000  }
0x85: {  	[sflag:s22] =	ssyncset.done $0x0  }
0x86: {  	[sflag:s22] =	ssyncadd.s32 $0xFFFFC000  }
0x87: {  	s9 =	sshll.u32 s5, $0x4  }
0x88: {  	s9 =	sand.u32 $0x1FFFFFF0, s9  }
0x89: {  	s11 =	simm.s32 $0xC000;
	s9 =	sadd.s32 s1, s9  }
0x8a: {  	[hbm4b:s9+s4] =	stream.linear.scatter [tilespmem:s11], [sflag:$0x8], $0x4000, $0x38;
	[tilespmem:$0x14FB0] =	vst v63  }
.LBB2_25:
.Ltmp6:
0x8b: {  	(pc) =	sbr.rel @p0 .LBB2_34-.Ltmp6, $1  }
0x8c: {  	_ =	sdelay $0x3  }
0x8d: {  	p4 =	slt.s32 s24, s23  }
0x8e: {  	s9 =	smov.u32 s24;
	s23 =	smov.u32 @p4 s24  }
0x8f: {  	s9 =	smov.u32 @p2 s28;
	p4 =	sgt.s32 s7, s23  }
0x90: {  	s9 =	ssub.s32 s9, s7;
	s23 =	smov.u32 @p4 s7  }
0x91: {  	s9 =	simm.s32 @p3 $0x0;
	p4 =	sgt.s32 s16, s23;
	s11 =	smov.u32 s23  }
0x92: {  	s13 =	sshra.s32 s9, $0x1F;
	s11 =	smov.u32 @p4 s16  }
0x93: {  	s15 =	sand.u32 $0xF, s9;
	p5 =	slt.s32 s9, $0x1;
	s23 =	smov.u32 @p2 s11  }
0x94: {  	s14 =	sshrl.u32 s13, $0x1C;
	p6 =	sne.s32 s15, $0x0;
	s16 =	ssub.s32 s23, s7  }
0x95: {  	s9 =	sadd.s32 s14, s9;
	p2 =	por !p5, !p6;
	s18 =	sadd.s32 $0xF, s16  }
0x96: {  	s14 =	simm.s32 $0x1;
	p2 =	por !p2, !p2;
	s23 =	sand.u32 $0xF, s18  }
0x97: {  	p4 =	slt.s32 s16, $0xFFFFFFF2;
	s25 =	sshra.s32 s18, $0x1F;
	p5 =	sne.s32 s23, $0x0  }
0x98: {  	s14 =	simm.s32 @!p2 $0x0;
	s13 =	sshrl.u32 s25, $0x1C;
	p6 =	por !p4, !p5  }
0x99: {  	s11 =	sadd.s32 s13, s18;
	s13 =	simm.s32 $0x1;
	p2 =	por !p6, !p6  }
0x9a: {  	s9 =	sshra.s32 s9, $0x4;
	s11 =	sshra.s32 s11, $0x4;
	s13 =	simm.s32 @!p2 $0x0  }
0x9b: {  	s9 =	ssub.s32 s9, s14;
	s13 =	ssub.s32 s11, s13  }
0x9c: {  	s28 =	simm.s32 $0x9;
	p2 =	sle.s32 @p1 s13, s9  }
0x9d: {  	_ =	swait.ge [sflag:s28], $0xFA0;
	p2 =	por !p1, p2  }
.Ltmp7:
0x9e: {  	[sflag:s28] =	ssyncset.done $0x0;
	(pc) =	sbr.rel @p2 .LBB2_33-.Ltmp7, $4  }
0x9f: {  	[sflag:s28] =	ssyncadd.s32 $0xFFFFF060;
	s11 =	simm.s32 @p1 $0xA  }
0xa0: {  	_ =	swait.ge @p1 [sflag:s11], $0x4000  }
0xa1: {  	[sflag:s11] =	ssyncset.done @p1 $0x0  }
0xa2: {  	[sflag:s11] =	ssyncadd.s32 @p1 $0xFFFFC000  }
0xa3: {  	s11 =	sshll.u32 s9, $0x4;
	s14 =	rddreg [dreg:$0x11]  }
0xa4: {  	p1 =	sgt.s32 s13, s9;
	s14 =	sadd.s32 s11, s14;
	s11 =	smov.u32 s9  }
0xa5: {  	v1 =	vbroadcast v1, $0x0;
	s11 =	smov.u32 @p1 s13;
	s13 =	sadd.s32 $0x1, s9  }
0xa6: {  	v2 =	vor.u32 s14, v0;
	p2 =	slt.s32 s13, s11  }
.Ltmp8:
0xa7: {  	v2 =	vsub.s32 v2, v1;
	(pc) =	sbr.rel @!p2 .LBB2_28-.Ltmp8, $4  }
0xa8: {  	vm0 =	vlt.s32 v2, $0x0;
	v3 =	vadd.s32 $0x186A0, v2  }
0xa9: {  	s15 =	sshll.u32 s9, $0x6;
	v2 =	vsel vm0, v3, v2  }
0xaa: {  	s28 =	sshra.s32 s15, $0x2;
	vm0 =	vlt.s32 v2, $0x4000  }
0xab: {  	s9 =	sadd.s32 $0x10000, s28;
	s14 =	sadd.s32 $0x10, s14;
	p1 =	por $0x0, $0x0;
	v2 =	vnsel vm0, $0x0, v2  }
0xac: {  	_ = 	snop  }
0xad: {  	v3 =	vor.u32 s14, v0  }
0xae: {  	v3 =	vsub.s32 v3, v1  }
0xaf: {  	s13 =	sadd.s32 $0x1, s13;
	vm2 =	vlt.s32 v3, $0x0;
	v4 =	vadd.s32 $0x186A0, v3  }
0xb0: {  	p2 =	slt.s32 s13, s11;
	v5 =	vsel vm2, v4, v3;
	v3 =	vld.idx.msk [tilespmem:v2+s29+$0x0], $0xffff  }
.Ltmp9:
0xb1: {  	v4 =	vld [tilespmem:s9+$0x0];
	(pc) =	sbr.rel @!p2 .LBB2_30-.Ltmp9, $3  }
0xb2: {  	vm1 =	vmmov vm0;
	vm0 =	vlt.s32 v5, $0x4000  }
0xb3: {  	v2 =	vnsel vm0, $0x0, v5;
	_ =	sdelay $0x1  }
0xb4: {  	s16 =	sadd.s32 $0x10, s14;
	p1 =	por $0x1, $0x1;
	s14 =	smov.u32 s9  }
.LBB2_31:
0xb5: {  	v5 =	vor.u32 s16, v0;
	s13 =	sadd.s32 $0x1, s13;
	v3 =	vsel vm1, v3, v4;
	vm1 =	vmmov vm0  }
0xb6: {  	v4 =	vsub.s32 v5, v1;
	p2 =	slt.s32 s13, s11;
	[tilespmem:s14+$0x0] =	vst v3  }
0xb7: {  	s14 =	sadd.s32 $0x10, s14;
	vm0 =	vlt.s32 v4, $0x0;
	v5 =	vadd.s32 $0x186A0, v4;
	v3 =	vld.idx.msk [tilespmem:v2+s29+$0x0], $0xffff  }
.Ltmp10:
0xb8: {  	v2 =	vsel vm0, v5, v4;
	v4 =	vld [tilespmem:s14+$0x0];
	(pc) =	sbr.rel @p2 .LBB2_31-.Ltmp10, $3  }
0xb9: {  	vm0 =	vlt.s32 v2, $0x4000  }
0xba: {  	v2 =	vnsel vm0, $0x0, v2;
	_ =	sdelay $0x1  }
0xbb: {  	s16 =	sadd.s32 $0x10, s16  }
.Ltmp11:
0xbc: {  	_ = 	snop;
	(pc) =	sbr.rel .LBB2_32-.Ltmp11, $1  }
0xbd: {  	_ =	sdelay $0x3  }
.LBB2_2:
.Ltmp12:
0xbe: {  	(pc) =	sbr.rel .LBB2_3-.Ltmp12, $3  }
0xbf: {  	_ =	sdelay $0x1  }
0xc0: {  	s2 =	sshll.u32 s25, $0x7;
	s5 =	rddreg [dreg:$0xf];
	s9 =	simm.s32 $0x0  }
0xc1: {  	s11 =	simm.s32 $0x0;
	s2 =	sadd.s32 s2, s19;
	s5 =	sadd.s32 s25, s5  }
.LBB2_5:
0xc2: {  	[hbm4b:s13+s4] =	stream.linear.scatter [tilespmem:s9], [sflag:$0xC], $0x80, $0x38;
	[tilespmem:$0x14FB0] =	vst v63  }
0xc3: {  	s14 =	sadd.s32 $0xFFFFFFFA, s5  }
0xc4: {  	p4 =	sgt.s32 s14, $0x1869F;
	s14 =	simm.s32 $0xFF3CB080  }
0xc5: {  	s13 =	sadd.s32 s11, s2;
	s14 =	simm.s32 @!p4 $0x80  }
0xc6: {  	_ =	swait.ge [sflag:s17], $0x80;
	s14 =	sadd.s32 s14, s13  }
0xc7: {  	s26 =	sadd.s32 $0x80, s9;
	[sflag:s17] =	ssyncset.done $0x0;
	s14 =	sshrl.u32 s14, $0x3  }
0xc8: {  	s15 =	sadd.s32 $0xFFFFFFFB, s5;
	[sflag:s17] =	ssyncadd.s32 $0xFFFFFF80;
	s14 =	sadd.s32 s1, s14  }
0xc9: {  	[hbm4b:s14+s4] =	stream.linear.scatter [tilespmem:s26], [sflag:$0xC], $0x80, $0x38;
	[tilespmem:$0x14FB0] =	vst v63  }
0xca: {  	p4 =	sgt.s32 s15, $0x1869F;
	s14 =	simm.s32 $0xFF3CB100  }
0xcb: {  	s14 =	simm.s32 @!p4 $0x100  }
0xcc: {  	_ =	swait.ge [sflag:s17], $0x80;
	s14 =	sadd.s32 s14, s13  }
0xcd: {  	s18 =	sadd.s32 $0x100, s9;
	[sflag:s17] =	ssyncset.done $0x0;
	s14 =	sshrl.u32 s14, $0x3  }
0xce: {  	s15 =	sadd.s32 $0xFFFFFFFC, s5;
	[sflag:s17] =	ssyncadd.s32 $0xFFFFFF80;
	s14 =	sadd.s32 s1, s14  }
0xcf: {  	[hbm4b:s14+s4] =	stream.linear.scatter [tilespmem:s18], [sflag:$0xC], $0x80, $0x38;
	[tilespmem:$0x14FB0] =	vst v63  }
0xd0: {  	p4 =	sgt.s32 s15, $0x1869F;
	s14 =	simm.s32 $0xFF3CB180  }
0xd1: {  	s14 =	simm.s32 @!p4 $0x180  }
0xd2: {  	_ =	swait.ge [sflag:s17], $0x80;
	s14 =	sadd.s32 s14, s13  }
0xd3: {  	s15 =	sadd.s32 $0xFFFFFFFD, s5;
	[sflag:s17] =	ssyncset.done $0x0;
	s14 =	sshrl.u32 s14, $0x3  }
0xd4: {  	s18 =	sadd.s32 $0x180, s9;
	[sflag:s17] =	ssyncadd.s32 $0xFFFFFF80;
	s14 =	sadd.s32 s1, s14  }
0xd5: {  	[hbm4b:s14+s4] =	stream.linear.scatter [tilespmem:s18], [sflag:$0xC], $0x80, $0x38;
	[tilespmem:$0x14FB0] =	vst v63  }
0xd6: {  	p4 =	sgt.s32 s15, $0x1869F;
	s14 =	simm.s32 $0xFF3CB200  }
0xd7: {  	s14 =	simm.s32 @!p4 $0x200  }
0xd8: {  	_ =	swait.ge [sflag:s17], $0x80;
	s14 =	sadd.s32 s14, s13  }
0xd9: {  	s15 =	sadd.s32 $0xFFFFFFFE, s5;
	[sflag:s17] =	ssyncset.done $0x0;
	s14 =	sshrl.u32 s14, $0x3  }
0xda: {  	s18 =	sadd.s32 $0x200, s9;
	[sflag:s17] =	ssyncadd.s32 $0xFFFFFF80;
	s14 =	sadd.s32 s1, s14  }
0xdb: {  	[hbm4b:s14+s4] =	stream.linear.scatter [tilespmem:s18], [sflag:$0xC], $0x80, $0x38;
	[tilespmem:$0x14FB0] =	vst v63  }
0xdc: {  	p4 =	sgt.s32 s15, $0x1869F;
	s14 =	simm.s32 $0xFF3CB280  }
0xdd: {  	s14 =	simm.s32 @!p4 $0x280  }
0xde: {  	_ =	swait.ge [sflag:s17], $0x80;
	s14 =	sadd.s32 s14, s13  }
0xdf: {  	s15 =	sadd.s32 $0xFFFFFFFF, s5;
	[sflag:s17] =	ssyncset.done $0x0;
	s14 =	sshrl.u32 s14, $0x3  }
0xe0: {  	s18 =	sadd.s32 $0x280, s9;
	[sflag:s17] =	ssyncadd.s32 $0xFFFFFF80;
	s14 =	sadd.s32 s1, s14  }
0xe1: {  	[hbm4b:s14+s4] =	stream.linear.scatter [tilespmem:s18], [sflag:$0xC], $0x80, $0x38;
	[tilespmem:$0x14FB0] =	vst v63  }
0xe2: {  	p4 =	sgt.s32 s15, $0x1869F;
	s14 =	simm.s32 $0xFF3CB300  }
0xe3: {  	s14 =	simm.s32 @!p4 $0x300  }
0xe4: {  	_ =	swait.ge [sflag:s17], $0x80;
	s14 =	sadd.s32 s14, s13  }
0xe5: {  	[sflag:s17] =	ssyncset.done $0x0;
	s14 =	sshrl.u32 s14, $0x3  }
0xe6: {  	s18 =	sadd.s32 $0x300, s9;
	[sflag:s17] =	ssyncadd.s32 $0xFFFFFF80;
	s14 =	sadd.s32 s1, s14  }
0xe7: {  	[hbm4b:s14+s4] =	stream.linear.scatter [tilespmem:s18], [sflag:$0xC], $0x80, $0x38;
	[tilespmem:$0x14FB0] =	vst v63  }
0xe8: {  	p4 =	sgt.s32 s5, $0x1869F;
	s14 =	simm.s32 $0xFF3CB380  }
0xe9: {  	s14 =	simm.s32 @!p4 $0x380  }
0xea: {  	_ =	swait.ge [sflag:s17], $0x80;
	s13 =	sadd.s32 s14, s13  }
0xeb: {  	[sflag:s17] =	ssyncset.done $0x0;
	s13 =	sshrl.u32 s13, $0x3  }
0xec: {  	s26 =	sadd.s32 $0x380, s9;
	[sflag:s17] =	ssyncadd.s32 $0xFFFFFF80;
	s13 =	sadd.s32 s1, s13  }
0xed: {  	[hbm4b:s13+s4] =	stream.linear.scatter [tilespmem:s26], [sflag:$0xB], $0x80, $0x38;
	[tilespmem:$0x14FB0] =	vst v63  }
0xee: {  	_ =	swait.ge [sflag:s30], $0x80  }
0xef: {  	[sflag:s30] =	ssyncset.done $0x0  }
0xf0: {  	[sflag:s30] =	ssyncadd.s32 $0xFFFFFF80  }
.LBB2_6:
0xf1: {  	s11 =	sadd.s32 $0x400, s11  }
0xf2: {  	p4 =	sne.s32 s11, $0x4000  }
.Ltmp13:
0xf3: {  	_ = 	snop;
	(pc) =	sbr.rel @!p4 .LBB2_7-.Ltmp13, $2  }
0xf4: {  	_ =	sdelay $0x2  }
0xf5: {  	s9 =	sadd.s32 $0x400, s9;
	s5 =	sadd.s32 $0x8, s5  }
.LBB2_3:
0xf6: {  	s13 =	sadd.s32 $0xFFFFFFF9, s5  }
0xf7: {  	s14 =	sadd.s32 $0xFFFE7959, s5;
	p4 =	sgt.s32 s13, $0x1869F  }
0xf8: {  	s13 =	smov.u32 @p4 s14  }
0xf9: {  	p4 =	sgt.s32 s13, $0x18698  }
.Ltmp14:
0xfa: {  	_ = 	snop;
	(pc) =	sbr.rel @p4 .LBB2_5-.Ltmp14, $4  }
0xfb: {  	_ = 	snop  }
0xfc: {  	s14 =	sshll.u32 s13, $0x4  }
0xfd: {  	s26 =	sand.u32 $0x1FFFFFF0, s14  }
0xfe: {  	s13 =	sadd.s32 s1, s26  }
.Ltmp15:
0xff: {  	(pc) =	sbr.rel .LBB2_6-.Ltmp15, $4  }
0x100: {  	[hbm4b:s13+s4] =	stream.linear.scatter [tilespmem:s9], [sflag:$0xC], $0x400, $0x38;
	[tilespmem:$0x14FB0] =	vst v63  }
0x101: {  	_ =	swait.ge [sflag:s17], $0x400  }
0x102: {  	[sflag:s17] =	ssyncset.done $0x0  }
0x103: {  	[sflag:s17] =	ssyncadd.s32 $0xFFFFFC00  }
.LBB2_8:
.Ltmp16:
0x104: {  	(pc) =	sbr.rel .LBB2_9-.Ltmp16, $3  }
0x105: {  	_ =	sdelay $0x1  }
0x106: {  	s2 =	sshll.u32 s25, $0x7;
	s5 =	rddreg [dreg:$0x10];
	s9 =	simm.s32 $0x0  }
0x107: {  	s11 =	simm.s32 $0x4000;
	s2 =	sadd.s32 s2, s19;
	s5 =	sadd.s32 s25, s5  }
.LBB2_11:
0x108: {  	[hbm4b:s13+s4] =	stream.linear.scatter [tilespmem:s11], [sflag:$0xC], $0x80, $0x38;
	[tilespmem:$0x14FB0] =	vst v63  }
0x109: {  	s14 =	sadd.s32 $0xFFFFFFFA, s5  }
0x10a: {  	p4 =	sgt.s32 s14, $0x1869F;
	s14 =	simm.s32 $0xFF3CF080  }
0x10b: {  	s13 =	sadd.s32 s9, s2;
	s14 =	simm.s32 @!p4 $0x4080  }
0x10c: {  	_ =	swait.ge [sflag:s17], $0x80;
	s14 =	sadd.s32 s14, s13  }
0x10d: {  	[sflag:s17] =	ssyncset.done $0x0;
	s14 =	sshrl.u32 s14, $0x3  }
0x10e: {  	s15 =	sadd.s32 $0x80, s11;
	[sflag:s17] =	ssyncadd.s32 $0xFFFFFF80;
	s14 =	sadd.s32 s1, s14  }
0x10f: {  	[hbm4b:s14+s4] =	stream.linear.scatter [tilespmem:s15], [sflag:$0xC], $0x80, $0x38;
	[tilespmem:$0x14FB0] =	vst v63  }
0x110: {  	s15 =	sadd.s32 $0xFFFFFFFB, s5  }
0x111: {  	s14 =	simm.s32 $0xFF3CF100;
	p4 =	sgt.s32 s15, $0x1869F  }
0x112: {  	s14 =	simm.s32 @!p4 $0x4100  }
0x113: {  	_ =	swait.ge [sflag:s17], $0x80;
	s14 =	sadd.s32 s14, s13  }
0x114: {  	s18 =	sadd.s32 $0x100, s11;
	[sflag:s17] =	ssyncset.done $0x0;
	s14 =	sshrl.u32 s14, $0x3  }
0x115: {  	s15 =	sadd.s32 $0xFFFFFFFC, s5;
	[sflag:s17] =	ssyncadd.s32 $0xFFFFFF80;
	s14 =	sadd.s32 s1, s14  }
0x116: {  	[hbm4b:s14+s4] =	stream.linear.scatter [tilespmem:s18], [sflag:$0xC], $0x80, $0x38;
	[tilespmem:$0x14FB0] =	vst v63  }
0x117: {  	p4 =	sgt.s32 s15, $0x1869F;
	s14 =	simm.s32 $0xFF3CF180  }
0x118: {  	s14 =	simm.s32 @!p4 $0x4180  }
0x119: {  	_ =	swait.ge [sflag:s17], $0x80;
	s14 =	sadd.s32 s14, s13  }
0x11a: {  	s15 =	sadd.s32 $0xFFFFFFFD, s5;
	[sflag:s17] =	ssyncset.done $0x0;
	s14 =	sshrl.u32 s14, $0x3  }
0x11b: {  	s18 =	sadd.s32 $0x180, s11;
	[sflag:s17] =	ssyncadd.s32 $0xFFFFFF80;
	s14 =	sadd.s32 s1, s14  }
0x11c: {  	[hbm4b:s14+s4] =	stream.linear.scatter [tilespmem:s18], [sflag:$0xC], $0x80, $0x38;
	[tilespmem:$0x14FB0] =	vst v63  }
0x11d: {  	p4 =	sgt.s32 s15, $0x1869F;
	s14 =	simm.s32 $0xFF3CF200  }
0x11e: {  	s14 =	simm.s32 @!p4 $0x4200  }
0x11f: {  	_ =	swait.ge [sflag:s17], $0x80;
	s14 =	sadd.s32 s14, s13  }
0x120: {  	s15 =	sadd.s32 $0xFFFFFFFE, s5;
	[sflag:s17] =	ssyncset.done $0x0;
	s14 =	sshrl.u32 s14, $0x3  }
0x121: {  	s18 =	sadd.s32 $0x200, s11;
	[sflag:s17] =	ssyncadd.s32 $0xFFFFFF80;
	s14 =	sadd.s32 s1, s14  }
0x122: {  	[hbm4b:s14+s4] =	stream.linear.scatter [tilespmem:s18], [sflag:$0xC], $0x80, $0x38;
	[tilespmem:$0x14FB0] =	vst v63  }
0x123: {  	p4 =	sgt.s32 s15, $0x1869F;
	s14 =	simm.s32 $0xFF3CF280  }
0x124: {  	s14 =	simm.s32 @!p4 $0x4280  }
0x125: {  	_ =	swait.ge [sflag:s17], $0x80;
	s14 =	sadd.s32 s14, s13  }
0x126: {  	s15 =	sadd.s32 $0xFFFFFFFF, s5;
	[sflag:s17] =	ssyncset.done $0x0;
	s14 =	sshrl.u32 s14, $0x3  }
0x127: {  	s18 =	sadd.s32 $0x280, s11;
	[sflag:s17] =	ssyncadd.s32 $0xFFFFFF80;
	s14 =	sadd.s32 s1, s14  }
0x128: {  	[hbm4b:s14+s4] =	stream.linear.scatter [tilespmem:s18], [sflag:$0xC], $0x80, $0x38;
	[tilespmem:$0x14FB0] =	vst v63  }
0x129: {  	p4 =	sgt.s32 s15, $0x1869F;
	s14 =	simm.s32 $0xFF3CF300  }
0x12a: {  	s14 =	simm.s32 @!p4 $0x4300  }
0x12b: {  	_ =	swait.ge [sflag:s17], $0x80;
	s14 =	sadd.s32 s14, s13  }
0x12c: {  	[sflag:s17] =	ssyncset.done $0x0;
	s14 =	sshrl.u32 s14, $0x3  }
0x12d: {  	s18 =	sadd.s32 $0x300, s11;
	[sflag:s17] =	ssyncadd.s32 $0xFFFFFF80;
	s14 =	sadd.s32 s1, s14  }
0x12e: {  	[hbm4b:s14+s4] =	stream.linear.scatter [tilespmem:s18], [sflag:$0xC], $0x80, $0x38;
	[tilespmem:$0x14FB0] =	vst v63  }
0x12f: {  	p4 =	sgt.s32 s5, $0x1869F;
	s14 =	simm.s32 $0xFF3CF380  }
0x130: {  	s14 =	simm.s32 @!p4 $0x4380  }
0x131: {  	_ =	swait.ge [sflag:s17], $0x80;
	s13 =	sadd.s32 s14, s13  }
0x132: {  	[sflag:s17] =	ssyncset.done $0x0;
	s13 =	sshrl.u32 s13, $0x3  }
0x133: {  	s18 =	sadd.s32 $0x380, s11;
	[sflag:s17] =	ssyncadd.s32 $0xFFFFFF80;
	s13 =	sadd.s32 s1, s13  }
0x134: {  	[hbm4b:s13+s4] =	stream.linear.scatter [tilespmem:s18], [sflag:$0xB], $0x80, $0x38;
	[tilespmem:$0x14FB0] =	vst v63  }
0x135: {  	_ =	swait.ge [sflag:s30], $0x80  }
0x136: {  	[sflag:s30] =	ssyncset.done $0x0  }
0x137: {  	[sflag:s30] =	ssyncadd.s32 $0xFFFFFF80  }
.LBB2_12:
0x138: {  	s9 =	sadd.s32 $0x400, s9  }
0x139: {  	p4 =	sne.s32 s9, $0x4000  }
.Ltmp17:
0x13a: {  	_ = 	snop;
	(pc) =	sbr.rel @!p4 .LBB2_13-.Ltmp17, $2  }
0x13b: {  	_ =	sdelay $0x2  }
0x13c: {  	s11 =	sadd.s32 $0x400, s11;
	s5 =	sadd.s32 $0x8, s5  }
.LBB2_9:
0x13d: {  	s13 =	sadd.s32 $0xFFFFFFF9, s5  }
0x13e: {  	s14 =	sadd.s32 $0xFFFE7959, s5;
	p4 =	sgt.s32 s13, $0x1869F  }
0x13f: {  	s13 =	smov.u32 @p4 s14  }
0x140: {  	p4 =	sgt.s32 s13, $0x18698  }
.Ltmp18:
0x141: {  	_ = 	snop;
	(pc) =	sbr.rel @p4 .LBB2_11-.Ltmp18, $4  }
0x142: {  	_ = 	snop  }
0x143: {  	s14 =	sshll.u32 s13, $0x4  }
0x144: {  	s18 =	sand.u32 $0x1FFFFFF0, s14  }
0x145: {  	s13 =	sadd.s32 s1, s18  }
.Ltmp19:
0x146: {  	(pc) =	sbr.rel .LBB2_12-.Ltmp19, $4  }
0x147: {  	[hbm4b:s13+s4] =	stream.linear.scatter [tilespmem:s11], [sflag:$0xC], $0x400, $0x38;
	[tilespmem:$0x14FB0] =	vst v63  }
0x148: {  	_ =	swait.ge [sflag:s17], $0x400  }
0x149: {  	[sflag:s17] =	ssyncset.done $0x0  }
0x14a: {  	[sflag:s17] =	ssyncadd.s32 $0xFFFFFC00  }
.LBB2_14:
.Ltmp20:
0x14b: {  	(pc) =	sbr.rel .LBB2_15-.Ltmp20, $3  }
0x14c: {  	_ =	sdelay $0x1  }
0x14d: {  	s5 =	sshll.u32 s25, $0x7;
	s9 =	rddreg [dreg:$0x12];
	s11 =	simm.s32 $0x0  }
0x14e: {  	s13 =	simm.s32 $0x8000;
	s5 =	sadd.s32 s5, s19;
	s9 =	sadd.s32 s25, s9  }
.LBB2_17:
0x14f: {  	[hbm4b:s14+s4] =	stream.linear.scatter [tilespmem:s13], [sflag:$0xC], $0x80, $0x38;
	[tilespmem:$0x14FB0] =	vst v63  }
0x150: {  	s15 =	sadd.s32 $0xFFFFFFFA, s9  }
0x151: {  	p4 =	sgt.s32 s15, $0x1869F;
	s15 =	simm.s32 $0xFF3D3080  }
0x152: {  	s14 =	sadd.s32 s11, s5;
	s15 =	simm.s32 @!p4 $0x8080  }
0x153: {  	_ =	swait.ge [sflag:s17], $0x80;
	s15 =	sadd.s32 s15, s14  }
0x154: {  	[sflag:s17] =	ssyncset.done $0x0;
	s15 =	sshrl.u32 s15, $0x3  }
0x155: {  	s18 =	sadd.s32 $0x80, s13;
	[sflag:s17] =	ssyncadd.s32 $0xFFFFFF80;
	s15 =	sadd.s32 s1, s15  }
0x156: {  	[hbm4b:s15+s4] =	stream.linear.scatter [tilespmem:s18], [sflag:$0xC], $0x80, $0x38;
	[tilespmem:$0x14FB0] =	vst v63  }
0x157: {  	s18 =	sadd.s32 $0xFFFFFFFB, s9  }
0x158: {  	s15 =	simm.s32 $0xFF3D3100;
	p4 =	sgt.s32 s18, $0x1869F  }
0x159: {  	s15 =	simm.s32 @!p4 $0x8100  }
0x15a: {  	_ =	swait.ge [sflag:s17], $0x80;
	s15 =	sadd.s32 s15, s14  }
0x15b: {  	[sflag:s17] =	ssyncset.done $0x0;
	s15 =	sshrl.u32 s15, $0x3  }
0x15c: {  	s18 =	sadd.s32 $0x100, s13;
	[sflag:s17] =	ssyncadd.s32 $0xFFFFFF80;
	s15 =	sadd.s32 s1, s15  }
0x15d: {  	[hbm4b:s15+s4] =	stream.linear.scatter [tilespmem:s18], [sflag:$0xC], $0x80, $0x38;
	[tilespmem:$0x14FB0] =	vst v63  }
0x15e: {  	s18 =	sadd.s32 $0xFFFFFFFC, s9  }
0x15f: {  	s15 =	simm.s32 $0xFF3D3180;
	p4 =	sgt.s32 s18, $0x1869F  }
0x160: {  	s15 =	simm.s32 @!p4 $0x8180  }
0x161: {  	_ =	swait.ge [sflag:s17], $0x80;
	s15 =	sadd.s32 s15, s14  }
0x162: {  	[sflag:s17] =	ssyncset.done $0x0;
	s15 =	sshrl.u32 s15, $0x3  }
0x163: {  	s18 =	sadd.s32 $0x180, s13;
	[sflag:s17] =	ssyncadd.s32 $0xFFFFFF80;
	s15 =	sadd.s32 s1, s15  }
0x164: {  	[hbm4b:s15+s4] =	stream.linear.scatter [tilespmem:s18], [sflag:$0xC], $0x80, $0x38;
	[tilespmem:$0x14FB0] =	vst v63  }
0x165: {  	s18 =	sadd.s32 $0xFFFFFFFD, s9  }
0x166: {  	s15 =	simm.s32 $0xFF3D3200;
	p4 =	sgt.s32 s18, $0x1869F  }
0x167: {  	s15 =	simm.s32 @!p4 $0x8200  }
0x168: {  	_ =	swait.ge [sflag:s17], $0x80;
	s15 =	sadd.s32 s15, s14  }
0x169: {  	[sflag:s17] =	ssyncset.done $0x0;
	s15 =	sshrl.u32 s15, $0x3  }
0x16a: {  	s18 =	sadd.s32 $0x200, s13;
	[sflag:s17] =	ssyncadd.s32 $0xFFFFFF80;
	s15 =	sadd.s32 s1, s15  }
0x16b: {  	[hbm4b:s15+s4] =	stream.linear.scatter [tilespmem:s18], [sflag:$0xC], $0x80, $0x38;
	[tilespmem:$0x14FB0] =	vst v63  }
0x16c: {  	s18 =	sadd.s32 $0xFFFFFFFE, s9  }
0x16d: {  	s15 =	simm.s32 $0xFF3D3280;
	p4 =	sgt.s32 s18, $0x1869F  }
0x16e: {  	s15 =	simm.s32 @!p4 $0x8280  }
0x16f: {  	_ =	swait.ge [sflag:s17], $0x80;
	s15 =	sadd.s32 s15, s14  }
0x170: {  	[sflag:s17] =	ssyncset.done $0x0;
	s15 =	sshrl.u32 s15, $0x3  }
0x171: {  	s18 =	sadd.s32 $0x280, s13;
	[sflag:s17] =	ssyncadd.s32 $0xFFFFFF80;
	s15 =	sadd.s32 s1, s15  }
0x172: {  	[hbm4b:s15+s4] =	stream.linear.scatter [tilespmem:s18], [sflag:$0xC], $0x80, $0x38;
	[tilespmem:$0x14FB0] =	vst v63  }
0x173: {  	s18 =	sadd.s32 $0xFFFFFFFF, s9  }
0x174: {  	s15 =	simm.s32 $0xFF3D3300;
	p4 =	sgt.s32 s18, $0x1869F  }
0x175: {  	s15 =	simm.s32 @!p4 $0x8300  }
0x176: {  	_ =	swait.ge [sflag:s17], $0x80;
	s15 =	sadd.s32 s15, s14  }
0x177: {  	[sflag:s17] =	ssyncset.done $0x0;
	s15 =	sshrl.u32 s15, $0x3  }
0x178: {  	s18 =	sadd.s32 $0x300, s13;
	[sflag:s17] =	ssyncadd.s32 $0xFFFFFF80;
	s15 =	sadd.s32 s1, s15  }
0x179: {  	[hbm4b:s15+s4] =	stream.linear.scatter [tilespmem:s18], [sflag:$0xC], $0x80, $0x38;
	[tilespmem:$0x14FB0] =	vst v63  }
0x17a: {  	p4 =	sgt.s32 s9, $0x1869F;
	s15 =	simm.s32 $0xFF3D3380  }
0x17b: {  	s15 =	simm.s32 @!p4 $0x8380  }
0x17c: {  	_ =	swait.ge [sflag:s17], $0x80;
	s14 =	sadd.s32 s15, s14  }
0x17d: {  	[sflag:s17] =	ssyncset.done $0x0;
	s14 =	sshrl.u32 s14, $0x3  }
0x17e: {  	s18 =	sadd.s32 $0x380, s13;
	[sflag:s17] =	ssyncadd.s32 $0xFFFFFF80;
	s14 =	sadd.s32 s1, s14  }
0x17f: {  	[hbm4b:s14+s4] =	stream.linear.scatter [tilespmem:s18], [sflag:$0xB], $0x80, $0x38;
	[tilespmem:$0x14FB0] =	vst v63  }
0x180: {  	_ =	swait.ge [sflag:s30], $0x80  }
0x181: {  	[sflag:s30] =	ssyncset.done $0x0  }
0x182: {  	[sflag:s30] =	ssyncadd.s32 $0xFFFFFF80  }
.LBB2_18:
0x183: {  	s11 =	sadd.s32 $0x400, s11  }
0x184: {  	p4 =	sne.s32 s11, $0x4000  }
.Ltmp21:
0x185: {  	_ = 	snop;
	(pc) =	sbr.rel @!p4 .LBB2_19-.Ltmp21, $2  }
0x186: {  	_ =	sdelay $0x2  }
0x187: {  	s13 =	sadd.s32 $0x400, s13;
	s9 =	sadd.s32 $0x8, s9  }
.LBB2_15:
0x188: {  	s14 =	sadd.s32 $0xFFFFFFF9, s9  }
0x189: {  	s15 =	sadd.s32 $0xFFFE7959, s9;
	p4 =	sgt.s32 s14, $0x1869F  }
0x18a: {  	s14 =	smov.u32 @p4 s15  }
0x18b: {  	p4 =	sgt.s32 s14, $0x18698  }
.Ltmp22:
0x18c: {  	_ = 	snop;
	(pc) =	sbr.rel @p4 .LBB2_17-.Ltmp22, $4  }
0x18d: {  	_ = 	snop  }
0x18e: {  	s15 =	sshll.u32 s14, $0x4  }
0x18f: {  	s18 =	sand.u32 $0x1FFFFFF0, s15  }
0x190: {  	s14 =	sadd.s32 s1, s18  }
.Ltmp23:
0x191: {  	(pc) =	sbr.rel .LBB2_18-.Ltmp23, $4  }
0x192: {  	[hbm4b:s14+s4] =	stream.linear.scatter [tilespmem:s13], [sflag:$0xC], $0x400, $0x38;
	[tilespmem:$0x14FB0] =	vst v63  }
0x193: {  	_ =	swait.ge [sflag:s17], $0x400  }
0x194: {  	[sflag:s17] =	ssyncset.done $0x0  }
0x195: {  	[sflag:s17] =	ssyncadd.s32 $0xFFFFFC00  }
.LBB2_20:
.Ltmp24:
0x196: {  	(pc) =	sbr.rel .LBB2_21-.Ltmp24, $3  }
0x197: {  	_ =	sdelay $0x1  }
0x198: {  	s9 =	sshll.u32 s25, $0x7;
	s11 =	rddreg [dreg:$0x13];
	s13 =	simm.s32 $0xC000  }
0x199: {  	s9 =	sadd.s32 s9, s19;
	s25 =	sadd.s32 s25, s11;
	s11 =	simm.s32 $0x0  }
.LBB2_23:
0x19a: {  	[hbm4b:s14+s4] =	stream.linear.scatter [tilespmem:s13], [sflag:$0xC], $0x80, $0x38;
	[tilespmem:$0x14FB0] =	vst v63  }
0x19b: {  	s15 =	sadd.s32 $0xFFFFFFFA, s25  }
0x19c: {  	p4 =	sgt.s32 s15, $0x1869F;
	s15 =	simm.s32 $0xFF3D7080  }
0x19d: {  	s14 =	sadd.s32 s11, s9;
	s15 =	simm.s32 @!p4 $0xC080  }
0x19e: {  	_ =	swait.ge [sflag:s17], $0x80;
	s15 =	sadd.s32 s15, s14  }
0x19f: {  	[sflag:s17] =	ssyncset.done $0x0;
	s15 =	sshrl.u32 s15, $0x3  }
0x1a0: {  	s18 =	sadd.s32 $0x80, s13;
	[sflag:s17] =	ssyncadd.s32 $0xFFFFFF80;
	s15 =	sadd.s32 s1, s15  }
0x1a1: {  	[hbm4b:s15+s4] =	stream.linear.scatter [tilespmem:s18], [sflag:$0xC], $0x80, $0x38;
	[tilespmem:$0x14FB0] =	vst v63  }
0x1a2: {  	s18 =	sadd.s32 $0xFFFFFFFB, s25  }
0x1a3: {  	s15 =	simm.s32 $0xFF3D7100;
	p4 =	sgt.s32 s18, $0x1869F  }
0x1a4: {  	s15 =	simm.s32 @!p4 $0xC100  }
0x1a5: {  	_ =	swait.ge [sflag:s17], $0x80;
	s15 =	sadd.s32 s15, s14  }
0x1a6: {  	[sflag:s17] =	ssyncset.done $0x0;
	s15 =	sshrl.u32 s15, $0x3  }
0x1a7: {  	s18 =	sadd.s32 $0x100, s13;
	[sflag:s17] =	ssyncadd.s32 $0xFFFFFF80;
	s15 =	sadd.s32 s1, s15  }
0x1a8: {  	[hbm4b:s15+s4] =	stream.linear.scatter [tilespmem:s18], [sflag:$0xC], $0x80, $0x38;
	[tilespmem:$0x14FB0] =	vst v63  }
0x1a9: {  	s18 =	sadd.s32 $0xFFFFFFFC, s25  }
0x1aa: {  	s15 =	simm.s32 $0xFF3D7180;
	p4 =	sgt.s32 s18, $0x1869F  }
0x1ab: {  	s15 =	simm.s32 @!p4 $0xC180  }
0x1ac: {  	_ =	swait.ge [sflag:s17], $0x80;
	s15 =	sadd.s32 s15, s14  }
0x1ad: {  	[sflag:s17] =	ssyncset.done $0x0;
	s15 =	sshrl.u32 s15, $0x3  }
0x1ae: {  	s18 =	sadd.s32 $0x180, s13;
	[sflag:s17] =	ssyncadd.s32 $0xFFFFFF80;
	s15 =	sadd.s32 s1, s15  }
0x1af: {  	[hbm4b:s15+s4] =	stream.linear.scatter [tilespmem:s18], [sflag:$0xC], $0x80, $0x38;
	[tilespmem:$0x14FB0] =	vst v63  }
0x1b0: {  	s18 =	sadd.s32 $0xFFFFFFFD, s25  }
0x1b1: {  	s15 =	simm.s32 $0xFF3D7200;
	p4 =	sgt.s32 s18, $0x1869F  }
0x1b2: {  	s15 =	simm.s32 @!p4 $0xC200  }
0x1b3: {  	_ =	swait.ge [sflag:s17], $0x80;
	s15 =	sadd.s32 s15, s14  }
0x1b4: {  	[sflag:s17] =	ssyncset.done $0x0;
	s15 =	sshrl.u32 s15, $0x3  }
0x1b5: {  	s18 =	sadd.s32 $0x200, s13;
	[sflag:s17] =	ssyncadd.s32 $0xFFFFFF80;
	s15 =	sadd.s32 s1, s15  }
0x1b6: {  	[hbm4b:s15+s4] =	stream.linear.scatter [tilespmem:s18], [sflag:$0xC], $0x80, $0x38;
	[tilespmem:$0x14FB0] =	vst v63  }
0x1b7: {  	s18 =	sadd.s32 $0xFFFFFFFE, s25  }
0x1b8: {  	s15 =	simm.s32 $0xFF3D7280;
	p4 =	sgt.s32 s18, $0x1869F  }
0x1b9: {  	s15 =	simm.s32 @!p4 $0xC280  }
0x1ba: {  	_ =	swait.ge [sflag:s17], $0x80;
	s15 =	sadd.s32 s15, s14  }
0x1bb: {  	[sflag:s17] =	ssyncset.done $0x0;
	s15 =	sshrl.u32 s15, $0x3  }
0x1bc: {  	s18 =	sadd.s32 $0x280, s13;
	[sflag:s17] =	ssyncadd.s32 $0xFFFFFF80;
	s15 =	sadd.s32 s1, s15  }
0x1bd: {  	[hbm4b:s15+s4] =	stream.linear.scatter [tilespmem:s18], [sflag:$0xC], $0x80, $0x38;
	[tilespmem:$0x14FB0] =	vst v63  }
0x1be: {  	s18 =	sadd.s32 $0xFFFFFFFF, s25  }
0x1bf: {  	s15 =	simm.s32 $0xFF3D7300;
	p4 =	sgt.s32 s18, $0x1869F  }
0x1c0: {  	s15 =	simm.s32 @!p4 $0xC300  }
0x1c1: {  	_ =	swait.ge [sflag:s17], $0x80;
	s15 =	sadd.s32 s15, s14  }
0x1c2: {  	[sflag:s17] =	ssyncset.done $0x0;
	s15 =	sshrl.u32 s15, $0x3  }
0x1c3: {  	s18 =	sadd.s32 $0x300, s13;
	[sflag:s17] =	ssyncadd.s32 $0xFFFFFF80;
	s15 =	sadd.s32 s1, s15  }
0x1c4: {  	[hbm4b:s15+s4] =	stream.linear.scatter [tilespmem:s18], [sflag:$0xC], $0x80, $0x38;
	[tilespmem:$0x14FB0] =	vst v63  }
0x1c5: {  	p4 =	sgt.s32 s25, $0x1869F;
	s15 =	simm.s32 $0xFF3D7380  }
0x1c6: {  	s15 =	simm.s32 @!p4 $0xC380  }
0x1c7: {  	_ =	swait.ge [sflag:s17], $0x80;
	s14 =	sadd.s32 s15, s14  }
0x1c8: {  	[sflag:s17] =	ssyncset.done $0x0;
	s14 =	sshrl.u32 s14, $0x3  }
0x1c9: {  	s18 =	sadd.s32 $0x380, s13;
	[sflag:s17] =	ssyncadd.s32 $0xFFFFFF80;
	s14 =	sadd.s32 s1, s14  }
0x1ca: {  	[hbm4b:s14+s4] =	stream.linear.scatter [tilespmem:s18], [sflag:$0xB], $0x80, $0x38;
	[tilespmem:$0x14FB0] =	vst v63  }
0x1cb: {  	_ =	swait.ge [sflag:s30], $0x80  }
0x1cc: {  	[sflag:s30] =	ssyncset.done $0x0  }
0x1cd: {  	[sflag:s30] =	ssyncadd.s32 $0xFFFFFF80  }
.LBB2_24:
0x1ce: {  	s11 =	sadd.s32 $0x400, s11  }
0x1cf: {  	p4 =	sne.s32 s11, $0x4000  }
.Ltmp25:
0x1d0: {  	_ = 	snop;
	(pc) =	sbr.rel @!p4 .LBB2_25-.Ltmp25, $2  }
0x1d1: {  	_ =	sdelay $0x2  }
0x1d2: {  	s13 =	sadd.s32 $0x400, s13;
	s25 =	sadd.s32 $0x8, s25  }
.LBB2_21:
0x1d3: {  	s14 =	sadd.s32 $0xFFFFFFF9, s25  }
0x1d4: {  	s15 =	sadd.s32 $0xFFFE7959, s25;
	p4 =	sgt.s32 s14, $0x1869F  }
0x1d5: {  	s14 =	smov.u32 @p4 s15  }
0x1d6: {  	p4 =	sgt.s32 s14, $0x18698  }
.Ltmp26:
0x1d7: {  	_ = 	snop;
	(pc) =	sbr.rel @p4 .LBB2_23-.Ltmp26, $4  }
0x1d8: {  	_ = 	snop  }
0x1d9: {  	s15 =	sshll.u32 s14, $0x4  }
0x1da: {  	s18 =	sand.u32 $0x1FFFFFF0, s15  }
0x1db: {  	s14 =	sadd.s32 s1, s18  }
.Ltmp27:
0x1dc: {  	(pc) =	sbr.rel .LBB2_24-.Ltmp27, $4  }
0x1dd: {  	[hbm4b:s14+s4] =	stream.linear.scatter [tilespmem:s13], [sflag:$0xC], $0x400, $0x38;
	[tilespmem:$0x14FB0] =	vst v63  }
0x1de: {  	_ =	swait.ge [sflag:s17], $0x400  }
0x1df: {  	[sflag:s17] =	ssyncset.done $0x0  }
0x1e0: {  	[sflag:s17] =	ssyncadd.s32 $0xFFFFFC00  }
.LBB2_30:
.Ltmp28:
0x1e1: {  	(pc) =	sbr.rel .LBB2_32-.Ltmp28, $2  }
0x1e2: {  	_ =	sdelay $0x2  }
0x1e3: {  	s14 =	smov.u32 s9  }
.LBB2_35:
0x1e4: {  	_ =	sfence.sel $0x180000  }
0x1e5: {  	[bflag:$0x0] =	sbarrier.arrive $0xFFFF  }
0x1e6: {  	_ =	strace $0x90000047  }
0x1e7: {  	s0 =	stileid.u32;
	[bflag:$0x2] =	sbarrier.arrive $0xFFFF  }
0x1e8: {  	p0 =	sne.s32 s0, $0x0;
	s0 =	rddreg [dreg:$0x6]  }
0x1e9: {  	s0 =	sadd.s32 @!p0 $0x100000, s0  }
0x1ea: {  	[sflag:s0] =	ssyncadd.tile.s32 @!p0 $0x1;
	_ =	shalt  }
.Lfunc_end2:
_tile_overlayer_lowered:
.L_overlay_start_2:
0x1eb: {  	(tag) =	ssettag $0x2  }
0x1ec: {  	s0 =	rddreg [dreg:$0x0];
	s2 =	stileid.u32  }
0x1ed: {  	s1 =	rddreg [dreg:$0x1];
	p0 =	sne.s32 s2, $0x0  }
0x1ee: {  	s3 =	rddreg [dreg:$0x2];
	[bflag:$0x3] =	sbarrier.arrive $0xFFFF;
	s2 =	simm.s32 @!p0 $0x1C0B  }
0x1ef: {  	[timem:s3], [sflag:s2] =	dma.local @!p0 [hbm:s0], s1  }
0x1f0: {  	s0 =	simm.s32 @!p0 $0xB  }
0x1f1: {  	_ =	swait.ge @!p0 [sflag:s0], s1  }
0x1f2: {  	s1 =	ssub.s32 @!p0 $0x0, s1;
	[sflag:s0] =	ssyncset.done @!p0 $0x0  }
0x1f3: {  	[sflag:s0] =	ssyncadd.s32 @!p0 s1  }
0x1f4: {  	[bflag:$0x3] =	sbarrier.arrive $0xFFFF  }
0x1f5: {  	_ =	shalt  }

</sc_bundles>
